<compile_context>
chip_gen: v7x
topology: tpu7x:2x2x1
jax: 0.10.2.dev20260603
libtpu: 0.0.44.dev20260713+nightly
codegen_flags: <defaults>
</compile_context>

<pallas_src>
import functools

import jax
import jax.numpy as jnp
from jax import lax
from jax.experimental import pallas as pl
from jax.experimental.pallas import tpu as pltpu
from jax.experimental.pallas import tpu_sc as plsc

_N = 10000
_E = 320000
_D = 128
_G = 64

_NC = 2
_NS = 16
_L = 16
_NW = _NC * _NS

_EW = _E // _NW
_C = 80
_NCHUNK = _EW // _C
_NP = 10240
_ROWS_PER_SUB = _NP // _NS
_N_STAGE = _ROWS_PER_SUB // _C


def _make_sc_agg(d):
    mesh = plsc.VectorSubcoreMesh(core_axis_name="c", subcore_axis_name="s")

    @functools.partial(
        pl.kernel,
        mesh=mesh,
        out_type=jax.ShapeDtypeStruct((_NC, _NP, d), jnp.float32),
        scratch_types=(
            [pltpu.VMEM((_C,), jnp.int32)] * 8
            + [pltpu.VMEM((_C, d), jnp.float32)] * 4
            + [pltpu.VMEM_SHARED((_NP, d), jnp.float32)]
            + [pltpu.SemaphoreType.DMA] * 13
        ),
    )
    def agg(x_hbm, src_hbm, dst_hbm, out_hbm,
            si0, si1, si2, si3, di0, di1, di2, di3,
            b0, b1, b2, b3, acc_sh,
            sg0, sg1, sg2, sg3, ss0, ss1, ss2, ss3,
            sd0, sd1, sd2, sd3, semz):
        sidxs = (si0, si1, si2, si3)
        didxs = (di0, di1, di2, di3)
        bufs = (b0, b1, b2, b3)
        semgs = (sg0, sg1, sg2, sg3)
        semss = (ss0, ss1, ss2, ss3)
        semds = (sd0, sd1, sd2, sd3)
        cid = lax.axis_index("c")
        sid = lax.axis_index("s")
        wid = cid * _NS + sid
        row0 = sid * _ROWS_PER_SUB
        ebase = wid * _EW
        buf0 = bufs[0]

        def zrow(r, carry):
            for c8 in range(d // _L):
                buf0[r, pl.ds(c8 * _L, _L)] = jnp.zeros((_L,), jnp.float32)
            return carry

        lax.fori_loop(0, _C, zrow, 0)

        def zcopy(j, carry):
            pltpu.async_copy(buf0, acc_sh.at[pl.ds(row0 + j * _C, _C)], semz)
            return carry

        lax.fori_loop(0, _N_STAGE, zcopy, 0)

        def zdrain(j, carry):
            pltpu.make_async_copy(
                buf0, acc_sh.at[pl.ds(row0, _C)], semz).wait()
            return carry

        n_quads = _NCHUNK // 4

        def gather(b):
            pltpu.async_copy(x_hbm.at[sidxs[b]], bufs[b], semgs[b])

        def wait_gather(b):
            pltpu.make_async_copy(
                x_hbm.at[pl.ds(0, _C)], bufs[b], semgs[b]).wait()

        def fetch_sidx(p, b):
            pltpu.async_copy(
                src_hbm.at[pl.ds(ebase + p * _C, _C)], sidxs[b], semss[b])

        def wait_sidx(b):
            pltpu.make_async_copy(
                src_hbm.at[pl.ds(0, _C)], sidxs[b], semss[b]).wait()

        def fetch_didx(p, b):
            pltpu.async_copy(
                dst_hbm.at[pl.ds(ebase + p * _C, _C)], didxs[b], semds[b])

        def wait_didx(b):
            pltpu.make_async_copy(
                dst_hbm.at[pl.ds(0, _C)], didxs[b], semds[b]).wait()

        for j in range(4):
            fetch_sidx(j, j)
            fetch_didx(j, j)

        lax.fori_loop(0, _N_STAGE, zdrain, 0)
        plsc.subcore_barrier()

        for j in range(4):
            wait_sidx(j)
            gather(j)

        def body(k, carry):
            p0 = 4 * k
            for j in range(4):
                wait_gather(j)

                def prefetch(jj=j, pp=p0):
                    fetch_sidx(pp + jj + 4, jj)
                    return None

                def refill(jj=j, pp=p0):
                    fetch_didx(pp + jj + 4, jj)
                    wait_sidx(jj)
                    gather(jj)
                    return None

                if j == 0:
                    prefetch()
                else:
                    pl.when(k < n_quads - 1)(prefetch)
                wait_didx(j)
                pltpu.sync_copy(bufs[j], acc_sh.at[didxs[j]], add=True)
                if j == 0:
                    refill()
                else:
                    pl.when(k < n_quads - 1)(refill)
            return carry

        lax.fori_loop(0, n_quads, body, 0)
        wait_gather(0)
        wait_didx(0)
        pltpu.sync_copy(bufs[0], acc_sh.at[didxs[0]], add=True)
        plsc.subcore_barrier()

        def out_body(q, carry):
            for b in range(2):
                r = row0 + (2 * q + b) * _C
                pltpu.sync_copy(acc_sh.at[pl.ds(r, _C)], bufs[b])
                pltpu.async_copy(bufs[b], out_hbm.at[cid, pl.ds(r, _C)], semgs[b])
            for b in range(2):
                r = row0 + (2 * q + b) * _C
                pltpu.make_async_copy(
                    bufs[b], out_hbm.at[cid, pl.ds(r, _C)], semgs[b]).wait()
            return carry

        lax.fori_loop(0, _N_STAGE // 2, out_body, 0)

    return agg


_sc_agg = _make_sc_agg(_D)


def _mlp(x, Wa, ba, g, be, Wb, bb):
    h = jnp.dot(x, Wa, preferred_element_type=jnp.float32) + ba
    m = jnp.mean(h, axis=0, keepdims=True)
    v = jnp.mean((h - m) ** 2, axis=0, keepdims=True)
    h = (h - m) * lax.rsqrt(v + 1e-5) * g + be
    h = jnp.maximum(h, 0.0)
    h = jnp.dot(h, Wb, preferred_element_type=jnp.float32) + bb
    return jnp.maximum(h, 0.0)


def _mlp_kernel(x_ref, agg_ref, Wa_ref, ba_ref, g_ref, be_ref, Wb_ref,
                bb_ref, out_ref):
    x = x_ref[...] + agg_ref[0, :_N, :] + agg_ref[1, :_N, :]
    out_ref[...] = _mlp(x, Wa_ref[...], ba_ref[...], g_ref[...],
                        be_ref[...], Wb_ref[...], bb_ref[...])


def _mlp_pool_kernel(x_ref, agg_ref, batch_ref, Wa_ref, ba_ref, g_ref,
                     be_ref, Wb_ref, bb_ref, Wl_ref, bl_ref, out_ref):
    x = x_ref[...] + agg_ref[0, :_N, :] + agg_ref[1, :_N, :]
    h = _mlp(x, Wa_ref[...], ba_ref[...], g_ref[...], be_ref[...],
             Wb_ref[...], bb_ref[...])
    onehot = (batch_ref[...] ==
              lax.broadcasted_iota(jnp.int32, (_G, _N), 0)).astype(jnp.float32)
    pooled = jnp.dot(onehot, h, preferred_element_type=jnp.float32)
    out_ref[...] = (jnp.dot(pooled, Wl_ref[...],
                            preferred_element_type=jnp.float32) + bl_ref[...])


def kernel(x, edge_index, batch, W1a, b1a, g1, be1, W1b, b1b,
           W2a, b2a, g2, be2, W2b, b2b, Wl, bl):
    src = edge_index[0]
    dst = edge_index[1]

    agg1 = _sc_agg(x, src, dst)
    h1 = pl.pallas_call(
        _mlp_kernel,
        out_shape=jax.ShapeDtypeStruct((_N, _D), jnp.float32),
    )(x, agg1, W1a, b1a.reshape(1, -1), g1.reshape(1, -1),
      be1.reshape(1, -1), W1b, b1b.reshape(1, -1))

    agg2 = _sc_agg(h1, src, dst)
    out = pl.pallas_call(
        _mlp_pool_kernel,
        out_shape=jax.ShapeDtypeStruct((_G, 1), jnp.float32),
    )(h1, agg2, batch.reshape(1, -1), W2a, b2a.reshape(1, -1),
      g2.reshape(1, -1), be2.reshape(1, -1), W2b, b2b.reshape(1, -1),
      Wl, bl.reshape(1, -1))
    return out

# --- scband reference (transcript-rebuilt; emitter-appended) ---
"""Pipeline reference for scband-ginmodel-83820581749192 (READ-ONLY COPY).

The authoritative reference and input builder live on the scoring server;
editing this copy changes nothing except your own understanding.
"""

import jax, jax.numpy as jnp
import numpy as np

N = 10000
E = 320000
D = 128
H = 128
T = 1
G = 64


def setup_inputs(seed: int = 0) -> dict:
    key = jax.random.key(seed)
    ks = jax.random.split(key, 20)
    x = jax.random.normal(ks[0], (N, D), dtype=jnp.float32)
    edge_index = jax.random.randint(ks[1], (2, E), 0, N, dtype=jnp.int32)
    batch = jnp.sort(jax.random.randint(ks[2], (N,), 0, G, dtype=jnp.int32))
    s = 1.0 / np.sqrt(D)
    sh = 1.0 / np.sqrt(H)
    inp = {
        "x": x,
        "edge_index": edge_index,
        "batch": batch,
        # conv1 MLP: Linear(D,H) -> BN(H) -> ReLU -> Linear(H,H)
        "W1a": jax.random.uniform(ks[3], (D, H), jnp.float32, -s, s),
        "b1a": jax.random.uniform(ks[4], (H,), jnp.float32, -s, s),
        "g1": jnp.ones((H,), jnp.float32),
        "be1": jnp.zeros((H,), jnp.float32),
        "W1b": jax.random.uniform(ks[5], (H, H), jnp.float32, -sh, sh),
        "b1b": jax.random.uniform(ks[6], (H,), jnp.float32, -sh, sh),
        # conv2 MLP: Linear(H,H) -> BN(H) -> ReLU -> Linear(H,H)
        "W2a": jax.random.uniform(ks[7], (H, H), jnp.float32, -sh, sh),
        "b2a": jax.random.uniform(ks[8], (H,), jnp.float32, -sh, sh),
        "g2": jnp.ones((H,), jnp.float32),
        "be2": jnp.zeros((H,), jnp.float32),
        "W2b": jax.random.uniform(ks[9], (H, H), jnp.float32, -sh, sh),
        "b2b": jax.random.uniform(ks[10], (H,), jnp.float32, -sh, sh),
        # final linear Linear(H, T)
        "Wl": jax.random.uniform(ks[11], (H, T), jnp.float32, -sh, sh),
        "bl": jax.random.uniform(ks[12], (T,), jnp.float32, -sh, sh),
    }
    return inp


def _bn_train(h, gamma, beta, eps=1e-5):
    mean = jnp.mean(h, axis=0)
    var = jnp.var(h, axis=0)
    return (h - mean) / jnp.sqrt(var + eps) * gamma + beta


def _gin_conv(x, edge_index, Wa, ba, g, be, Wb, bb):
    src = edge_index[0]
    dst = edge_index[1]
    # sum aggregation of neighbor messages (flow: source -> target)
    agg = jax.ops.segment_sum(x[src], dst, num_segments=N)
    h = (1.0 + 0.0) * x + agg  # eps = 0 (GINConv default)
    h = h @ Wa + ba
    h = _bn_train(h, g, be)
    h = jax.nn.relu(h)
    h = h @ Wb + bb
    return h


def reference(x, edge_index, batch, W1a, b1a, g1, be1, W1b, b1b,
              W2a, b2a, g2, be2, W2b, b2b, Wl, bl):
    h = _gin_conv(x, edge_index, W1a, b1a, g1, be1, W1b, b1b)
    h = jax.nn.relu(h)
    h = _gin_conv(h, edge_index, W2a, b2a, g2, be2, W2b, b2b)
    h = jax.nn.relu(h)
    pooled = jax.ops.segment_sum(h, batch, num_segments=G)  # global_add_pool
    out = pooled @ Wl + bl
    return out

if __name__ == "__main__":
    import jax
    _d = setup_inputs()
    print(jax.jit(kernel)(*tuple(_d.values())))

</pallas_src>

<mosaic_0001>
#map = affine_map<(d0, d1) -> (0, 0)>
#map1 = affine_map<(d0, d1) -> (0)>
#map2 = affine_map<(d0, d1) -> (0, 0, 0)>
module attributes {stable_mosaic.version = 14 : i64} {
  func.func @agg(%arg0: i32, %arg1: i32, %arg2: memref<10000x128xf32, #tpu.memory_space<hbm>>, %arg3: memref<320000xi32, #tpu.memory_space<hbm>>, %arg4: memref<320000xi32, #tpu.memory_space<hbm>>, %arg5: memref<2x10240x128xf32, #tpu.memory_space<hbm>>, %arg6: memref<80xi32, #tpu.memory_space<vmem>>, %arg7: memref<80xi32, #tpu.memory_space<vmem>>, %arg8: memref<80xi32, #tpu.memory_space<vmem>>, %arg9: memref<80xi32, #tpu.memory_space<vmem>>, %arg10: memref<80xi32, #tpu.memory_space<vmem>>, %arg11: memref<80xi32, #tpu.memory_space<vmem>>, %arg12: memref<80xi32, #tpu.memory_space<vmem>>, %arg13: memref<80xi32, #tpu.memory_space<vmem>>, %arg14: memref<80x128xf32, #tpu.memory_space<vmem>>, %arg15: memref<80x128xf32, #tpu.memory_space<vmem>>, %arg16: memref<80x128xf32, #tpu.memory_space<vmem>>, %arg17: memref<80x128xf32, #tpu.memory_space<vmem>>, %arg18: memref<10240x128xf32, #tpu.memory_space<vmem_shared>>, %arg19: memref<!tpu.dma_semaphore, #tpu.memory_space<semaphore_mem>>, %arg20: memref<!tpu.dma_semaphore, #tpu.memory_space<semaphore_mem>>, %arg21: memref<!tpu.dma_semaphore, #tpu.memory_space<semaphore_mem>>, %arg22: memref<!tpu.dma_semaphore, #tpu.memory_space<semaphore_mem>>, %arg23: memref<!tpu.dma_semaphore, #tpu.memory_space<semaphore_mem>>, %arg24: memref<!tpu.dma_semaphore, #tpu.memory_space<semaphore_mem>>, %arg25: memref<!tpu.dma_semaphore, #tpu.memory_space<semaphore_mem>>, %arg26: memref<!tpu.dma_semaphore, #tpu.memory_space<semaphore_mem>>, %arg27: memref<!tpu.dma_semaphore, #tpu.memory_space<semaphore_mem>>, %arg28: memref<!tpu.dma_semaphore, #tpu.memory_space<semaphore_mem>>, %arg29: memref<!tpu.dma_semaphore, #tpu.memory_space<semaphore_mem>>, %arg30: memref<!tpu.dma_semaphore, #tpu.memory_space<semaphore_mem>>, %arg31: memref<!tpu.dma_semaphore, #tpu.memory_space<semaphore_mem>>) attributes {dimension_semantics = [#tpu.dimension_semantics<core_parallel>, #tpu.dimension_semantics<subcore_parallel>], iteration_bounds = array<i64: 2, 16>, scalar_prefetch = 0 : i64, scratch_operands = 26 : i64, tpu.core_type = #tpu.core_type<sc_vector_subcore>, window_params = [{transform_indices = #map}, {transform_indices = #map1}, {transform_indices = #map1}, {transform_indices = #map2}]} {
    %mul3A = arith.constant 16 : i32
    %mul3A_0 = arith.muli %arg0, %mul3A : i32
    %add3A = arith.addi %mul3A_0, %arg1 : i32
    %mul3A_1 = arith.constant 640 : i32
    %mul3A_2 = arith.muli %arg1, %mul3A_1 : i32
    %mul3A_3 = arith.constant 10000 : i32
    %mul3A_4 = arith.muli %add3A, %mul3A_3 : i32
    %scan3A = arith.constant 0 : i32
    %scan3A_5 = arith.constant 0 : i32
    %scan3A_6 = arith.constant 80 : i32
    %scan3A_7 = arith.addi %scan3A_5, %scan3A_6 : i32
    %scan3A_8 = arith.constant 1 : i32
    scf.for %scan3A_103 = %scan3A_5 to %scan3A_7 step %scan3A_8  : i32 {
      %broadcast_in_dim3A = arith.constant 0.000000e+00 : f32
      %broadcast_in_dim3A_104 = vector.broadcast %broadcast_in_dim3A : f32 to vector<16xf32>
      %swap3A = arith.index_cast %scan3A_103 : i32 to index
      %swap3A_105 = arith.constant 0 : index
      %swap3A_106 = tpu.vector_load %arg14[%swap3A, %swap3A_105] {strides = array<i32>} : memref<80x128xf32, #tpu.memory_space<vmem>>, vector<1x16xf32>,
      %swap3A_107 = vector.shape_cast %swap3A_106 : vector<1x16xf32> to vector<16xf32>
      %swap3A_108 = vector.shape_cast %broadcast_in_dim3A_104 : vector<16xf32> to vector<1x16xf32>
      tpu.vector_store %arg14[%swap3A, %swap3A_105], %swap3A_108 {strides = array<i32>} : memref<80x128xf32, #tpu.memory_space<vmem>>, vector<1x16xf32>,
      %broadcast_in_dim3A_109 = arith.constant 0.000000e+00 : f32
      %broadcast_in_dim3A_110 = vector.broadcast %broadcast_in_dim3A_109 : f32 to vector<16xf32>
      %swap3A_111 = arith.index_cast %scan3A_103 : i32 to index
      %swap3A_112 = arith.constant 16 : index
      %swap3A_113 = tpu.vector_load %arg14[%swap3A_111, %swap3A_112] {strides = array<i32>} : memref<80x128xf32, #tpu.memory_space<vmem>>, vector<1x16xf32>,
      %swap3A_114 = vector.shape_cast %swap3A_113 : vector<1x16xf32> to vector<16xf32>
      %swap3A_115 = vector.shape_cast %broadcast_in_dim3A_110 : vector<16xf32> to vector<1x16xf32>
      tpu.vector_store %arg14[%swap3A_111, %swap3A_112], %swap3A_115 {strides = array<i32>} : memref<80x128xf32, #tpu.memory_space<vmem>>, vector<1x16xf32>,
      %broadcast_in_dim3A_116 = arith.constant 0.000000e+00 : f32
      %broadcast_in_dim3A_117 = vector.broadcast %broadcast_in_dim3A_116 : f32 to vector<16xf32>
      %swap3A_118 = arith.index_cast %scan3A_103 : i32 to index
      %swap3A_119 = arith.constant 32 : index
      %swap3A_120 = tpu.vector_load %arg14[%swap3A_118, %swap3A_119] {strides = array<i32>} : memref<80x128xf32, #tpu.memory_space<vmem>>, vector<1x16xf32>,
      %swap3A_121 = vector.shape_cast %swap3A_120 : vector<1x16xf32> to vector<16xf32>
      %swap3A_122 = vector.shape_cast %broadcast_in_dim3A_117 : vector<16xf32> to vector<1x16xf32>
      tpu.vector_store %arg14[%swap3A_118, %swap3A_119], %swap3A_122 {strides = array<i32>} : memref<80x128xf32, #tpu.memory_space<vmem>>, vector<1x16xf32>,
      %broadcast_in_dim3A_123 = arith.constant 0.000000e+00 : f32
      %broadcast_in_dim3A_124 = vector.broadcast %broadcast_in_dim3A_123 : f32 to vector<16xf32>
      %swap3A_125 = arith.index_cast %scan3A_103 : i32 to index
      %swap3A_126 = arith.constant 48 : index
      %swap3A_127 = tpu.vector_load %arg14[%swap3A_125, %swap3A_126] {strides = array<i32>} : memref<80x128xf32, #tpu.memory_space<vmem>>, vector<1x16xf32>,
      %swap3A_128 = vector.shape_cast %swap3A_127 : vector<1x16xf32> to vector<16xf32>
      %swap3A_129 = vector.shape_cast %broadcast_in_dim3A_124 : vector<16xf32> to vector<1x16xf32>
      tpu.vector_store %arg14[%swap3A_125, %swap3A_126], %swap3A_129 {strides = array<i32>} : memref<80x128xf32, #tpu.memory_space<vmem>>, vector<1x16xf32>,
      %broadcast_in_dim3A_130 = arith.constant 0.000000e+00 : f32
      %broadcast_in_dim3A_131 = vector.broadcast %broadcast_in_dim3A_130 : f32 to vector<16xf32>
      %swap3A_132 = arith.index_cast %scan3A_103 : i32 to index
      %swap3A_133 = arith.constant 64 : index
      %swap3A_134 = tpu.vector_load %arg14[%swap3A_132, %swap3A_133] {strides = array<i32>} : memref<80x128xf32, #tpu.memory_space<vmem>>, vector<1x16xf32>,
      %swap3A_135 = vector.shape_cast %swap3A_134 : vector<1x16xf32> to vector<16xf32>
      %swap3A_136 = vector.shape_cast %broadcast_in_dim3A_131 : vector<16xf32> to vector<1x16xf32>
      tpu.vector_store %arg14[%swap3A_132, %swap3A_133], %swap3A_136 {strides = array<i32>} : memref<80x128xf32, #tpu.memory_space<vmem>>, vector<1x16xf32>,
      %broadcast_in_dim3A_137 = arith.constant 0.000000e+00 : f32
      %broadcast_in_dim3A_138 = vector.broadcast %broadcast_in_dim3A_137 : f32 to vector<16xf32>
      %swap3A_139 = arith.index_cast %scan3A_103 : i32 to index
      %swap3A_140 = arith.constant 80 : index
      %swap3A_141 = tpu.vector_load %arg14[%swap3A_139, %swap3A_140] {strides = array<i32>} : memref<80x128xf32, #tpu.memory_space<vmem>>, vector<1x16xf32>,
      %swap3A_142 = vector.shape_cast %swap3A_141 : vector<1x16xf32> to vector<16xf32>
      %swap3A_143 = vector.shape_cast %broadcast_in_dim3A_138 : vector<16xf32> to vector<1x16xf32>
      tpu.vector_store %arg14[%swap3A_139, %swap3A_140], %swap3A_143 {strides = array<i32>} : memref<80x128xf32, #tpu.memory_space<vmem>>, vector<1x16xf32>,
      %broadcast_in_dim3A_144 = arith.constant 0.000000e+00 : f32
      %broadcast_in_dim3A_145 = vector.broadcast %broadcast_in_dim3A_144 : f32 to vector<16xf32>
      %swap3A_146 = arith.index_cast %scan3A_103 : i32 to index
      %swap3A_147 = arith.constant 96 : index
      %swap3A_148 = tpu.vector_load %arg14[%swap3A_146, %swap3A_147] {strides = array<i32>} : memref<80x128xf32, #tpu.memory_space<vmem>>, vector<1x16xf32>,
      %swap3A_149 = vector.shape_cast %swap3A_148 : vector<1x16xf32> to vector<16xf32>
      %swap3A_150 = vector.shape_cast %broadcast_in_dim3A_145 : vector<16xf32> to vector<1x16xf32>
      tpu.vector_store %arg14[%swap3A_146, %swap3A_147], %swap3A_150 {strides = array<i32>} : memref<80x128xf32, #tpu.memory_space<vmem>>, vector<1x16xf32>,
      %broadcast_in_dim3A_151 = arith.constant 0.000000e+00 : f32
      %broadcast_in_dim3A_152 = vector.broadcast %broadcast_in_dim3A_151 : f32 to vector<16xf32>
      %swap3A_153 = arith.index_cast %scan3A_103 : i32 to index
      %swap3A_154 = arith.constant 112 : index
      %swap3A_155 = tpu.vector_load %arg14[%swap3A_153, %swap3A_154] {strides = array<i32>} : memref<80x128xf32, #tpu.memory_space<vmem>>, vector<1x16xf32>,
      %swap3A_156 = vector.shape_cast %swap3A_155 : vector<1x16xf32> to vector<16xf32>
      %swap3A_157 = vector.shape_cast %broadcast_in_dim3A_152 : vector<16xf32> to vector<1x16xf32>
      tpu.vector_store %arg14[%swap3A_153, %swap3A_154], %swap3A_157 {strides = array<i32>} : memref<80x128xf32, #tpu.memory_space<vmem>>, vector<1x16xf32>,
    }
    %scan3A_9 = arith.constant 80 : i32
    %scan3A_10 = arith.constant 0 : i32
    %scan3A_11 = arith.constant 0 : i32
    %scan3A_12 = arith.constant 8 : i32
    %scan3A_13 = arith.addi %scan3A_11, %scan3A_12 : i32
    %scan3A_14 = arith.constant 1 : i32
    scf.for %scan3A_103 = %scan3A_11 to %scan3A_13 step %scan3A_14  : i32 {
      %mul3A_104 = arith.constant 80 : i32
      %mul3A_105 = arith.muli %scan3A_103, %mul3A_104 : i32
      %add3A_106 = arith.addi %mul3A_2, %mul3A_105 : i32
      %dma_start3A_107 = arith.constant 0 : i32
      %dma_start3A_108 = tpu.memref_slice %arg18[%add3A_106, %dma_start3A_107] : memref<10240x128xf32, #tpu.memory_space<vmem_shared>> -> memref<80x128xf32, #tpu.memory_space<vmem_shared>>
      %dma_start3A_109 = arith.constant 0 : i32
      %dma_start3A_110 = tpu.memref_slice %arg18[%add3A_106, %dma_start3A_109] : memref<10240x128xf32, #tpu.memory_space<vmem_shared>> -> memref<80x128xf32, #tpu.memory_space<vmem_shared>>
      tpu.enqueue_dma source(%arg14 : memref<80x128xf32, #tpu.memory_space<vmem>>) target(%dma_start3A_110 : memref<80x128xf32, #tpu.memory_space<vmem_shared>>) target_semaphore(%arg31 : memref<!tpu.dma_semaphore, #tpu.memory_space<semaphore_mem>>)
    }
    %scan3A_15 = arith.constant 8 : i32
    %add3A_16 = arith.constant 0 : i32
    %add3A_17 = arith.addi %mul3A_4, %add3A_16 : i32
    %dma_start3A = tpu.memref_slice %arg3[%add3A_17] : memref<320000xi32, #tpu.memory_space<hbm>> -> memref<80xi32, #tpu.memory_space<hbm>>
    %dma_start3A_18 = tpu.memref_slice %arg3[%add3A_17] : memref<320000xi32, #tpu.memory_space<hbm>> -> memref<80xi32, #tpu.memory_space<hbm>>
    tpu.enqueue_dma source(%dma_start3A_18 : memref<80xi32, #tpu.memory_space<hbm>>) target(%arg6 : memref<80xi32, #tpu.memory_space<vmem>>) target_semaphore(%arg23 : memref<!tpu.dma_semaphore, #tpu.memory_space<semaphore_mem>>)
    %add3A_19 = arith.constant 0 : i32
    %add3A_20 = arith.addi %mul3A_4, %add3A_19 : i32
    %dma_start3A_21 = tpu.memref_slice %arg4[%add3A_20] : memref<320000xi32, #tpu.memory_space<hbm>> -> memref<80xi32, #tpu.memory_space<hbm>>
    %dma_start3A_22 = tpu.memref_slice %arg4[%add3A_20] : memref<320000xi32, #tpu.memory_space<hbm>> -> memref<80xi32, #tpu.memory_space<hbm>>
    tpu.enqueue_dma source(%dma_start3A_22 : memref<80xi32, #tpu.memory_space<hbm>>) target(%arg10 : memref<80xi32, #tpu.memory_space<vmem>>) target_semaphore(%arg27 : memref<!tpu.dma_semaphore, #tpu.memory_space<semaphore_mem>>)
    %add3A_23 = arith.constant 80 : i32
    %add3A_24 = arith.addi %mul3A_4, %add3A_23 : i32
    %dma_start3A_25 = tpu.memref_slice %arg3[%add3A_24] : memref<320000xi32, #tpu.memory_space<hbm>> -> memref<80xi32, #tpu.memory_space<hbm>>
    %dma_start3A_26 = tpu.memref_slice %arg3[%add3A_24] : memref<320000xi32, #tpu.memory_space<hbm>> -> memref<80xi32, #tpu.memory_space<hbm>>
    tpu.enqueue_dma source(%dma_start3A_26 : memref<80xi32, #tpu.memory_space<hbm>>) target(%arg7 : memref<80xi32, #tpu.memory_space<vmem>>) target_semaphore(%arg24 : memref<!tpu.dma_semaphore, #tpu.memory_space<semaphore_mem>>)
    %add3A_27 = arith.constant 80 : i32
    %add3A_28 = arith.addi %mul3A_4, %add3A_27 : i32
    %dma_start3A_29 = tpu.memref_slice %arg4[%add3A_28] : memref<320000xi32, #tpu.memory_space<hbm>> -> memref<80xi32, #tpu.memory_space<hbm>>
    %dma_start3A_30 = tpu.memref_slice %arg4[%add3A_28] : memref<320000xi32, #tpu.memory_space<hbm>> -> memref<80xi32, #tpu.memory_space<hbm>>
    tpu.enqueue_dma source(%dma_start3A_30 : memref<80xi32, #tpu.memory_space<hbm>>) target(%arg11 : memref<80xi32, #tpu.memory_space<vmem>>) target_semaphore(%arg28 : memref<!tpu.dma_semaphore, #tpu.memory_space<semaphore_mem>>)
    %add3A_31 = arith.constant 160 : i32
    %add3A_32 = arith.addi %mul3A_4, %add3A_31 : i32
    %dma_start3A_33 = tpu.memref_slice %arg3[%add3A_32] : memref<320000xi32, #tpu.memory_space<hbm>> -> memref<80xi32, #tpu.memory_space<hbm>>
    %dma_start3A_34 = tpu.memref_slice %arg3[%add3A_32] : memref<320000xi32, #tpu.memory_space<hbm>> -> memref<80xi32, #tpu.memory_space<hbm>>
    tpu.enqueue_dma source(%dma_start3A_34 : memref<80xi32, #tpu.memory_space<hbm>>) target(%arg8 : memref<80xi32, #tpu.memory_space<vmem>>) target_semaphore(%arg25 : memref<!tpu.dma_semaphore, #tpu.memory_space<semaphore_mem>>)
    %add3A_35 = arith.constant 160 : i32
    %add3A_36 = arith.addi %mul3A_4, %add3A_35 : i32
    %dma_start3A_37 = tpu.memref_slice %arg4[%add3A_36] : memref<320000xi32, #tpu.memory_space<hbm>> -> memref<80xi32, #tpu.memory_space<hbm>>
    %dma_start3A_38 = tpu.memref_slice %arg4[%add3A_36] : memref<320000xi32, #tpu.memory_space<hbm>> -> memref<80xi32, #tpu.memory_space<hbm>>
    tpu.enqueue_dma source(%dma_start3A_38 : memref<80xi32, #tpu.memory_space<hbm>>) target(%arg12 : memref<80xi32, #tpu.memory_space<vmem>>) target_semaphore(%arg29 : memref<!tpu.dma_semaphore, #tpu.memory_space<semaphore_mem>>)
    %add3A_39 = arith.constant 240 : i32
    %add3A_40 = arith.addi %mul3A_4, %add3A_39 : i32
    %dma_start3A_41 = tpu.memref_slice %arg3[%add3A_40] : memref<320000xi32, #tpu.memory_space<hbm>> -> memref<80xi32, #tpu.memory_space<hbm>>
    %dma_start3A_42 = tpu.memref_slice %arg3[%add3A_40] : memref<320000xi32, #tpu.memory_space<hbm>> -> memref<80xi32, #tpu.memory_space<hbm>>
    tpu.enqueue_dma source(%dma_start3A_42 : memref<80xi32, #tpu.memory_space<hbm>>) target(%arg9 : memref<80xi32, #tpu.memory_space<vmem>>) target_semaphore(%arg26 : memref<!tpu.dma_semaphore, #tpu.memory_space<semaphore_mem>>)
    %add3A_43 = arith.constant 240 : i32
    %add3A_44 = arith.addi %mul3A_4, %add3A_43 : i32
    %dma_start3A_45 = tpu.memref_slice %arg4[%add3A_44] : memref<320000xi32, #tpu.memory_space<hbm>> -> memref<80xi32, #tpu.memory_space<hbm>>
    %dma_start3A_46 = tpu.memref_slice %arg4[%add3A_44] : memref<320000xi32, #tpu.memory_space<hbm>> -> memref<80xi32, #tpu.memory_space<hbm>>
    tpu.enqueue_dma source(%dma_start3A_46 : memref<80xi32, #tpu.memory_space<hbm>>) target(%arg13 : memref<80xi32, #tpu.memory_space<vmem>>) target_semaphore(%arg30 : memref<!tpu.dma_semaphore, #tpu.memory_space<semaphore_mem>>)
    %scan3A_47 = arith.constant 0 : i32
    %scan3A_48 = arith.constant 0 : i32
    %scan3A_49 = arith.constant 8 : i32
    %scan3A_50 = arith.addi %scan3A_48, %scan3A_49 : i32
    %scan3A_51 = arith.constant 1 : i32
    scf.for %scan3A_103 = %scan3A_48 to %scan3A_50 step %scan3A_51  : i32 {
      %dma_wait3A_104 = arith.constant 0 : i32
      %dma_wait3A_105 = tpu.memref_slice %arg18[%mul3A_2, %dma_wait3A_104] : memref<10240x128xf32, #tpu.memory_space<vmem_shared>> -> memref<80x128xf32, #tpu.memory_space<vmem_shared>>
      %dma_wait3A_106 = arith.constant 0 : i32
      %dma_wait3A_107 = tpu.memref_slice %arg18[%mul3A_2, %dma_wait3A_106] : memref<10240x128xf32, #tpu.memory_space<vmem_shared>> -> memref<80x128xf32, #tpu.memory_space<vmem_shared>>
      tpu.wait_dma2 semaphore(%arg31 : memref<!tpu.dma_semaphore, #tpu.memory_space<semaphore_mem>>) src(%arg14 : memref<80x128xf32, #tpu.memory_space<vmem>>) dst(%dma_wait3A_107 : memref<80x128xf32, #tpu.memory_space<vmem_shared>>)
    }
    %scan3A_52 = arith.constant 8 : i32
    %barrier3A = arith.constant 0 : index
    tpu.barrier barrier_id(%barrier3A)
    %dma_wait3A = arith.constant 0 : i32
    %dma_wait3A_53 = tpu.memref_slice %arg3[%dma_wait3A] : memref<320000xi32, #tpu.memory_space<hbm>> -> memref<80xi32, #tpu.memory_space<hbm>>
    %dma_wait3A_54 = arith.constant 0 : i32
    %dma_wait3A_55 = tpu.memref_slice %arg3[%dma_wait3A_54] : memref<320000xi32, #tpu.memory_space<hbm>> -> memref<80xi32, #tpu.memory_space<hbm>>
    tpu.wait_dma2 semaphore(%arg23 : memref<!tpu.dma_semaphore, #tpu.memory_space<semaphore_mem>>) src(%dma_wait3A_55 : memref<80xi32, #tpu.memory_space<hbm>>) dst(%arg6 : memref<80xi32, #tpu.memory_space<vmem>>)
    %dma_start3A_56 = arith.constant 0 : i32
    %dma_start3A_57 = arith.constant 0 : i32
    %dma_start3A_58 = tpu.memref_slice %arg2[%dma_start3A_56, %dma_start3A_57] : memref<10000x128xf32, #tpu.memory_space<hbm>> -> memref<10000x128xf32, #tpu.memory_space<hbm>>
    tpu.enqueue_indirect_dma source(%dma_start3A_58 : memref<10000x128xf32, #tpu.memory_space<hbm>>) target(%arg14 : memref<80x128xf32, #tpu.memory_space<vmem>>) offsets(%arg6 : memref<80xi32, #tpu.memory_space<vmem>>) semaphore(%arg19 : memref<!tpu.dma_semaphore, #tpu.memory_space<semaphore_mem>>)
    %dma_wait3A_59 = arith.constant 0 : i32
    %dma_wait3A_60 = tpu.memref_slice %arg3[%dma_wait3A_59] : memref<320000xi32, #tpu.memory_space<hbm>> -> memref<80xi32, #tpu.memory_space<hbm>>
    %dma_wait3A_61 = arith.constant 0 : i32
    %dma_wait3A_62 = tpu.memref_slice %arg3[%dma_wait3A_61] : memref<320000xi32, #tpu.memory_space<hbm>> -> memref<80xi32, #tpu.memory_space<hbm>>
    tpu.wait_dma2 semaphore(%arg24 : memref<!tpu.dma_semaphore, #tpu.memory_space<semaphore_mem>>) src(%dma_wait3A_62 : memref<80xi32, #tpu.memory_space<hbm>>) dst(%arg7 : memref<80xi32, #tpu.memory_space<vmem>>)
    %dma_start3A_63 = arith.constant 0 : i32
    %dma_start3A_64 = arith.constant 0 : i32
    %dma_start3A_65 = tpu.memref_slice %arg2[%dma_start3A_63, %dma_start3A_64] : memref<10000x128xf32, #tpu.memory_space<hbm>> -> memref<10000x128xf32, #tpu.memory_space<hbm>>
    tpu.enqueue_indirect_dma source(%dma_start3A_65 : memref<10000x128xf32, #tpu.memory_space<hbm>>) target(%arg15 : memref<80x128xf32, #tpu.memory_space<vmem>>) offsets(%arg7 : memref<80xi32, #tpu.memory_space<vmem>>) semaphore(%arg20 : memref<!tpu.dma_semaphore, #tpu.memory_space<semaphore_mem>>)
    %dma_wait3A_66 = arith.constant 0 : i32
    %dma_wait3A_67 = tpu.memref_slice %arg3[%dma_wait3A_66] : memref<320000xi32, #tpu.memory_space<hbm>> -> memref<80xi32, #tpu.memory_space<hbm>>
    %dma_wait3A_68 = arith.constant 0 : i32
    %dma_wait3A_69 = tpu.memref_slice %arg3[%dma_wait3A_68] : memref<320000xi32, #tpu.memory_space<hbm>> -> memref<80xi32, #tpu.memory_space<hbm>>
    tpu.wait_dma2 semaphore(%arg25 : memref<!tpu.dma_semaphore, #tpu.memory_space<semaphore_mem>>) src(%dma_wait3A_69 : memref<80xi32, #tpu.memory_space<hbm>>) dst(%arg8 : memref<80xi32, #tpu.memory_space<vmem>>)
    %dma_start3A_70 = arith.constant 0 : i32
    %dma_start3A_71 = arith.constant 0 : i32
    %dma_start3A_72 = tpu.memref_slice %arg2[%dma_start3A_70, %dma_start3A_71] : memref<10000x128xf32, #tpu.memory_space<hbm>> -> memref<10000x128xf32, #tpu.memory_space<hbm>>
    tpu.enqueue_indirect_dma source(%dma_start3A_72 : memref<10000x128xf32, #tpu.memory_space<hbm>>) target(%arg16 : memref<80x128xf32, #tpu.memory_space<vmem>>) offsets(%arg8 : memref<80xi32, #tpu.memory_space<vmem>>) semaphore(%arg21 : memref<!tpu.dma_semaphore, #tpu.memory_space<semaphore_mem>>)
    %dma_wait3A_73 = arith.constant 0 : i32
    %dma_wait3A_74 = tpu.memref_slice %arg3[%dma_wait3A_73] : memref<320000xi32, #tpu.memory_space<hbm>> -> memref<80xi32, #tpu.memory_space<hbm>>
    %dma_wait3A_75 = arith.constant 0 : i32
    %dma_wait3A_76 = tpu.memref_slice %arg3[%dma_wait3A_75] : memref<320000xi32, #tpu.memory_space<hbm>> -> memref<80xi32, #tpu.memory_space<hbm>>
    tpu.wait_dma2 semaphore(%arg26 : memref<!tpu.dma_semaphore, #tpu.memory_space<semaphore_mem>>) src(%dma_wait3A_76 : memref<80xi32, #tpu.memory_space<hbm>>) dst(%arg9 : memref<80xi32, #tpu.memory_space<vmem>>)
    %dma_start3A_77 = arith.constant 0 : i32
    %dma_start3A_78 = arith.constant 0 : i32
    %dma_start3A_79 = tpu.memref_slice %arg2[%dma_start3A_77, %dma_start3A_78] : memref<10000x128xf32, #tpu.memory_space<hbm>> -> memref<10000x128xf32, #tpu.memory_space<hbm>>
    tpu.enqueue_indirect_dma source(%dma_start3A_79 : memref<10000x128xf32, #tpu.memory_space<hbm>>) target(%arg17 : memref<80x128xf32, #tpu.memory_space<vmem>>) offsets(%arg9 : memref<80xi32, #tpu.memory_space<vmem>>) semaphore(%arg22 : memref<!tpu.dma_semaphore, #tpu.memory_space<semaphore_mem>>)
    %scan3A_80 = arith.constant 0 : i32
    %scan3A_81 = arith.constant 0 : i32
    %scan3A_82 = arith.constant 31 : i32
    %scan3A_83 = arith.addi %scan3A_81, %scan3A_82 : i32
    %scan3A_84 = arith.constant 1 : i32
    scf.for %scan3A_103 = %scan3A_81 to %scan3A_83 step %scan3A_84  : i32 {
      %mul3A_104 = arith.constant 4 : i32
      %mul3A_105 = arith.muli %mul3A_104, %scan3A_103 : i32
      %dma_wait3A_106 = arith.constant 0 : i32
      %dma_wait3A_107 = arith.constant 0 : i32
      %dma_wait3A_108 = tpu.memref_slice %arg2[%dma_wait3A_106, %dma_wait3A_107] : memref<10000x128xf32, #tpu.memory_space<hbm>> -> memref<80x128xf32, #tpu.memory_space<hbm>>
      %dma_wait3A_109 = arith.constant 0 : i32
      %dma_wait3A_110 = arith.constant 0 : i32
      %dma_wait3A_111 = tpu.memref_slice %arg2[%dma_wait3A_109, %dma_wait3A_110] : memref<10000x128xf32, #tpu.memory_space<hbm>> -> memref<80x128xf32, #tpu.memory_space<hbm>>
      tpu.wait_dma2 semaphore(%arg19 : memref<!tpu.dma_semaphore, #tpu.memory_space<semaphore_mem>>) src(%dma_wait3A_111 : memref<80x128xf32, #tpu.memory_space<hbm>>) dst(%arg14 : memref<80x128xf32, #tpu.memory_space<vmem>>)
      %add3A_112 = arith.constant 0 : i32
      %add3A_113 = arith.addi %mul3A_105, %add3A_112 : i32
      %add3A_114 = arith.constant 4 : i32
      %add3A_115 = arith.addi %add3A_113, %add3A_114 : i32
      %mul3A_116 = arith.constant 80 : i32
      %mul3A_117 = arith.muli %add3A_115, %mul3A_116 : i32
      %add3A_118 = arith.addi %mul3A_4, %mul3A_117 : i32
      %dma_start3A_119 = tpu.memref_slice %arg3[%add3A_118] : memref<320000xi32, #tpu.memory_space<hbm>> -> memref<80xi32, #tpu.memory_space<hbm>>
      %dma_start3A_120 = tpu.memref_slice %arg3[%add3A_118] : memref<320000xi32, #tpu.memory_space<hbm>> -> memref<80xi32, #tpu.memory_space<hbm>>
      tpu.enqueue_dma source(%dma_start3A_120 : memref<80xi32, #tpu.memory_space<hbm>>) target(%arg6 : memref<80xi32, #tpu.memory_space<vmem>>) target_semaphore(%arg23 : memref<!tpu.dma_semaphore, #tpu.memory_space<semaphore_mem>>)
      %dma_wait3A_121 = arith.constant 0 : i32
      %dma_wait3A_122 = tpu.memref_slice %arg4[%dma_wait3A_121] : memref<320000xi32, #tpu.memory_space<hbm>> -> memref<80xi32, #tpu.memory_space<hbm>>
      %dma_wait3A_123 = arith.constant 0 : i32
      %dma_wait3A_124 = tpu.memref_slice %arg4[%dma_wait3A_123] : memref<320000xi32, #tpu.memory_space<hbm>> -> memref<80xi32, #tpu.memory_space<hbm>>
      tpu.wait_dma2 semaphore(%arg27 : memref<!tpu.dma_semaphore, #tpu.memory_space<semaphore_mem>>) src(%dma_wait3A_124 : memref<80xi32, #tpu.memory_space<hbm>>) dst(%arg10 : memref<80xi32, #tpu.memory_space<vmem>>)
      "tpu.region"() ({
        %run_scoped3A = tpu.sem_alloc : memref<!tpu.dma_semaphore, #tpu.memory_space<semaphore_mem>>
        %dma_start3A_198 = arith.constant 0 : i32
        %dma_start3A_199 = arith.constant 0 : i32
        %dma_start3A_200 = tpu.memref_slice %arg18[%dma_start3A_198, %dma_start3A_199] : memref<10240x128xf32, #tpu.memory_space<vmem_shared>> -> memref<10240x128xf32, #tpu.memory_space<vmem_shared>>
        tpu.enqueue_indirect_dma source(%arg14 : memref<80x128xf32, #tpu.memory_space<vmem>>) target(%dma_start3A_200 : memref<10240x128xf32, #tpu.memory_space<vmem_shared>>) offsets(%arg10 : memref<80xi32, #tpu.memory_space<vmem>>) semaphore(%run_scoped3A : memref<!tpu.dma_semaphore, #tpu.memory_space<semaphore_mem>>) {add = true}
        %dma_wait3A_201 = arith.constant 0 : i32
        %dma_wait3A_202 = arith.constant 0 : i32
        %dma_wait3A_203 = tpu.memref_slice %arg18[%dma_wait3A_201, %dma_wait3A_202] : memref<10240x128xf32, #tpu.memory_space<vmem_shared>> -> memref<10240x128xf32, #tpu.memory_space<vmem_shared>>
        tpu.wait_indirect_dma semaphore(%run_scoped3A : memref<!tpu.dma_semaphore, #tpu.memory_space<semaphore_mem>>) src(%arg14 : memref<80x128xf32, #tpu.memory_space<vmem>>) dst(%dma_wait3A_203 : memref<10240x128xf32, #tpu.memory_space<vmem_shared>>)
        tpu.yield
      }) : () -> ()
      %add3A_125 = arith.constant 0 : i32
      %add3A_126 = arith.addi %mul3A_105, %add3A_125 : i32
      %add3A_127 = arith.constant 4 : i32
      %add3A_128 = arith.addi %add3A_126, %add3A_127 : i32
      %mul3A_129 = arith.constant 80 : i32
      %mul3A_130 = arith.muli %add3A_128, %mul3A_129 : i32
      %add3A_131 = arith.addi %mul3A_4, %mul3A_130 : i32
      %dma_start3A_132 = tpu.memref_slice %arg4[%add3A_131] : memref<320000xi32, #tpu.memory_space<hbm>> -> memref<80xi32, #tpu.memory_space<hbm>>
      %dma_start3A_133 = tpu.memref_slice %arg4[%add3A_131] : memref<320000xi32, #tpu.memory_space<hbm>> -> memref<80xi32, #tpu.memory_space<hbm>>
      tpu.enqueue_dma source(%dma_start3A_133 : memref<80xi32, #tpu.memory_space<hbm>>) target(%arg10 : memref<80xi32, #tpu.memory_space<vmem>>) target_semaphore(%arg27 : memref<!tpu.dma_semaphore, #tpu.memory_space<semaphore_mem>>)
      %dma_wait3A_134 = arith.constant 0 : i32
      %dma_wait3A_135 = tpu.memref_slice %arg3[%dma_wait3A_134] : memref<320000xi32, #tpu.memory_space<hbm>> -> memref<80xi32, #tpu.memory_space<hbm>>
      %dma_wait3A_136 = arith.constant 0 : i32
      %dma_wait3A_137 = tpu.memref_slice %arg3[%dma_wait3A_136] : memref<320000xi32, #tpu.memory_space<hbm>> -> memref<80xi32, #tpu.memory_space<hbm>>
      tpu.wait_dma2 semaphore(%arg23 : memref<!tpu.dma_semaphore, #tpu.memory_space<semaphore_mem>>) src(%dma_wait3A_137 : memref<80xi32, #tpu.memory_space<hbm>>) dst(%arg6 : memref<80xi32, #tpu.memory_space<vmem>>)
      %dma_start3A_138 = arith.constant 0 : i32
      %dma_start3A_139 = arith.constant 0 : i32
      %dma_start3A_140 = tpu.memref_slice %arg2[%dma_start3A_138, %dma_start3A_139] : memref<10000x128xf32, #tpu.memory_space<hbm>> -> memref<10000x128xf32, #tpu.memory_space<hbm>>
      tpu.enqueue_indirect_dma source(%dma_start3A_140 : memref<10000x128xf32, #tpu.memory_space<hbm>>) target(%arg14 : memref<80x128xf32, #tpu.memory_space<vmem>>) offsets(%arg6 : memref<80xi32, #tpu.memory_space<vmem>>) semaphore(%arg19 : memref<!tpu.dma_semaphore, #tpu.memory_space<semaphore_mem>>)
      %dma_wait3A_141 = arith.constant 0 : i32
      %dma_wait3A_142 = arith.constant 0 : i32
      %dma_wait3A_143 = tpu.memref_slice %arg2[%dma_wait3A_141, %dma_wait3A_142] : memref<10000x128xf32, #tpu.memory_space<hbm>> -> memref<80x128xf32, #tpu.memory_space<hbm>>
      %dma_wait3A_144 = arith.constant 0 : i32
      %dma_wait3A_145 = arith.constant 0 : i32
      %dma_wait3A_146 = tpu.memref_slice %arg2[%dma_wait3A_144, %dma_wait3A_145] : memref<10000x128xf32, #tpu.memory_space<hbm>> -> memref<80x128xf32, #tpu.memory_space<hbm>>
      tpu.wait_dma2 semaphore(%arg20 : memref<!tpu.dma_semaphore, #tpu.memory_space<semaphore_mem>>) src(%dma_wait3A_146 : memref<80x128xf32, #tpu.memory_space<hbm>>) dst(%arg15 : memref<80x128xf32, #tpu.memory_space<vmem>>)
      %lt3A = arith.constant 30 : i32
      %lt3A_147 = arith.cmpi slt, %scan3A_103, %lt3A : i32
      %convert_element_type3A = arith.extui %lt3A_147 : i1 to i32
      %cond3A = arith.constant 0 : i32
      %cond3A_148 = arith.cmpi ne, %convert_element_type3A, %cond3A : i32
      scf.if %cond3A_148 {
        %add3A_198 = arith.constant 1 : i32
        %add3A_199 = arith.addi %mul3A_105, %add3A_198 : i32
        %add3A_200 = arith.constant 4 : i32
        %add3A_201 = arith.addi %add3A_199, %add3A_200 : i32
        %mul3A_202 = arith.constant 80 : i32
        %mul3A_203 = arith.muli %add3A_201, %mul3A_202 : i32
        %add3A_204 = arith.addi %mul3A_4, %mul3A_203 : i32
        %dma_start3A_205 = tpu.memref_slice %arg3[%add3A_204] : memref<320000xi32, #tpu.memory_space<hbm>> -> memref<80xi32, #tpu.memory_space<hbm>>
        %dma_start3A_206 = tpu.memref_slice %arg3[%add3A_204] : memref<320000xi32, #tpu.memory_space<hbm>> -> memref<80xi32, #tpu.memory_space<hbm>>
        tpu.enqueue_dma source(%dma_start3A_206 : memref<80xi32, #tpu.memory_space<hbm>>) target(%arg7 : memref<80xi32, #tpu.memory_space<vmem>>) target_semaphore(%arg24 : memref<!tpu.dma_semaphore, #tpu.memory_space<semaphore_mem>>)
      } else {
      }
      %dma_wait3A_149 = arith.constant 0 : i32
      %dma_wait3A_150 = tpu.memref_slice %arg4[%dma_wait3A_149] : memref<320000xi32, #tpu.memory_space<hbm>> -> memref<80xi32, #tpu.memory_space<hbm>>
      %dma_wait3A_151 = arith.constant 0 : i32
      %dma_wait3A_152 = tpu.memref_slice %arg4[%dma_wait3A_151] : memref<320000xi32, #tpu.memory_space<hbm>> -> memref<80xi32, #tpu.memory_space<hbm>>
      tpu.wait_dma2 semaphore(%arg28 : memref<!tpu.dma_semaphore, #tpu.memory_space<semaphore_mem>>) src(%dma_wait3A_152 : memref<80xi32, #tpu.memory_space<hbm>>) dst(%arg11 : memref<80xi32, #tpu.memory_space<vmem>>)
      "tpu.region"() ({
        %run_scoped3A = tpu.sem_alloc : memref<!tpu.dma_semaphore, #tpu.memory_space<semaphore_mem>>
        %dma_start3A_198 = arith.constant 0 : i32
        %dma_start3A_199 = arith.constant 0 : i32
        %dma_start3A_200 = tpu.memref_slice %arg18[%dma_start3A_198, %dma_start3A_199] : memref<10240x128xf32, #tpu.memory_space<vmem_shared>> -> memref<10240x128xf32, #tpu.memory_space<vmem_shared>>
        tpu.enqueue_indirect_dma source(%arg15 : memref<80x128xf32, #tpu.memory_space<vmem>>) target(%dma_start3A_200 : memref<10240x128xf32, #tpu.memory_space<vmem_shared>>) offsets(%arg11 : memref<80xi32, #tpu.memory_space<vmem>>) semaphore(%run_scoped3A : memref<!tpu.dma_semaphore, #tpu.memory_space<semaphore_mem>>) {add = true}
        %dma_wait3A_201 = arith.constant 0 : i32
        %dma_wait3A_202 = arith.constant 0 : i32
        %dma_wait3A_203 = tpu.memref_slice %arg18[%dma_wait3A_201, %dma_wait3A_202] : memref<10240x128xf32, #tpu.memory_space<vmem_shared>> -> memref<10240x128xf32, #tpu.memory_space<vmem_shared>>
        tpu.wait_indirect_dma semaphore(%run_scoped3A : memref<!tpu.dma_semaphore, #tpu.memory_space<semaphore_mem>>) src(%arg15 : memref<80x128xf32, #tpu.memory_space<vmem>>) dst(%dma_wait3A_203 : memref<10240x128xf32, #tpu.memory_space<vmem_shared>>)
        tpu.yield
      }) : () -> ()
      %lt3A_153 = arith.constant 30 : i32
      %lt3A_154 = arith.cmpi slt, %scan3A_103, %lt3A_153 : i32
      %convert_element_type3A_155 = arith.extui %lt3A_154 : i1 to i32
      %cond3A_156 = arith.constant 0 : i32
      %cond3A_157 = arith.cmpi ne, %convert_element_type3A_155, %cond3A_156 : i32
      scf.if %cond3A_157 {
        %add3A_198 = arith.constant 1 : i32
        %add3A_199 = arith.addi %mul3A_105, %add3A_198 : i32
        %add3A_200 = arith.constant 4 : i32
        %add3A_201 = arith.addi %add3A_199, %add3A_200 : i32
        %mul3A_202 = arith.constant 80 : i32
        %mul3A_203 = arith.muli %add3A_201, %mul3A_202 : i32
        %add3A_204 = arith.addi %mul3A_4, %mul3A_203 : i32
        %dma_start3A_205 = tpu.memref_slice %arg4[%add3A_204] : memref<320000xi32, #tpu.memory_space<hbm>> -> memref<80xi32, #tpu.memory_space<hbm>>
        %dma_start3A_206 = tpu.memref_slice %arg4[%add3A_204] : memref<320000xi32, #tpu.memory_space<hbm>> -> memref<80xi32, #tpu.memory_space<hbm>>
        tpu.enqueue_dma source(%dma_start3A_206 : memref<80xi32, #tpu.memory_space<hbm>>) target(%arg11 : memref<80xi32, #tpu.memory_space<vmem>>) target_semaphore(%arg28 : memref<!tpu.dma_semaphore, #tpu.memory_space<semaphore_mem>>)
        %dma_wait3A_207 = arith.constant 0 : i32
        %dma_wait3A_208 = tpu.memref_slice %arg3[%dma_wait3A_207] : memref<320000xi32, #tpu.memory_space<hbm>> -> memref<80xi32, #tpu.memory_space<hbm>>
        %dma_wait3A_209 = arith.constant 0 : i32
        %dma_wait3A_210 = tpu.memref_slice %arg3[%dma_wait3A_209] : memref<320000xi32, #tpu.memory_space<hbm>> -> memref<80xi32, #tpu.memory_space<hbm>>
        tpu.wait_dma2 semaphore(%arg24 : memref<!tpu.dma_semaphore, #tpu.memory_space<semaphore_mem>>) src(%dma_wait3A_210 : memref<80xi32, #tpu.memory_space<hbm>>) dst(%arg7 : memref<80xi32, #tpu.memory_space<vmem>>)
        %dma_start3A_211 = arith.constant 0 : i32
        %dma_start3A_212 = arith.constant 0 : i32
        %dma_start3A_213 = tpu.memref_slice %arg2[%dma_start3A_211, %dma_start3A_212] : memref<10000x128xf32, #tpu.memory_space<hbm>> -> memref<10000x128xf32, #tpu.memory_space<hbm>>
        tpu.enqueue_indirect_dma source(%dma_start3A_213 : memref<10000x128xf32, #tpu.memory_space<hbm>>) target(%arg15 : memref<80x128xf32, #tpu.memory_space<vmem>>) offsets(%arg7 : memref<80xi32, #tpu.memory_space<vmem>>) semaphore(%arg20 : memref<!tpu.dma_semaphore, #tpu.memory_space<semaphore_mem>>)
      } else {
      }
      %dma_wait3A_158 = arith.constant 0 : i32
      %dma_wait3A_159 = arith.constant 0 : i32
      %dma_wait3A_160 = tpu.memref_slice %arg2[%dma_wait3A_158, %dma_wait3A_159] : memref<10000x128xf32, #tpu.memory_space<hbm>> -> memref<80x128xf32, #tpu.memory_space<hbm>>
      %dma_wait3A_161 = arith.constant 0 : i32
      %dma_wait3A_162 = arith.constant 0 : i32
      %dma_wait3A_163 = tpu.memref_slice %arg2[%dma_wait3A_161, %dma_wait3A_162] : memref<10000x128xf32, #tpu.memory_space<hbm>> -> memref<80x128xf32, #tpu.memory_space<hbm>>
      tpu.wait_dma2 semaphore(%arg21 : memref<!tpu.dma_semaphore, #tpu.memory_space<semaphore_mem>>) src(%dma_wait3A_163 : memref<80x128xf32, #tpu.memory_space<hbm>>) dst(%arg16 : memref<80x128xf32, #tpu.memory_space<vmem>>)
      %lt3A_164 = arith.constant 30 : i32
      %lt3A_165 = arith.cmpi slt, %scan3A_103, %lt3A_164 : i32
      %convert_element_type3A_166 = arith.extui %lt3A_165 : i1 to i32
      %cond3A_167 = arith.constant 0 : i32
      %cond3A_168 = arith.cmpi ne, %convert_element_type3A_166, %cond3A_167 : i32
      scf.if %cond3A_168 {
        %add3A_198 = arith.constant 2 : i32
        %add3A_199 = arith.addi %mul3A_105, %add3A_198 : i32
        %add3A_200 = arith.constant 4 : i32
        %add3A_201 = arith.addi %add3A_199, %add3A_200 : i32
        %mul3A_202 = arith.constant 80 : i32
        %mul3A_203 = arith.muli %add3A_201, %mul3A_202 : i32
        %add3A_204 = arith.addi %mul3A_4, %mul3A_203 : i32
        %dma_start3A_205 = tpu.memref_slice %arg3[%add3A_204] : memref<320000xi32, #tpu.memory_space<hbm>> -> memref<80xi32, #tpu.memory_space<hbm>>
        %dma_start3A_206 = tpu.memref_slice %arg3[%add3A_204] : memref<320000xi32, #tpu.memory_space<hbm>> -> memref<80xi32, #tpu.memory_space<hbm>>
        tpu.enqueue_dma source(%dma_start3A_206 : memref<80xi32, #tpu.memory_space<hbm>>) target(%arg8 : memref<80xi32, #tpu.memory_space<vmem>>) target_semaphore(%arg25 : memref<!tpu.dma_semaphore, #tpu.memory_space<semaphore_mem>>)
      } else {
      }
      %dma_wait3A_169 = arith.constant 0 : i32
      %dma_wait3A_170 = tpu.memref_slice %arg4[%dma_wait3A_169] : memref<320000xi32, #tpu.memory_space<hbm>> -> memref<80xi32, #tpu.memory_space<hbm>>
      %dma_wait3A_171 = arith.constant 0 : i32
      %dma_wait3A_172 = tpu.memref_slice %arg4[%dma_wait3A_171] : memref<320000xi32, #tpu.memory_space<hbm>> -> memref<80xi32, #tpu.memory_space<hbm>>
      tpu.wait_dma2 semaphore(%arg29 : memref<!tpu.dma_semaphore, #tpu.memory_space<semaphore_mem>>) src(%dma_wait3A_172 : memref<80xi32, #tpu.memory_space<hbm>>) dst(%arg12 : memref<80xi32, #tpu.memory_space<vmem>>)
      "tpu.region"() ({
        %run_scoped3A = tpu.sem_alloc : memref<!tpu.dma_semaphore, #tpu.memory_space<semaphore_mem>>
        %dma_start3A_198 = arith.constant 0 : i32
        %dma_start3A_199 = arith.constant 0 : i32
        %dma_start3A_200 = tpu.memref_slice %arg18[%dma_start3A_198, %dma_start3A_199] : memref<10240x128xf32, #tpu.memory_space<vmem_shared>> -> memref<10240x128xf32, #tpu.memory_space<vmem_shared>>
        tpu.enqueue_indirect_dma source(%arg16 : memref<80x128xf32, #tpu.memory_space<vmem>>) target(%dma_start3A_200 : memref<10240x128xf32, #tpu.memory_space<vmem_shared>>) offsets(%arg12 : memref<80xi32, #tpu.memory_space<vmem>>) semaphore(%run_scoped3A : memref<!tpu.dma_semaphore, #tpu.memory_space<semaphore_mem>>) {add = true}
        %dma_wait3A_201 = arith.constant 0 : i32
        %dma_wait3A_202 = arith.constant 0 : i32
        %dma_wait3A_203 = tpu.memref_slice %arg18[%dma_wait3A_201, %dma_wait3A_202] : memref<10240x128xf32, #tpu.memory_space<vmem_shared>> -> memref<10240x128xf32, #tpu.memory_space<vmem_shared>>
        tpu.wait_indirect_dma semaphore(%run_scoped3A : memref<!tpu.dma_semaphore, #tpu.memory_space<semaphore_mem>>) src(%arg16 : memref<80x128xf32, #tpu.memory_space<vmem>>) dst(%dma_wait3A_203 : memref<10240x128xf32, #tpu.memory_space<vmem_shared>>)
        tpu.yield
      }) : () -> ()
      %lt3A_173 = arith.constant 30 : i32
      %lt3A_174 = arith.cmpi slt, %scan3A_103, %lt3A_173 : i32
      %convert_element_type3A_175 = arith.extui %lt3A_174 : i1 to i32
      %cond3A_176 = arith.constant 0 : i32
      %cond3A_177 = arith.cmpi ne, %convert_element_type3A_175, %cond3A_176 : i32
      scf.if %cond3A_177 {
        %add3A_198 = arith.constant 2 : i32
        %add3A_199 = arith.addi %mul3A_105, %add3A_198 : i32
        %add3A_200 = arith.constant 4 : i32
        %add3A_201 = arith.addi %add3A_199, %add3A_200 : i32
        %mul3A_202 = arith.constant 80 : i32
        %mul3A_203 = arith.muli %add3A_201, %mul3A_202 : i32
        %add3A_204 = arith.addi %mul3A_4, %mul3A_203 : i32
        %dma_start3A_205 = tpu.memref_slice %arg4[%add3A_204] : memref<320000xi32, #tpu.memory_space<hbm>> -> memref<80xi32, #tpu.memory_space<hbm>>
        %dma_start3A_206 = tpu.memref_slice %arg4[%add3A_204] : memref<320000xi32, #tpu.memory_space<hbm>> -> memref<80xi32, #tpu.memory_space<hbm>>
        tpu.enqueue_dma source(%dma_start3A_206 : memref<80xi32, #tpu.memory_space<hbm>>) target(%arg12 : memref<80xi32, #tpu.memory_space<vmem>>) target_semaphore(%arg29 : memref<!tpu.dma_semaphore, #tpu.memory_space<semaphore_mem>>)
        %dma_wait3A_207 = arith.constant 0 : i32
        %dma_wait3A_208 = tpu.memref_slice %arg3[%dma_wait3A_207] : memref<320000xi32, #tpu.memory_space<hbm>> -> memref<80xi32, #tpu.memory_space<hbm>>
        %dma_wait3A_209 = arith.constant 0 : i32
        %dma_wait3A_210 = tpu.memref_slice %arg3[%dma_wait3A_209] : memref<320000xi32, #tpu.memory_space<hbm>> -> memref<80xi32, #tpu.memory_space<hbm>>
        tpu.wait_dma2 semaphore(%arg25 : memref<!tpu.dma_semaphore, #tpu.memory_space<semaphore_mem>>) src(%dma_wait3A_210 : memref<80xi32, #tpu.memory_space<hbm>>) dst(%arg8 : memref<80xi32, #tpu.memory_space<vmem>>)
        %dma_start3A_211 = arith.constant 0 : i32
        %dma_start3A_212 = arith.constant 0 : i32
        %dma_start3A_213 = tpu.memref_slice %arg2[%dma_start3A_211, %dma_start3A_212] : memref<10000x128xf32, #tpu.memory_space<hbm>> -> memref<10000x128xf32, #tpu.memory_space<hbm>>
        tpu.enqueue_indirect_dma source(%dma_start3A_213 : memref<10000x128xf32, #tpu.memory_space<hbm>>) target(%arg16 : memref<80x128xf32, #tpu.memory_space<vmem>>) offsets(%arg8 : memref<80xi32, #tpu.memory_space<vmem>>) semaphore(%arg21 : memref<!tpu.dma_semaphore, #tpu.memory_space<semaphore_mem>>)
      } else {
      }
      %dma_wait3A_178 = arith.constant 0 : i32
      %dma_wait3A_179 = arith.constant 0 : i32
      %dma_wait3A_180 = tpu.memref_slice %arg2[%dma_wait3A_178, %dma_wait3A_179] : memref<10000x128xf32, #tpu.memory_space<hbm>> -> memref<80x128xf32, #tpu.memory_space<hbm>>
      %dma_wait3A_181 = arith.constant 0 : i32
      %dma_wait3A_182 = arith.constant 0 : i32
      %dma_wait3A_183 = tpu.memref_slice %arg2[%dma_wait3A_181, %dma_wait3A_182] : memref<10000x128xf32, #tpu.memory_space<hbm>> -> memref<80x128xf32, #tpu.memory_space<hbm>>
      tpu.wait_dma2 semaphore(%arg22 : memref<!tpu.dma_semaphore, #tpu.memory_space<semaphore_mem>>) src(%dma_wait3A_183 : memref<80x128xf32, #tpu.memory_space<hbm>>) dst(%arg17 : memref<80x128xf32, #tpu.memory_space<vmem>>)
      %lt3A_184 = arith.constant 30 : i32
      %lt3A_185 = arith.cmpi slt, %scan3A_103, %lt3A_184 : i32
      %convert_element_type3A_186 = arith.extui %lt3A_185 : i1 to i32
      %cond3A_187 = arith.constant 0 : i32
      %cond3A_188 = arith.cmpi ne, %convert_element_type3A_186, %cond3A_187 : i32
      scf.if %cond3A_188 {
        %add3A_198 = arith.constant 3 : i32
        %add3A_199 = arith.addi %mul3A_105, %add3A_198 : i32
        %add3A_200 = arith.constant 4 : i32
        %add3A_201 = arith.addi %add3A_199, %add3A_200 : i32
        %mul3A_202 = arith.constant 80 : i32
        %mul3A_203 = arith.muli %add3A_201, %mul3A_202 : i32
        %add3A_204 = arith.addi %mul3A_4, %mul3A_203 : i32
        %dma_start3A_205 = tpu.memref_slice %arg3[%add3A_204] : memref<320000xi32, #tpu.memory_space<hbm>> -> memref<80xi32, #tpu.memory_space<hbm>>
        %dma_start3A_206 = tpu.memref_slice %arg3[%add3A_204] : memref<320000xi32, #tpu.memory_space<hbm>> -> memref<80xi32, #tpu.memory_space<hbm>>
        tpu.enqueue_dma source(%dma_start3A_206 : memref<80xi32, #tpu.memory_space<hbm>>) target(%arg9 : memref<80xi32, #tpu.memory_space<vmem>>) target_semaphore(%arg26 : memref<!tpu.dma_semaphore, #tpu.memory_space<semaphore_mem>>)
      } else {
      }
      %dma_wait3A_189 = arith.constant 0 : i32
      %dma_wait3A_190 = tpu.memref_slice %arg4[%dma_wait3A_189] : memref<320000xi32, #tpu.memory_space<hbm>> -> memref<80xi32, #tpu.memory_space<hbm>>
      %dma_wait3A_191 = arith.constant 0 : i32
      %dma_wait3A_192 = tpu.memref_slice %arg4[%dma_wait3A_191] : memref<320000xi32, #tpu.memory_space<hbm>> -> memref<80xi32, #tpu.memory_space<hbm>>
      tpu.wait_dma2 semaphore(%arg30 : memref<!tpu.dma_semaphore, #tpu.memory_space<semaphore_mem>>) src(%dma_wait3A_192 : memref<80xi32, #tpu.memory_space<hbm>>) dst(%arg13 : memref<80xi32, #tpu.memory_space<vmem>>)
      "tpu.region"() ({
        %run_scoped3A = tpu.sem_alloc : memref<!tpu.dma_semaphore, #tpu.memory_space<semaphore_mem>>
        %dma_start3A_198 = arith.constant 0 : i32
        %dma_start3A_199 = arith.constant 0 : i32
        %dma_start3A_200 = tpu.memref_slice %arg18[%dma_start3A_198, %dma_start3A_199] : memref<10240x128xf32, #tpu.memory_space<vmem_shared>> -> memref<10240x128xf32, #tpu.memory_space<vmem_shared>>
        tpu.enqueue_indirect_dma source(%arg17 : memref<80x128xf32, #tpu.memory_space<vmem>>) target(%dma_start3A_200 : memref<10240x128xf32, #tpu.memory_space<vmem_shared>>) offsets(%arg13 : memref<80xi32, #tpu.memory_space<vmem>>) semaphore(%run_scoped3A : memref<!tpu.dma_semaphore, #tpu.memory_space<semaphore_mem>>) {add = true}
        %dma_wait3A_201 = arith.constant 0 : i32
        %dma_wait3A_202 = arith.constant 0 : i32
        %dma_wait3A_203 = tpu.memref_slice %arg18[%dma_wait3A_201, %dma_wait3A_202] : memref<10240x128xf32, #tpu.memory_space<vmem_shared>> -> memref<10240x128xf32, #tpu.memory_space<vmem_shared>>
        tpu.wait_indirect_dma semaphore(%run_scoped3A : memref<!tpu.dma_semaphore, #tpu.memory_space<semaphore_mem>>) src(%arg17 : memref<80x128xf32, #tpu.memory_space<vmem>>) dst(%dma_wait3A_203 : memref<10240x128xf32, #tpu.memory_space<vmem_shared>>)
        tpu.yield
      }) : () -> ()
      %lt3A_193 = arith.constant 30 : i32
      %lt3A_194 = arith.cmpi slt, %scan3A_103, %lt3A_193 : i32
      %convert_element_type3A_195 = arith.extui %lt3A_194 : i1 to i32
      %cond3A_196 = arith.constant 0 : i32
      %cond3A_197 = arith.cmpi ne, %convert_element_type3A_195, %cond3A_196 : i32
      scf.if %cond3A_197 {
        %add3A_198 = arith.constant 3 : i32
        %add3A_199 = arith.addi %mul3A_105, %add3A_198 : i32
        %add3A_200 = arith.constant 4 : i32
        %add3A_201 = arith.addi %add3A_199, %add3A_200 : i32
        %mul3A_202 = arith.constant 80 : i32
        %mul3A_203 = arith.muli %add3A_201, %mul3A_202 : i32
        %add3A_204 = arith.addi %mul3A_4, %mul3A_203 : i32
        %dma_start3A_205 = tpu.memref_slice %arg4[%add3A_204] : memref<320000xi32, #tpu.memory_space<hbm>> -> memref<80xi32, #tpu.memory_space<hbm>>
        %dma_start3A_206 = tpu.memref_slice %arg4[%add3A_204] : memref<320000xi32, #tpu.memory_space<hbm>> -> memref<80xi32, #tpu.memory_space<hbm>>
        tpu.enqueue_dma source(%dma_start3A_206 : memref<80xi32, #tpu.memory_space<hbm>>) target(%arg13 : memref<80xi32, #tpu.memory_space<vmem>>) target_semaphore(%arg30 : memref<!tpu.dma_semaphore, #tpu.memory_space<semaphore_mem>>)
        %dma_wait3A_207 = arith.constant 0 : i32
        %dma_wait3A_208 = tpu.memref_slice %arg3[%dma_wait3A_207] : memref<320000xi32, #tpu.memory_space<hbm>> -> memref<80xi32, #tpu.memory_space<hbm>>
        %dma_wait3A_209 = arith.constant 0 : i32
        %dma_wait3A_210 = tpu.memref_slice %arg3[%dma_wait3A_209] : memref<320000xi32, #tpu.memory_space<hbm>> -> memref<80xi32, #tpu.memory_space<hbm>>
        tpu.wait_dma2 semaphore(%arg26 : memref<!tpu.dma_semaphore, #tpu.memory_space<semaphore_mem>>) src(%dma_wait3A_210 : memref<80xi32, #tpu.memory_space<hbm>>) dst(%arg9 : memref<80xi32, #tpu.memory_space<vmem>>)
        %dma_start3A_211 = arith.constant 0 : i32
        %dma_start3A_212 = arith.constant 0 : i32
        %dma_start3A_213 = tpu.memref_slice %arg2[%dma_start3A_211, %dma_start3A_212] : memref<10000x128xf32, #tpu.memory_space<hbm>> -> memref<10000x128xf32, #tpu.memory_space<hbm>>
        tpu.enqueue_indirect_dma source(%dma_start3A_213 : memref<10000x128xf32, #tpu.memory_space<hbm>>) target(%arg17 : memref<80x128xf32, #tpu.memory_space<vmem>>) offsets(%arg9 : memref<80xi32, #tpu.memory_space<vmem>>) semaphore(%arg22 : memref<!tpu.dma_semaphore, #tpu.memory_space<semaphore_mem>>)
      } else {
      }
    }
    %scan3A_85 = arith.constant 31 : i32
    %dma_wait3A_86 = arith.constant 0 : i32
    %dma_wait3A_87 = arith.constant 0 : i32
    %dma_wait3A_88 = tpu.memref_slice %arg2[%dma_wait3A_86, %dma_wait3A_87] : memref<10000x128xf32, #tpu.memory_space<hbm>> -> memref<80x128xf32, #tpu.memory_space<hbm>>
    %dma_wait3A_89 = arith.constant 0 : i32
    %dma_wait3A_90 = arith.constant 0 : i32
    %dma_wait3A_91 = tpu.memref_slice %arg2[%dma_wait3A_89, %dma_wait3A_90] : memref<10000x128xf32, #tpu.memory_space<hbm>> -> memref<80x128xf32, #tpu.memory_space<hbm>>
    tpu.wait_dma2 semaphore(%arg19 : memref<!tpu.dma_semaphore, #tpu.memory_space<semaphore_mem>>) src(%dma_wait3A_91 : memref<80x128xf32, #tpu.memory_space<hbm>>) dst(%arg14 : memref<80x128xf32, #tpu.memory_space<vmem>>)
    %dma_wait3A_92 = arith.constant 0 : i32
    %dma_wait3A_93 = tpu.memref_slice %arg4[%dma_wait3A_92] : memref<320000xi32, #tpu.memory_space<hbm>> -> memref<80xi32, #tpu.memory_space<hbm>>
    %dma_wait3A_94 = arith.constant 0 : i32
    %dma_wait3A_95 = tpu.memref_slice %arg4[%dma_wait3A_94] : memref<320000xi32, #tpu.memory_space<hbm>> -> memref<80xi32, #tpu.memory_space<hbm>>
    tpu.wait_dma2 semaphore(%arg27 : memref<!tpu.dma_semaphore, #tpu.memory_space<semaphore_mem>>) src(%dma_wait3A_95 : memref<80xi32, #tpu.memory_space<hbm>>) dst(%arg10 : memref<80xi32, #tpu.memory_space<vmem>>)
    "tpu.region"() ({
      %run_scoped3A = tpu.sem_alloc : memref<!tpu.dma_semaphore, #tpu.memory_space<semaphore_mem>>
      %dma_start3A_103 = arith.constant 0 : i32
      %dma_start3A_104 = arith.constant 0 : i32
      %dma_start3A_105 = tpu.memref_slice %arg18[%dma_start3A_103, %dma_start3A_104] : memref<10240x128xf32, #tpu.memory_space<vmem_shared>> -> memref<10240x128xf32, #tpu.memory_space<vmem_shared>>
      tpu.enqueue_indirect_dma source(%arg14 : memref<80x128xf32, #tpu.memory_space<vmem>>) target(%dma_start3A_105 : memref<10240x128xf32, #tpu.memory_space<vmem_shared>>) offsets(%arg10 : memref<80xi32, #tpu.memory_space<vmem>>) semaphore(%run_scoped3A : memref<!tpu.dma_semaphore, #tpu.memory_space<semaphore_mem>>) {add = true}
      %dma_wait3A_106 = arith.constant 0 : i32
      %dma_wait3A_107 = arith.constant 0 : i32
      %dma_wait3A_108 = tpu.memref_slice %arg18[%dma_wait3A_106, %dma_wait3A_107] : memref<10240x128xf32, #tpu.memory_space<vmem_shared>> -> memref<10240x128xf32, #tpu.memory_space<vmem_shared>>
      tpu.wait_indirect_dma semaphore(%run_scoped3A : memref<!tpu.dma_semaphore, #tpu.memory_space<semaphore_mem>>) src(%arg14 : memref<80x128xf32, #tpu.memory_space<vmem>>) dst(%dma_wait3A_108 : memref<10240x128xf32, #tpu.memory_space<vmem_shared>>)
      tpu.yield
    }) : () -> ()
    %barrier3A_96 = arith.constant 0 : index
    tpu.barrier barrier_id(%barrier3A_96)
    %scan3A_97 = arith.constant 0 : i32
    %scan3A_98 = arith.constant 0 : i32
    %scan3A_99 = arith.constant 4 : i32
    %scan3A_100 = arith.addi %scan3A_98, %scan3A_99 : i32
    %scan3A_101 = arith.constant 1 : i32
    scf.for %scan3A_103 = %scan3A_98 to %scan3A_100 step %scan3A_101  : i32 {
      %mul3A_104 = arith.constant 2 : i32
      %mul3A_105 = arith.muli %mul3A_104, %scan3A_103 : i32
      %add3A_106 = arith.constant 0 : i32
      %add3A_107 = arith.addi %mul3A_105, %add3A_106 : i32
      %mul3A_108 = arith.constant 80 : i32
      %mul3A_109 = arith.muli %add3A_107, %mul3A_108 : i32
      %add3A_110 = arith.addi %mul3A_2, %mul3A_109 : i32
      "tpu.region"() ({
        %run_scoped3A = tpu.sem_alloc : memref<!tpu.dma_semaphore, #tpu.memory_space<semaphore_mem>>
        %dma_start3A_156 = arith.constant 0 : i32
        %dma_start3A_157 = tpu.memref_slice %arg18[%add3A_110, %dma_start3A_156] : memref<10240x128xf32, #tpu.memory_space<vmem_shared>> -> memref<80x128xf32, #tpu.memory_space<vmem_shared>>
        %dma_start3A_158 = arith.constant 0 : i32
        %dma_start3A_159 = tpu.memref_slice %arg18[%add3A_110, %dma_start3A_158] : memref<10240x128xf32, #tpu.memory_space<vmem_shared>> -> memref<80x128xf32, #tpu.memory_space<vmem_shared>>
        tpu.enqueue_dma source(%dma_start3A_159 : memref<80x128xf32, #tpu.memory_space<vmem_shared>>) target(%arg14 : memref<80x128xf32, #tpu.memory_space<vmem>>) target_semaphore(%run_scoped3A : memref<!tpu.dma_semaphore, #tpu.memory_space<semaphore_mem>>)
        %dma_wait3A_160 = arith.constant 0 : i32
        %dma_wait3A_161 = tpu.memref_slice %arg18[%add3A_110, %dma_wait3A_160] : memref<10240x128xf32, #tpu.memory_space<vmem_shared>> -> memref<80x128xf32, #tpu.memory_space<vmem_shared>>
        %dma_wait3A_162 = arith.constant 0 : i32
        %dma_wait3A_163 = tpu.memref_slice %arg18[%add3A_110, %dma_wait3A_162] : memref<10240x128xf32, #tpu.memory_space<vmem_shared>> -> memref<80x128xf32, #tpu.memory_space<vmem_shared>>
        tpu.wait_dma2 semaphore(%run_scoped3A : memref<!tpu.dma_semaphore, #tpu.memory_space<semaphore_mem>>) src(%dma_wait3A_163 : memref<80x128xf32, #tpu.memory_space<vmem_shared>>) dst(%arg14 : memref<80x128xf32, #tpu.memory_space<vmem>>)
        tpu.yield
      }) : () -> ()
      %dma_start3A_111 = arith.constant 0 : i32
      %dma_start3A_112 = tpu.memref_slice %arg5[%arg0, %add3A_110, %dma_start3A_111] : memref<2x10240x128xf32, #tpu.memory_space<hbm>> -> memref<1x80x128xf32, #tpu.memory_space<hbm>>
      %dma_start3A_113 = tpu.memref_squeeze %dma_start3A_112 : memref<1x80x128xf32, #tpu.memory_space<hbm>> -> memref<80x128xf32, #tpu.memory_space<hbm>>
      %dma_start3A_114 = arith.constant 0 : i32
      %dma_start3A_115 = tpu.memref_slice %arg5[%arg0, %add3A_110, %dma_start3A_114] : memref<2x10240x128xf32, #tpu.memory_space<hbm>> -> memref<1x80x128xf32, #tpu.memory_space<hbm>>
      %dma_start3A_116 = tpu.memref_squeeze %dma_start3A_115 : memref<1x80x128xf32, #tpu.memory_space<hbm>> -> memref<80x128xf32, #tpu.memory_space<hbm>>
      tpu.enqueue_dma source(%arg14 : memref<80x128xf32, #tpu.memory_space<vmem>>) target(%dma_start3A_116 : memref<80x128xf32, #tpu.memory_space<hbm>>) target_semaphore(%arg19 : memref<!tpu.dma_semaphore, #tpu.memory_space<semaphore_mem>>)
      %mul3A_117 = arith.constant 2 : i32
      %mul3A_118 = arith.muli %mul3A_117, %scan3A_103 : i32
      %add3A_119 = arith.constant 1 : i32
      %add3A_120 = arith.addi %mul3A_118, %add3A_119 : i32
      %mul3A_121 = arith.constant 80 : i32
      %mul3A_122 = arith.muli %add3A_120, %mul3A_121 : i32
      %add3A_123 = arith.addi %mul3A_2, %mul3A_122 : i32
      "tpu.region"() ({
        %run_scoped3A = tpu.sem_alloc : memref<!tpu.dma_semaphore, #tpu.memory_space<semaphore_mem>>
        %dma_start3A_156 = arith.constant 0 : i32
        %dma_start3A_157 = tpu.memref_slice %arg18[%add3A_123, %dma_start3A_156] : memref<10240x128xf32, #tpu.memory_space<vmem_shared>> -> memref<80x128xf32, #tpu.memory_space<vmem_shared>>
        %dma_start3A_158 = arith.constant 0 : i32
        %dma_start3A_159 = tpu.memref_slice %arg18[%add3A_123, %dma_start3A_158] : memref<10240x128xf32, #tpu.memory_space<vmem_shared>> -> memref<80x128xf32, #tpu.memory_space<vmem_shared>>
        tpu.enqueue_dma source(%dma_start3A_159 : memref<80x128xf32, #tpu.memory_space<vmem_shared>>) target(%arg15 : memref<80x128xf32, #tpu.memory_space<vmem>>) target_semaphore(%run_scoped3A : memref<!tpu.dma_semaphore, #tpu.memory_space<semaphore_mem>>)
        %dma_wait3A_160 = arith.constant 0 : i32
        %dma_wait3A_161 = tpu.memref_slice %arg18[%add3A_123, %dma_wait3A_160] : memref<10240x128xf32, #tpu.memory_space<vmem_shared>> -> memref<80x128xf32, #tpu.memory_space<vmem_shared>>
        %dma_wait3A_162 = arith.constant 0 : i32
        %dma_wait3A_163 = tpu.memref_slice %arg18[%add3A_123, %dma_wait3A_162] : memref<10240x128xf32, #tpu.memory_space<vmem_shared>> -> memref<80x128xf32, #tpu.memory_space<vmem_shared>>
        tpu.wait_dma2 semaphore(%run_scoped3A : memref<!tpu.dma_semaphore, #tpu.memory_space<semaphore_mem>>) src(%dma_wait3A_163 : memref<80x128xf32, #tpu.memory_space<vmem_shared>>) dst(%arg15 : memref<80x128xf32, #tpu.memory_space<vmem>>)
        tpu.yield
      }) : () -> ()
      %dma_start3A_124 = arith.constant 0 : i32
      %dma_start3A_125 = tpu.memref_slice %arg5[%arg0, %add3A_123, %dma_start3A_124] : memref<2x10240x128xf32, #tpu.memory_space<hbm>> -> memref<1x80x128xf32, #tpu.memory_space<hbm>>
      %dma_start3A_126 = tpu.memref_squeeze %dma_start3A_125 : memref<1x80x128xf32, #tpu.memory_space<hbm>> -> memref<80x128xf32, #tpu.memory_space<hbm>>
      %dma_start3A_127 = arith.constant 0 : i32
      %dma_start3A_128 = tpu.memref_slice %arg5[%arg0, %add3A_123, %dma_start3A_127] : memref<2x10240x128xf32, #tpu.memory_space<hbm>> -> memref<1x80x128xf32, #tpu.memory_space<hbm>>
      %dma_start3A_129 = tpu.memref_squeeze %dma_start3A_128 : memref<1x80x128xf32, #tpu.memory_space<hbm>> -> memref<80x128xf32, #tpu.memory_space<hbm>>
      tpu.enqueue_dma source(%arg15 : memref<80x128xf32, #tpu.memory_space<vmem>>) target(%dma_start3A_129 : memref<80x128xf32, #tpu.memory_space<hbm>>) target_semaphore(%arg20 : memref<!tpu.dma_semaphore, #tpu.memory_space<semaphore_mem>>)
      %mul3A_130 = arith.constant 2 : i32
      %mul3A_131 = arith.muli %mul3A_130, %scan3A_103 : i32
      %add3A_132 = arith.constant 0 : i32
      %add3A_133 = arith.addi %mul3A_131, %add3A_132 : i32
      %mul3A_134 = arith.constant 80 : i32
      %mul3A_135 = arith.muli %add3A_133, %mul3A_134 : i32
      %add3A_136 = arith.addi %mul3A_2, %mul3A_135 : i32
      %dma_wait3A_137 = arith.constant 0 : i32
      %dma_wait3A_138 = tpu.memref_slice %arg5[%arg0, %add3A_136, %dma_wait3A_137] : memref<2x10240x128xf32, #tpu.memory_space<hbm>> -> memref<1x80x128xf32, #tpu.memory_space<hbm>>
      %dma_wait3A_139 = tpu.memref_squeeze %dma_wait3A_138 : memref<1x80x128xf32, #tpu.memory_space<hbm>> -> memref<80x128xf32, #tpu.memory_space<hbm>>
      %dma_wait3A_140 = arith.constant 0 : i32
      %dma_wait3A_141 = tpu.memref_slice %arg5[%arg0, %add3A_136, %dma_wait3A_140] : memref<2x10240x128xf32, #tpu.memory_space<hbm>> -> memref<1x80x128xf32, #tpu.memory_space<hbm>>
      %dma_wait3A_142 = tpu.memref_squeeze %dma_wait3A_141 : memref<1x80x128xf32, #tpu.memory_space<hbm>> -> memref<80x128xf32, #tpu.memory_space<hbm>>
      tpu.wait_dma2 semaphore(%arg19 : memref<!tpu.dma_semaphore, #tpu.memory_space<semaphore_mem>>) src(%arg14 : memref<80x128xf32, #tpu.memory_space<vmem>>) dst(%dma_wait3A_142 : memref<80x128xf32, #tpu.memory_space<hbm>>)
      %mul3A_143 = arith.constant 2 : i32
      %mul3A_144 = arith.muli %mul3A_143, %scan3A_103 : i32
      %add3A_145 = arith.constant 1 : i32
      %add3A_146 = arith.addi %mul3A_144, %add3A_145 : i32
      %mul3A_147 = arith.constant 80 : i32
      %mul3A_148 = arith.muli %add3A_146, %mul3A_147 : i32
      %add3A_149 = arith.addi %mul3A_2, %mul3A_148 : i32
      %dma_wait3A_150 = arith.constant 0 : i32
      %dma_wait3A_151 = tpu.memref_slice %arg5[%arg0, %add3A_149, %dma_wait3A_150] : memref<2x10240x128xf32, #tpu.memory_space<hbm>> -> memref<1x80x128xf32, #tpu.memory_space<hbm>>
      %dma_wait3A_152 = tpu.memref_squeeze %dma_wait3A_151 : memref<1x80x128xf32, #tpu.memory_space<hbm>> -> memref<80x128xf32, #tpu.memory_space<hbm>>
      %dma_wait3A_153 = arith.constant 0 : i32
      %dma_wait3A_154 = tpu.memref_slice %arg5[%arg0, %add3A_149, %dma_wait3A_153] : memref<2x10240x128xf32, #tpu.memory_space<hbm>> -> memref<1x80x128xf32, #tpu.memory_space<hbm>>
      %dma_wait3A_155 = tpu.memref_squeeze %dma_wait3A_154 : memref<1x80x128xf32, #tpu.memory_space<hbm>> -> memref<80x128xf32, #tpu.memory_space<hbm>>
      tpu.wait_dma2 semaphore(%arg20 : memref<!tpu.dma_semaphore, #tpu.memory_space<semaphore_mem>>) src(%arg15 : memref<80x128xf32, #tpu.memory_space<vmem>>) dst(%dma_wait3A_155 : memref<80x128xf32, #tpu.memory_space<hbm>>)
    }
    %scan3A_102 = arith.constant 4 : i32
    return
  }
}

#map = affine_map<(d0, d1) -> (0, 0)>
#map1 = affine_map<(d0, d1) -> (0)>
#map2 = affine_map<(d0, d1) -> (0, 0, 0)>
module attributes {stable_mosaic.version = 14 : i64} {
  func.func @agg(%arg0: i32, %arg1: i32, %arg2: memref<10000x128xf32, #tpu.memory_space<hbm>>, %arg3: memref<320000xi32, #tpu.memory_space<hbm>>, %arg4: memref<320000xi32, #tpu.memory_space<hbm>>, %arg5: memref<2x10240x128xf32, #tpu.memory_space<hbm>>, %arg6: memref<80xi32, #tpu.memory_space<vmem>>, %arg7: memref<80xi32, #tpu.memory_space<vmem>>, %arg8: memref<80xi32, #tpu.memory_space<vmem>>, %arg9: memref<80xi32, #tpu.memory_space<vmem>>, %arg10: memref<80xi32, #tpu.memory_space<vmem>>, %arg11: memref<80xi32, #tpu.memory_space<vmem>>, %arg12: memref<80xi32, #tpu.memory_space<vmem>>, %arg13: memref<80xi32, #tpu.memory_space<vmem>>, %arg14: memref<80x128xf32, #tpu.memory_space<vmem>>, %arg15: memref<80x128xf32, #tpu.memory_space<vmem>>, %arg16: memref<80x128xf32, #tpu.memory_space<vmem>>, %arg17: memref<80x128xf32, #tpu.memory_space<vmem>>, %arg18: memref<10240x128xf32, #tpu.memory_space<vmem_shared>>, %arg19: memref<!tpu.dma_semaphore, #tpu.memory_space<semaphore_mem>>, %arg20: memref<!tpu.dma_semaphore, #tpu.memory_space<semaphore_mem>>, %arg21: memref<!tpu.dma_semaphore, #tpu.memory_space<semaphore_mem>>, %arg22: memref<!tpu.dma_semaphore, #tpu.memory_space<semaphore_mem>>, %arg23: memref<!tpu.dma_semaphore, #tpu.memory_space<semaphore_mem>>, %arg24: memref<!tpu.dma_semaphore, #tpu.memory_space<semaphore_mem>>, %arg25: memref<!tpu.dma_semaphore, #tpu.memory_space<semaphore_mem>>, %arg26: memref<!tpu.dma_semaphore, #tpu.memory_space<semaphore_mem>>, %arg27: memref<!tpu.dma_semaphore, #tpu.memory_space<semaphore_mem>>, %arg28: memref<!tpu.dma_semaphore, #tpu.memory_space<semaphore_mem>>, %arg29: memref<!tpu.dma_semaphore, #tpu.memory_space<semaphore_mem>>, %arg30: memref<!tpu.dma_semaphore, #tpu.memory_space<semaphore_mem>>, %arg31: memref<!tpu.dma_semaphore, #tpu.memory_space<semaphore_mem>>) attributes {dimension_semantics = [#tpu.dimension_semantics<core_parallel>, #tpu.dimension_semantics<subcore_parallel>], iteration_bounds = array<i64: 2, 16>, scalar_prefetch = 0 : i64, scratch_operands = 26 : i64, tpu.core_type = #tpu.core_type<sc_vector_subcore>, window_params = [{transform_indices = #map}, {transform_indices = #map1}, {transform_indices = #map1}, {transform_indices = #map2}]} {
    %mul3A = arith.constant 16 : i32
    %mul3A_0 = arith.muli %arg0, %mul3A : i32
    %add3A = arith.addi %mul3A_0, %arg1 : i32
    %mul3A_1 = arith.constant 640 : i32
    %mul3A_2 = arith.muli %arg1, %mul3A_1 : i32
    %mul3A_3 = arith.constant 10000 : i32
    %mul3A_4 = arith.muli %add3A, %mul3A_3 : i32
    %scan3A = arith.constant 0 : i32
    %scan3A_5 = arith.constant 0 : i32
    %scan3A_6 = arith.constant 80 : i32
    %scan3A_7 = arith.addi %scan3A_5, %scan3A_6 : i32
    %scan3A_8 = arith.constant 1 : i32
    scf.for %scan3A_103 = %scan3A_5 to %scan3A_7 step %scan3A_8  : i32 {
      %broadcast_in_dim3A = arith.constant 0.000000e+00 : f32
      %broadcast_in_dim3A_104 = vector.broadcast %broadcast_in_dim3A : f32 to vector<16xf32>
      %swap3A = arith.index_cast %scan3A_103 : i32 to index
      %swap3A_105 = arith.constant 0 : index
      %swap3A_106 = tpu.vector_load %arg14[%swap3A, %swap3A_105] {strides = array<i32>} : memref<80x128xf32, #tpu.memory_space<vmem>>, vector<1x16xf32>,
      %swap3A_107 = vector.shape_cast %swap3A_106 : vector<1x16xf32> to vector<16xf32>
      %swap3A_108 = vector.shape_cast %broadcast_in_dim3A_104 : vector<16xf32> to vector<1x16xf32>
      tpu.vector_store %arg14[%swap3A, %swap3A_105], %swap3A_108 {strides = array<i32>} : memref<80x128xf32, #tpu.memory_space<vmem>>, vector<1x16xf32>,
      %broadcast_in_dim3A_109 = arith.constant 0.000000e+00 : f32
      %broadcast_in_dim3A_110 = vector.broadcast %broadcast_in_dim3A_109 : f32 to vector<16xf32>
      %swap3A_111 = arith.index_cast %scan3A_103 : i32 to index
      %swap3A_112 = arith.constant 16 : index
      %swap3A_113 = tpu.vector_load %arg14[%swap3A_111, %swap3A_112] {strides = array<i32>} : memref<80x128xf32, #tpu.memory_space<vmem>>, vector<1x16xf32>,
      %swap3A_114 = vector.shape_cast %swap3A_113 : vector<1x16xf32> to vector<16xf32>
      %swap3A_115 = vector.shape_cast %broadcast_in_dim3A_110 : vector<16xf32> to vector<1x16xf32>
      tpu.vector_store %arg14[%swap3A_111, %swap3A_112], %swap3A_115 {strides = array<i32>} : memref<80x128xf32, #tpu.memory_space<vmem>>, vector<1x16xf32>,
      %broadcast_in_dim3A_116 = arith.constant 0.000000e+00 : f32
      %broadcast_in_dim3A_117 = vector.broadcast %broadcast_in_dim3A_116 : f32 to vector<16xf32>
      %swap3A_118 = arith.index_cast %scan3A_103 : i32 to index
      %swap3A_119 = arith.constant 32 : index
      %swap3A_120 = tpu.vector_load %arg14[%swap3A_118, %swap3A_119] {strides = array<i32>} : memref<80x128xf32, #tpu.memory_space<vmem>>, vector<1x16xf32>,
      %swap3A_121 = vector.shape_cast %swap3A_120 : vector<1x16xf32> to vector<16xf32>
      %swap3A_122 = vector.shape_cast %broadcast_in_dim3A_117 : vector<16xf32> to vector<1x16xf32>
      tpu.vector_store %arg14[%swap3A_118, %swap3A_119], %swap3A_122 {strides = array<i32>} : memref<80x128xf32, #tpu.memory_space<vmem>>, vector<1x16xf32>,
      %broadcast_in_dim3A_123 = arith.constant 0.000000e+00 : f32
      %broadcast_in_dim3A_124 = vector.broadcast %broadcast_in_dim3A_123 : f32 to vector<16xf32>
      %swap3A_125 = arith.index_cast %scan3A_103 : i32 to index
      %swap3A_126 = arith.constant 48 : index
      %swap3A_127 = tpu.vector_load %arg14[%swap3A_125, %swap3A_126] {strides = array<i32>} : memref<80x128xf32, #tpu.memory_space<vmem>>, vector<1x16xf32>,
      %swap3A_128 = vector.shape_cast %swap3A_127 : vector<1x16xf32> to vector<16xf32>
      %swap3A_129 = vector.shape_cast %broadcast_in_dim3A_124 : vector<16xf32> to vector<1x16xf32>
      tpu.vector_store %arg14[%swap3A_125, %swap3A_126], %swap3A_129 {strides = array<i32>} : memref<80x128xf32, #tpu.memory_space<vmem>>, vector<1x16xf32>,
      %broadcast_in_dim3A_130 = arith.constant 0.000000e+00 : f32
      %broadcast_in_dim3A_131 = vector.broadcast %broadcast_in_dim3A_130 : f32 to vector<16xf32>
      %swap3A_132 = arith.index_cast %scan3A_103 : i32 to index
      %swap3A_133 = arith.constant 64 : index
      %swap3A_134 = tpu.vector_load %arg14[%swap3A_132, %swap3A_133] {strides = array<i32>} : memref<80x128xf32, #tpu.memory_space<vmem>>, vector<1x16xf32>,
      %swap3A_135 = vector.shape_cast %swap3A_134 : vector<1x16xf32> to vector<16xf32>
      %swap3A_136 = vector.shape_cast %broadcast_in_dim3A_131 : vector<16xf32> to vector<1x16xf32>
      tpu.vector_store %arg14[%swap3A_132, %swap3A_133], %swap3A_136 {strides = array<i32>} : memref<80x128xf32, #tpu.memory_space<vmem>>, vector<1x16xf32>,
      %broadcast_in_dim3A_137 = arith.constant 0.000000e+00 : f32
      %broadcast_in_dim3A_138 = vector.broadcast %broadcast_in_dim3A_137 : f32 to vector<16xf32>
      %swap3A_139 = arith.index_cast %scan3A_103 : i32 to index
      %swap3A_140 = arith.constant 80 : index
      %swap3A_141 = tpu.vector_load %arg14[%swap3A_139, %swap3A_140] {strides = array<i32>} : memref<80x128xf32, #tpu.memory_space<vmem>>, vector<1x16xf32>,
      %swap3A_142 = vector.shape_cast %swap3A_141 : vector<1x16xf32> to vector<16xf32>
      %swap3A_143 = vector.shape_cast %broadcast_in_dim3A_138 : vector<16xf32> to vector<1x16xf32>
      tpu.vector_store %arg14[%swap3A_139, %swap3A_140], %swap3A_143 {strides = array<i32>} : memref<80x128xf32, #tpu.memory_space<vmem>>, vector<1x16xf32>,
      %broadcast_in_dim3A_144 = arith.constant 0.000000e+00 : f32
      %broadcast_in_dim3A_145 = vector.broadcast %broadcast_in_dim3A_144 : f32 to vector<16xf32>
      %swap3A_146 = arith.index_cast %scan3A_103 : i32 to index
      %swap3A_147 = arith.constant 96 : index
      %swap3A_148 = tpu.vector_load %arg14[%swap3A_146, %swap3A_147] {strides = array<i32>} : memref<80x128xf32, #tpu.memory_space<vmem>>, vector<1x16xf32>,
      %swap3A_149 = vector.shape_cast %swap3A_148 : vector<1x16xf32> to vector<16xf32>
      %swap3A_150 = vector.shape_cast %broadcast_in_dim3A_145 : vector<16xf32> to vector<1x16xf32>
      tpu.vector_store %arg14[%swap3A_146, %swap3A_147], %swap3A_150 {strides = array<i32>} : memref<80x128xf32, #tpu.memory_space<vmem>>, vector<1x16xf32>,
      %broadcast_in_dim3A_151 = arith.constant 0.000000e+00 : f32
      %broadcast_in_dim3A_152 = vector.broadcast %broadcast_in_dim3A_151 : f32 to vector<16xf32>
      %swap3A_153 = arith.index_cast %scan3A_103 : i32 to index
      %swap3A_154 = arith.constant 112 : index
      %swap3A_155 = tpu.vector_load %arg14[%swap3A_153, %swap3A_154] {strides = array<i32>} : memref<80x128xf32, #tpu.memory_space<vmem>>, vector<1x16xf32>,
      %swap3A_156 = vector.shape_cast %swap3A_155 : vector<1x16xf32> to vector<16xf32>
      %swap3A_157 = vector.shape_cast %broadcast_in_dim3A_152 : vector<16xf32> to vector<1x16xf32>
      tpu.vector_store %arg14[%swap3A_153, %swap3A_154], %swap3A_157 {strides = array<i32>} : memref<80x128xf32, #tpu.memory_space<vmem>>, vector<1x16xf32>,
    }
    %scan3A_9 = arith.constant 80 : i32
    %scan3A_10 = arith.constant 0 : i32
    %scan3A_11 = arith.constant 0 : i32
    %scan3A_12 = arith.constant 8 : i32
    %scan3A_13 = arith.addi %scan3A_11, %scan3A_12 : i32
    %scan3A_14 = arith.constant 1 : i32
    scf.for %scan3A_103 = %scan3A_11 to %scan3A_13 step %scan3A_14  : i32 {
      %mul3A_104 = arith.constant 80 : i32
      %mul3A_105 = arith.muli %scan3A_103, %mul3A_104 : i32
      %add3A_106 = arith.addi %mul3A_2, %mul3A_105 : i32
      %dma_start3A_107 = arith.constant 0 : i32
      %dma_start3A_108 = tpu.memref_slice %arg18[%add3A_106, %dma_start3A_107] : memref<10240x128xf32, #tpu.memory_space<vmem_shared>> -> memref<80x128xf32, #tpu.memory_space<vmem_shared>>
      %dma_start3A_109 = arith.constant 0 : i32
      %dma_start3A_110 = tpu.memref_slice %arg18[%add3A_106, %dma_start3A_109] : memref<10240x128xf32, #tpu.memory_space<vmem_shared>> -> memref<80x128xf32, #tpu.memory_space<vmem_shared>>
      tpu.enqueue_dma source(%arg14 : memref<80x128xf32, #tpu.memory_space<vmem>>) target(%dma_start3A_110 : memref<80x128xf32, #tpu.memory_space<vmem_shared>>) target_semaphore(%arg31 : memref<!tpu.dma_semaphore, #tpu.memory_space<semaphore_mem>>)
    }
    %scan3A_15 = arith.constant 8 : i32
    %add3A_16 = arith.constant 0 : i32
    %add3A_17 = arith.addi %mul3A_4, %add3A_16 : i32
    %dma_start3A = tpu.memref_slice %arg3[%add3A_17] : memref<320000xi32, #tpu.memory_space<hbm>> -> memref<80xi32, #tpu.memory_space<hbm>>
    %dma_start3A_18 = tpu.memref_slice %arg3[%add3A_17] : memref<320000xi32, #tpu.memory_space<hbm>> -> memref<80xi32, #tpu.memory_space<hbm>>
    tpu.enqueue_dma source(%dma_start3A_18 : memref<80xi32, #tpu.memory_space<hbm>>) target(%arg6 : memref<80xi32, #tpu.memory_space<vmem>>) target_semaphore(%arg23 : memref<!tpu.dma_semaphore, #tpu.memory_space<semaphore_mem>>)
    %add3A_19 = arith.constant 0 : i32
    %add3A_20 = arith.addi %mul3A_4, %add3A_19 : i32
    %dma_start3A_21 = tpu.memref_slice %arg4[%add3A_20] : memref<320000xi32, #tpu.memory_space<hbm>> -> memref<80xi32, #tpu.memory_space<hbm>>
    %dma_start3A_22 = tpu.memref_slice %arg4[%add3A_20] : memref<320000xi32, #tpu.memory_space<hbm>> -> memref<80xi32, #tpu.memory_space<hbm>>
    tpu.enqueue_dma source(%dma_start3A_22 : memref<80xi32, #tpu.memory_space<hbm>>) target(%arg10 : memref<80xi32, #tpu.memory_space<vmem>>) target_semaphore(%arg27 : memref<!tpu.dma_semaphore, #tpu.memory_space<semaphore_mem>>)
    %add3A_23 = arith.constant 80 : i32
    %add3A_24 = arith.addi %mul3A_4, %add3A_23 : i32
    %dma_start3A_25 = tpu.memref_slice %arg3[%add3A_24] : memref<320000xi32, #tpu.memory_space<hbm>> -> memref<80xi32, #tpu.memory_space<hbm>>
    %dma_start3A_26 = tpu.memref_slice %arg3[%add3A_24] : memref<320000xi32, #tpu.memory_space<hbm>> -> memref<80xi32, #tpu.memory_space<hbm>>
    tpu.enqueue_dma source(%dma_start3A_26 : memref<80xi32, #tpu.memory_space<hbm>>) target(%arg7 : memref<80xi32, #tpu.memory_space<vmem>>) target_semaphore(%arg24 : memref<!tpu.dma_semaphore, #tpu.memory_space<semaphore_mem>>)
    %add3A_27 = arith.constant 80 : i32
    %add3A_28 = arith.addi %mul3A_4, %add3A_27 : i32
    %dma_start3A_29 = tpu.memref_slice %arg4[%add3A_28] : memref<320000xi32, #tpu.memory_space<hbm>> -> memref<80xi32, #tpu.memory_space<hbm>>
    %dma_start3A_30 = tpu.memref_slice %arg4[%add3A_28] : memref<320000xi32, #tpu.memory_space<hbm>> -> memref<80xi32, #tpu.memory_space<hbm>>
    tpu.enqueue_dma source(%dma_start3A_30 : memref<80xi32, #tpu.memory_space<hbm>>) target(%arg11 : memref<80xi32, #tpu.memory_space<vmem>>) target_semaphore(%arg28 : memref<!tpu.dma_semaphore, #tpu.memory_space<semaphore_mem>>)
    %add3A_31 = arith.constant 160 : i32
    %add3A_32 = arith.addi %mul3A_4, %add3A_31 : i32
    %dma_start3A_33 = tpu.memref_slice %arg3[%add3A_32] : memref<320000xi32, #tpu.memory_space<hbm>> -> memref<80xi32, #tpu.memory_space<hbm>>
    %dma_start3A_34 = tpu.memref_slice %arg3[%add3A_32] : memref<320000xi32, #tpu.memory_space<hbm>> -> memref<80xi32, #tpu.memory_space<hbm>>
    tpu.enqueue_dma source(%dma_start3A_34 : memref<80xi32, #tpu.memory_space<hbm>>) target(%arg8 : memref<80xi32, #tpu.memory_space<vmem>>) target_semaphore(%arg25 : memref<!tpu.dma_semaphore, #tpu.memory_space<semaphore_mem>>)
    %add3A_35 = arith.constant 160 : i32
    %add3A_36 = arith.addi %mul3A_4, %add3A_35 : i32
    %dma_start3A_37 = tpu.memref_slice %arg4[%add3A_36] : memref<320000xi32, #tpu.memory_space<hbm>> -> memref<80xi32, #tpu.memory_space<hbm>>
    %dma_start3A_38 = tpu.memref_slice %arg4[%add3A_36] : memref<320000xi32, #tpu.memory_space<hbm>> -> memref<80xi32, #tpu.memory_space<hbm>>
    tpu.enqueue_dma source(%dma_start3A_38 : memref<80xi32, #tpu.memory_space<hbm>>) target(%arg12 : memref<80xi32, #tpu.memory_space<vmem>>) target_semaphore(%arg29 : memref<!tpu.dma_semaphore, #tpu.memory_space<semaphore_mem>>)
    %add3A_39 = arith.constant 240 : i32
    %add3A_40 = arith.addi %mul3A_4, %add3A_39 : i32
    %dma_start3A_41 = tpu.memref_slice %arg3[%add3A_40] : memref<320000xi32, #tpu.memory_space<hbm>> -> memref<80xi32, #tpu.memory_space<hbm>>
    %dma_start3A_42 = tpu.memref_slice %arg3[%add3A_40] : memref<320000xi32, #tpu.memory_space<hbm>> -> memref<80xi32, #tpu.memory_space<hbm>>
    tpu.enqueue_dma source(%dma_start3A_42 : memref<80xi32, #tpu.memory_space<hbm>>) target(%arg9 : memref<80xi32, #tpu.memory_space<vmem>>) target_semaphore(%arg26 : memref<!tpu.dma_semaphore, #tpu.memory_space<semaphore_mem>>)
    %add3A_43 = arith.constant 240 : i32
    %add3A_44 = arith.addi %mul3A_4, %add3A_43 : i32
    %dma_start3A_45 = tpu.memref_slice %arg4[%add3A_44] : memref<320000xi32, #tpu.memory_space<hbm>> -> memref<80xi32, #tpu.memory_space<hbm>>
    %dma_start3A_46 = tpu.memref_slice %arg4[%add3A_44] : memref<320000xi32, #tpu.memory_space<hbm>> -> memref<80xi32, #tpu.memory_space<hbm>>
    tpu.enqueue_dma source(%dma_start3A_46 : memref<80xi32, #tpu.memory_space<hbm>>) target(%arg13 : memref<80xi32, #tpu.memory_space<vmem>>) target_semaphore(%arg30 : memref<!tpu.dma_semaphore, #tpu.memory_space<semaphore_mem>>)
    %scan3A_47 = arith.constant 0 : i32
    %scan3A_48 = arith.constant 0 : i32
    %scan3A_49 = arith.constant 8 : i32
    %scan3A_50 = arith.addi %scan3A_48, %scan3A_49 : i32
    %scan3A_51 = arith.constant 1 : i32
    scf.for %scan3A_103 = %scan3A_48 to %scan3A_50 step %scan3A_51  : i32 {
      %dma_wait3A_104 = arith.constant 0 : i32
      %dma_wait3A_105 = tpu.memref_slice %arg18[%mul3A_2, %dma_wait3A_104] : memref<10240x128xf32, #tpu.memory_space<vmem_shared>> -> memref<80x128xf32, #tpu.memory_space<vmem_shared>>
      %dma_wait3A_106 = arith.constant 0 : i32
      %dma_wait3A_107 = tpu.memref_slice %arg18[%mul3A_2, %dma_wait3A_106] : memref<10240x128xf32, #tpu.memory_space<vmem_shared>> -> memref<80x128xf32, #tpu.memory_space<vmem_shared>>
      tpu.wait_dma2 semaphore(%arg31 : memref<!tpu.dma_semaphore, #tpu.memory_space<semaphore_mem>>) src(%arg14 : memref<80x128xf32, #tpu.memory_space<vmem>>) dst(%dma_wait3A_107 : memref<80x128xf32, #tpu.memory_space<vmem_shared>>)
    }
    %scan3A_52 = arith.constant 8 : i32
    %barrier3A = arith.constant 0 : index
    tpu.barrier barrier_id(%barrier3A)
    %dma_wait3A = arith.constant 0 : i32
    %dma_wait3A_53 = tpu.memref_slice %arg3[%dma_wait3A] : memref<320000xi32, #tpu.memory_space<hbm>> -> memref<80xi32, #tpu.memory_space<hbm>>
    %dma_wait3A_54 = arith.constant 0 : i32
    %dma_wait3A_55 = tpu.memref_slice %arg3[%dma_wait3A_54] : memref<320000xi32, #tpu.memory_space<hbm>> -> memref<80xi32, #tpu.memory_space<hbm>>
    tpu.wait_dma2 semaphore(%arg23 : memref<!tpu.dma_semaphore, #tpu.memory_space<semaphore_mem>>) src(%dma_wait3A_55 : memref<80xi32, #tpu.memory_space<hbm>>) dst(%arg6 : memref<80xi32, #tpu.memory_space<vmem>>)
    %dma_start3A_56 = arith.constant 0 : i32
    %dma_start3A_57 = arith.constant 0 : i32
    %dma_start3A_58 = tpu.memref_slice %arg2[%dma_start3A_56, %dma_start3A_57] : memref<10000x128xf32, #tpu.memory_space<hbm>> -> memref<10000x128xf32, #tpu.memory_space<hbm>>
    tpu.enqueue_indirect_dma source(%dma_start3A_58 : memref<10000x128xf32, #tpu.memory_space<hbm>>) target(%arg14 : memref<80x128xf32, #tpu.memory_space<vmem>>) offsets(%arg6 : memref<80xi32, #tpu.memory_space<vmem>>) semaphore(%arg19 : memref<!tpu.dma_semaphore, #tpu.memory_space<semaphore_mem>>)
    %dma_wait3A_59 = arith.constant 0 : i32
    %dma_wait3A_60 = tpu.memref_slice %arg3[%dma_wait3A_59] : memref<320000xi32, #tpu.memory_space<hbm>> -> memref<80xi32, #tpu.memory_space<hbm>>
    %dma_wait3A_61 = arith.constant 0 : i32
    %dma_wait3A_62 = tpu.memref_slice %arg3[%dma_wait3A_61] : memref<320000xi32, #tpu.memory_space<hbm>> -> memref<80xi32, #tpu.memory_space<hbm>>
    tpu.wait_dma2 semaphore(%arg24 : memref<!tpu.dma_semaphore, #tpu.memory_space<semaphore_mem>>) src(%dma_wait3A_62 : memref<80xi32, #tpu.memory_space<hbm>>) dst(%arg7 : memref<80xi32, #tpu.memory_space<vmem>>)
    %dma_start3A_63 = arith.constant 0 : i32
    %dma_start3A_64 = arith.constant 0 : i32
    %dma_start3A_65 = tpu.memref_slice %arg2[%dma_start3A_63, %dma_start3A_64] : memref<10000x128xf32, #tpu.memory_space<hbm>> -> memref<10000x128xf32, #tpu.memory_space<hbm>>
    tpu.enqueue_indirect_dma source(%dma_start3A_65 : memref<10000x128xf32, #tpu.memory_space<hbm>>) target(%arg15 : memref<80x128xf32, #tpu.memory_space<vmem>>) offsets(%arg7 : memref<80xi32, #tpu.memory_space<vmem>>) semaphore(%arg20 : memref<!tpu.dma_semaphore, #tpu.memory_space<semaphore_mem>>)
    %dma_wait3A_66 = arith.constant 0 : i32
    %dma_wait3A_67 = tpu.memref_slice %arg3[%dma_wait3A_66] : memref<320000xi32, #tpu.memory_space<hbm>> -> memref<80xi32, #tpu.memory_space<hbm>>
    %dma_wait3A_68 = arith.constant 0 : i32
    %dma_wait3A_69 = tpu.memref_slice %arg3[%dma_wait3A_68] : memref<320000xi32, #tpu.memory_space<hbm>> -> memref<80xi32, #tpu.memory_space<hbm>>
    tpu.wait_dma2 semaphore(%arg25 : memref<!tpu.dma_semaphore, #tpu.memory_space<semaphore_mem>>) src(%dma_wait3A_69 : memref<80xi32, #tpu.memory_space<hbm>>) dst(%arg8 : memref<80xi32, #tpu.memory_space<vmem>>)
    %dma_start3A_70 = arith.constant 0 : i32
    %dma_start3A_71 = arith.constant 0 : i32
    %dma_start3A_72 = tpu.memref_slice %arg2[%dma_start3A_70, %dma_start3A_71] : memref<10000x128xf32, #tpu.memory_space<hbm>> -> memref<10000x128xf32, #tpu.memory_space<hbm>>
    tpu.enqueue_indirect_dma source(%dma_start3A_72 : memref<10000x128xf32, #tpu.memory_space<hbm>>) target(%arg16 : memref<80x128xf32, #tpu.memory_space<vmem>>) offsets(%arg8 : memref<80xi32, #tpu.memory_space<vmem>>) semaphore(%arg21 : memref<!tpu.dma_semaphore, #tpu.memory_space<semaphore_mem>>)
    %dma_wait3A_73 = arith.constant 0 : i32
    %dma_wait3A_74 = tpu.memref_slice %arg3[%dma_wait3A_73] : memref<320000xi32, #tpu.memory_space<hbm>> -> memref<80xi32, #tpu.memory_space<hbm>>
    %dma_wait3A_75 = arith.constant 0 : i32
    %dma_wait3A_76 = tpu.memref_slice %arg3[%dma_wait3A_75] : memref<320000xi32, #tpu.memory_space<hbm>> -> memref<80xi32, #tpu.memory_space<hbm>>
    tpu.wait_dma2 semaphore(%arg26 : memref<!tpu.dma_semaphore, #tpu.memory_space<semaphore_mem>>) src(%dma_wait3A_76 : memref<80xi32, #tpu.memory_space<hbm>>) dst(%arg9 : memref<80xi32, #tpu.memory_space<vmem>>)
    %dma_start3A_77 = arith.constant 0 : i32
    %dma_start3A_78 = arith.constant 0 : i32
    %dma_start3A_79 = tpu.memref_slice %arg2[%dma_start3A_77, %dma_start3A_78] : memref<10000x128xf32, #tpu.memory_space<hbm>> -> memref<10000x128xf32, #tpu.memory_space<hbm>>
    tpu.enqueue_indirect_dma source(%dma_start3A_79 : memref<10000x128xf32, #tpu.memory_space<hbm>>) target(%arg17 : memref<80x128xf32, #tpu.memory_space<vmem>>) offsets(%arg9 : memref<80xi32, #tpu.memory_space<vmem>>) semaphore(%arg22 : memref<!tpu.dma_semaphore, #tpu.memory_space<semaphore_mem>>)
    %scan3A_80 = arith.constant 0 : i32
    %scan3A_81 = arith.constant 0 : i32
    %scan3A_82 = arith.constant 31 : i32
    %scan3A_83 = arith.addi %scan3A_81, %scan3A_82 : i32
    %scan3A_84 = arith.constant 1 : i32
    scf.for %scan3A_103 = %scan3A_81 to %scan3A_83 step %scan3A_84  : i32 {
      %mul3A_104 = arith.constant 4 : i32
      %mul3A_105 = arith.muli %mul3A_104, %scan3A_103 : i32
      %dma_wait3A_106 = arith.constant 0 : i32
      %dma_wait3A_107 = arith.constant 0 : i32
      %dma_wait3A_108 = tpu.memref_slice %arg2[%dma_wait3A_106, %dma_wait3A_107] : memref<10000x128xf32, #tpu.memory_space<hbm>> -> memref<80x128xf32, #tpu.memory_space<hbm>>
      %dma_wait3A_109 = arith.constant 0 : i32
      %dma_wait3A_110 = arith.constant 0 : i32
      %dma_wait3A_111 = tpu.memref_slice %arg2[%dma_wait3A_109, %dma_wait3A_110] : memref<10000x128xf32, #tpu.memory_space<hbm>> -> memref<80x128xf32, #tpu.memory_space<hbm>>
      tpu.wait_dma2 semaphore(%arg19 : memref<!tpu.dma_semaphore, #tpu.memory_space<semaphore_mem>>) src(%dma_wait3A_111 : memref<80x128xf32, #tpu.memory_space<hbm>>) dst(%arg14 : memref<80x128xf32, #tpu.memory_space<vmem>>)
      %add3A_112 = arith.constant 0 : i32
      %add3A_113 = arith.addi %mul3A_105, %add3A_112 : i32
      %add3A_114 = arith.constant 4 : i32
      %add3A_115 = arith.addi %add3A_113, %add3A_114 : i32
      %mul3A_116 = arith.constant 80 : i32
      %mul3A_117 = arith.muli %add3A_115, %mul3A_116 : i32
      %add3A_118 = arith.addi %mul3A_4, %mul3A_117 : i32
      %dma_start3A_119 = tpu.memref_slice %arg3[%add3A_118] : memref<320000xi32, #tpu.memory_space<hbm>> -> memref<80xi32, #tpu.memory_space<hbm>>
      %dma_start3A_120 = tpu.memref_slice %arg3[%add3A_118] : memref<320000xi32, #tpu.memory_space<hbm>> -> memref<80xi32, #tpu.memory_space<hbm>>
      tpu.enqueue_dma source(%dma_start3A_120 : memref<80xi32, #tpu.memory_space<hbm>>) target(%arg6 : memref<80xi32, #tpu.memory_space<vmem>>) target_semaphore(%arg23 : memref<!tpu.dma_semaphore, #tpu.memory_space<semaphore_mem>>)
      %dma_wait3A_121 = arith.constant 0 : i32
      %dma_wait3A_122 = tpu.memref_slice %arg4[%dma_wait3A_121] : memref<320000xi32, #tpu.memory_space<hbm>> -> memref<80xi32, #tpu.memory_space<hbm>>
      %dma_wait3A_123 = arith.constant 0 : i32
      %dma_wait3A_124 = tpu.memref_slice %arg4[%dma_wait3A_123] : memref<320000xi32, #tpu.memory_space<hbm>> -> memref<80xi32, #tpu.memory_space<hbm>>
      tpu.wait_dma2 semaphore(%arg27 : memref<!tpu.dma_semaphore, #tpu.memory_space<semaphore_mem>>) src(%dma_wait3A_124 : memref<80xi32, #tpu.memory_space<hbm>>) dst(%arg10 : memref<80xi32, #tpu.memory_space<vmem>>)
      "tpu.region"() ({
        %run_scoped3A = tpu.sem_alloc : memref<!tpu.dma_semaphore, #tpu.memory_space<semaphore_mem>>
        %dma_start3A_198 = arith.constant 0 : i32
        %dma_start3A_199 = arith.constant 0 : i32
        %dma_start3A_200 = tpu.memref_slice %arg18[%dma_start3A_198, %dma_start3A_199] : memref<10240x128xf32, #tpu.memory_space<vmem_shared>> -> memref<10240x128xf32, #tpu.memory_space<vmem_shared>>
        tpu.enqueue_indirect_dma source(%arg14 : memref<80x128xf32, #tpu.memory_space<vmem>>) target(%dma_start3A_200 : memref<10240x128xf32, #tpu.memory_space<vmem_shared>>) offsets(%arg10 : memref<80xi32, #tpu.memory_space<vmem>>) semaphore(%run_scoped3A : memref<!tpu.dma_semaphore, #tpu.memory_space<semaphore_mem>>) {add = true}
        %dma_wait3A_201 = arith.constant 0 : i32
        %dma_wait3A_202 = arith.constant 0 : i32
        %dma_wait3A_203 = tpu.memref_slice %arg18[%dma_wait3A_201, %dma_wait3A_202] : memref<10240x128xf32, #tpu.memory_space<vmem_shared>> -> memref<10240x128xf32, #tpu.memory_space<vmem_shared>>
        tpu.wait_indirect_dma semaphore(%run_scoped3A : memref<!tpu.dma_semaphore, #tpu.memory_space<semaphore_mem>>) src(%arg14 : memref<80x128xf32, #tpu.memory_space<vmem>>) dst(%dma_wait3A_203 : memref<10240x128xf32, #tpu.memory_space<vmem_shared>>)
        tpu.yield
      }) : () -> ()
      %add3A_125 = arith.constant 0 : i32
      %add3A_126 = arith.addi %mul3A_105, %add3A_125 : i32
      %add3A_127 = arith.constant 4 : i32
      %add3A_128 = arith.addi %add3A_126, %add3A_127 : i32
      %mul3A_129 = arith.constant 80 : i32
      %mul3A_130 = arith.muli %add3A_128, %mul3A_129 : i32
      %add3A_131 = arith.addi %mul3A_4, %mul3A_130 : i32
      %dma_start3A_132 = tpu.memref_slice %arg4[%add3A_131] : memref<320000xi32, #tpu.memory_space<hbm>> -> memref<80xi32, #tpu.memory_space<hbm>>
      %dma_start3A_133 = tpu.memref_slice %arg4[%add3A_131] : memref<320000xi32, #tpu.memory_space<hbm>> -> memref<80xi32, #tpu.memory_space<hbm>>
      tpu.enqueue_dma source(%dma_start3A_133 : memref<80xi32, #tpu.memory_space<hbm>>) target(%arg10 : memref<80xi32, #tpu.memory_space<vmem>>) target_semaphore(%arg27 : memref<!tpu.dma_semaphore, #tpu.memory_space<semaphore_mem>>)
      %dma_wait3A_134 = arith.constant 0 : i32
      %dma_wait3A_135 = tpu.memref_slice %arg3[%dma_wait3A_134] : memref<320000xi32, #tpu.memory_space<hbm>> -> memref<80xi32, #tpu.memory_space<hbm>>
      %dma_wait3A_136 = arith.constant 0 : i32
      %dma_wait3A_137 = tpu.memref_slice %arg3[%dma_wait3A_136] : memref<320000xi32, #tpu.memory_space<hbm>> -> memref<80xi32, #tpu.memory_space<hbm>>
      tpu.wait_dma2 semaphore(%arg23 : memref<!tpu.dma_semaphore, #tpu.memory_space<semaphore_mem>>) src(%dma_wait3A_137 : memref<80xi32, #tpu.memory_space<hbm>>) dst(%arg6 : memref<80xi32, #tpu.memory_space<vmem>>)
      %dma_start3A_138 = arith.constant 0 : i32
      %dma_start3A_139 = arith.constant 0 : i32
      %dma_start3A_140 = tpu.memref_slice %arg2[%dma_start3A_138, %dma_start3A_139] : memref<10000x128xf32, #tpu.memory_space<hbm>> -> memref<10000x128xf32, #tpu.memory_space<hbm>>
      tpu.enqueue_indirect_dma source(%dma_start3A_140 : memref<10000x128xf32, #tpu.memory_space<hbm>>) target(%arg14 : memref<80x128xf32, #tpu.memory_space<vmem>>) offsets(%arg6 : memref<80xi32, #tpu.memory_space<vmem>>) semaphore(%arg19 : memref<!tpu.dma_semaphore, #tpu.memory_space<semaphore_mem>>)
      %dma_wait3A_141 = arith.constant 0 : i32
      %dma_wait3A_142 = arith.constant 0 : i32
      %dma_wait3A_143 = tpu.memref_slice %arg2[%dma_wait3A_141, %dma_wait3A_142] : memref<10000x128xf32, #tpu.memory_space<hbm>> -> memref<80x128xf32, #tpu.memory_space<hbm>>
      %dma_wait3A_144 = arith.constant 0 : i32
      %dma_wait3A_145 = arith.constant 0 : i32
      %dma_wait3A_146 = tpu.memref_slice %arg2[%dma_wait3A_144, %dma_wait3A_145] : memref<10000x128xf32, #tpu.memory_space<hbm>> -> memref<80x128xf32, #tpu.memory_space<hbm>>
      tpu.wait_dma2 semaphore(%arg20 : memref<!tpu.dma_semaphore, #tpu.memory_space<semaphore_mem>>) src(%dma_wait3A_146 : memref<80x128xf32, #tpu.memory_space<hbm>>) dst(%arg15 : memref<80x128xf32, #tpu.memory_space<vmem>>)
      %lt3A = arith.constant 30 : i32
      %lt3A_147 = arith.cmpi slt, %scan3A_103, %lt3A : i32
      %convert_element_type3A = arith.extui %lt3A_147 : i1 to i32
      %cond3A = arith.constant 0 : i32
      %cond3A_148 = arith.cmpi ne, %convert_element_type3A, %cond3A : i32
      scf.if %cond3A_148 {
        %add3A_198 = arith.constant 1 : i32
        %add3A_199 = arith.addi %mul3A_105, %add3A_198 : i32
        %add3A_200 = arith.constant 4 : i32
        %add3A_201 = arith.addi %add3A_199, %add3A_200 : i32
        %mul3A_202 = arith.constant 80 : i32
        %mul3A_203 = arith.muli %add3A_201, %mul3A_202 : i32
        %add3A_204 = arith.addi %mul3A_4, %mul3A_203 : i32
        %dma_start3A_205 = tpu.memref_slice %arg3[%add3A_204] : memref<320000xi32, #tpu.memory_space<hbm>> -> memref<80xi32, #tpu.memory_space<hbm>>
        %dma_start3A_206 = tpu.memref_slice %arg3[%add3A_204] : memref<320000xi32, #tpu.memory_space<hbm>> -> memref<80xi32, #tpu.memory_space<hbm>>
        tpu.enqueue_dma source(%dma_start3A_206 : memref<80xi32, #tpu.memory_space<hbm>>) target(%arg7 : memref<80xi32, #tpu.memory_space<vmem>>) target_semaphore(%arg24 : memref<!tpu.dma_semaphore, #tpu.memory_space<semaphore_mem>>)
      } else {
      }
      %dma_wait3A_149 = arith.constant 0 : i32
      %dma_wait3A_150 = tpu.memref_slice %arg4[%dma_wait3A_149] : memref<320000xi32, #tpu.memory_space<hbm>> -> memref<80xi32, #tpu.memory_space<hbm>>
      %dma_wait3A_151 = arith.constant 0 : i32
      %dma_wait3A_152 = tpu.memref_slice %arg4[%dma_wait3A_151] : memref<320000xi32, #tpu.memory_space<hbm>> -> memref<80xi32, #tpu.memory_space<hbm>>
      tpu.wait_dma2 semaphore(%arg28 : memref<!tpu.dma_semaphore, #tpu.memory_space<semaphore_mem>>) src(%dma_wait3A_152 : memref<80xi32, #tpu.memory_space<hbm>>) dst(%arg11 : memref<80xi32, #tpu.memory_space<vmem>>)
      "tpu.region"() ({
        %run_scoped3A = tpu.sem_alloc : memref<!tpu.dma_semaphore, #tpu.memory_space<semaphore_mem>>
        %dma_start3A_198 = arith.constant 0 : i32
        %dma_start3A_199 = arith.constant 0 : i32
        %dma_start3A_200 = tpu.memref_slice %arg18[%dma_start3A_198, %dma_start3A_199] : memref<10240x128xf32, #tpu.memory_space<vmem_shared>> -> memref<10240x128xf32, #tpu.memory_space<vmem_shared>>
        tpu.enqueue_indirect_dma source(%arg15 : memref<80x128xf32, #tpu.memory_space<vmem>>) target(%dma_start3A_200 : memref<10240x128xf32, #tpu.memory_space<vmem_shared>>) offsets(%arg11 : memref<80xi32, #tpu.memory_space<vmem>>) semaphore(%run_scoped3A : memref<!tpu.dma_semaphore, #tpu.memory_space<semaphore_mem>>) {add = true}
        %dma_wait3A_201 = arith.constant 0 : i32
        %dma_wait3A_202 = arith.constant 0 : i32
        %dma_wait3A_203 = tpu.memref_slice %arg18[%dma_wait3A_201, %dma_wait3A_202] : memref<10240x128xf32, #tpu.memory_space<vmem_shared>> -> memref<10240x128xf32, #tpu.memory_space<vmem_shared>>
        tpu.wait_indirect_dma semaphore(%run_scoped3A : memref<!tpu.dma_semaphore, #tpu.memory_space<semaphore_mem>>) src(%arg15 : memref<80x128xf32, #tpu.memory_space<vmem>>) dst(%dma_wait3A_203 : memref<10240x128xf32, #tpu.memory_space<vmem_shared>>)
        tpu.yield
      }) : () -> ()
      %lt3A_153 = arith.constant 30 : i32
      %lt3A_154 = arith.cmpi slt, %scan3A_103, %lt3A_153 : i32
      %convert_element_type3A_155 = arith.extui %lt3A_154 : i1 to i32
      %cond3A_156 = arith.constant 0 : i32
      %cond3A_157 = arith.cmpi ne, %convert_element_type3A_155, %cond3A_156 : i32
      scf.if %cond3A_157 {
        %add3A_198 = arith.constant 1 : i32
        %add3A_199 = arith.addi %mul3A_105, %add3A_198 : i32
        %add3A_200 = arith.constant 4 : i32
        %add3A_201 = arith.addi %add3A_199, %add3A_200 : i32
        %mul3A_202 = arith.constant 80 : i32
        %mul3A_203 = arith.muli %add3A_201, %mul3A_202 : i32
        %add3A_204 = arith.addi %mul3A_4, %mul3A_203 : i32
        %dma_start3A_205 = tpu.memref_slice %arg4[%add3A_204] : memref<320000xi32, #tpu.memory_space<hbm>> -> memref<80xi32, #tpu.memory_space<hbm>>
        %dma_start3A_206 = tpu.memref_slice %arg4[%add3A_204] : memref<320000xi32, #tpu.memory_space<hbm>> -> memref<80xi32, #tpu.memory_space<hbm>>
        tpu.enqueue_dma source(%dma_start3A_206 : memref<80xi32, #tpu.memory_space<hbm>>) target(%arg11 : memref<80xi32, #tpu.memory_space<vmem>>) target_semaphore(%arg28 : memref<!tpu.dma_semaphore, #tpu.memory_space<semaphore_mem>>)
        %dma_wait3A_207 = arith.constant 0 : i32
        %dma_wait3A_208 = tpu.memref_slice %arg3[%dma_wait3A_207] : memref<320000xi32, #tpu.memory_space<hbm>> -> memref<80xi32, #tpu.memory_space<hbm>>
        %dma_wait3A_209 = arith.constant 0 : i32
        %dma_wait3A_210 = tpu.memref_slice %arg3[%dma_wait3A_209] : memref<320000xi32, #tpu.memory_space<hbm>> -> memref<80xi32, #tpu.memory_space<hbm>>
        tpu.wait_dma2 semaphore(%arg24 : memref<!tpu.dma_semaphore, #tpu.memory_space<semaphore_mem>>) src(%dma_wait3A_210 : memref<80xi32, #tpu.memory_space<hbm>>) dst(%arg7 : memref<80xi32, #tpu.memory_space<vmem>>)
        %dma_start3A_211 = arith.constant 0 : i32
        %dma_start3A_212 = arith.constant 0 : i32
        %dma_start3A_213 = tpu.memref_slice %arg2[%dma_start3A_211, %dma_start3A_212] : memref<10000x128xf32, #tpu.memory_space<hbm>> -> memref<10000x128xf32, #tpu.memory_space<hbm>>
        tpu.enqueue_indirect_dma source(%dma_start3A_213 : memref<10000x128xf32, #tpu.memory_space<hbm>>) target(%arg15 : memref<80x128xf32, #tpu.memory_space<vmem>>) offsets(%arg7 : memref<80xi32, #tpu.memory_space<vmem>>) semaphore(%arg20 : memref<!tpu.dma_semaphore, #tpu.memory_space<semaphore_mem>>)
      } else {
      }
      %dma_wait3A_158 = arith.constant 0 : i32
      %dma_wait3A_159 = arith.constant 0 : i32
      %dma_wait3A_160 = tpu.memref_slice %arg2[%dma_wait3A_158, %dma_wait3A_159] : memref<10000x128xf32, #tpu.memory_space<hbm>> -> memref<80x128xf32, #tpu.memory_space<hbm>>
      %dma_wait3A_161 = arith.constant 0 : i32
      %dma_wait3A_162 = arith.constant 0 : i32
      %dma_wait3A_163 = tpu.memref_slice %arg2[%dma_wait3A_161, %dma_wait3A_162] : memref<10000x128xf32, #tpu.memory_space<hbm>> -> memref<80x128xf32, #tpu.memory_space<hbm>>
      tpu.wait_dma2 semaphore(%arg21 : memref<!tpu.dma_semaphore, #tpu.memory_space<semaphore_mem>>) src(%dma_wait3A_163 : memref<80x128xf32, #tpu.memory_space<hbm>>) dst(%arg16 : memref<80x128xf32, #tpu.memory_space<vmem>>)
      %lt3A_164 = arith.constant 30 : i32
      %lt3A_165 = arith.cmpi slt, %scan3A_103, %lt3A_164 : i32
      %convert_element_type3A_166 = arith.extui %lt3A_165 : i1 to i32
      %cond3A_167 = arith.constant 0 : i32
      %cond3A_168 = arith.cmpi ne, %convert_element_type3A_166, %cond3A_167 : i32
      scf.if %cond3A_168 {
        %add3A_198 = arith.constant 2 : i32
        %add3A_199 = arith.addi %mul3A_105, %add3A_198 : i32
        %add3A_200 = arith.constant 4 : i32
        %add3A_201 = arith.addi %add3A_199, %add3A_200 : i32
        %mul3A_202 = arith.constant 80 : i32
        %mul3A_203 = arith.muli %add3A_201, %mul3A_202 : i32
        %add3A_204 = arith.addi %mul3A_4, %mul3A_203 : i32
        %dma_start3A_205 = tpu.memref_slice %arg3[%add3A_204] : memref<320000xi32, #tpu.memory_space<hbm>> -> memref<80xi32, #tpu.memory_space<hbm>>
        %dma_start3A_206 = tpu.memref_slice %arg3[%add3A_204] : memref<320000xi32, #tpu.memory_space<hbm>> -> memref<80xi32, #tpu.memory_space<hbm>>
        tpu.enqueue_dma source(%dma_start3A_206 : memref<80xi32, #tpu.memory_space<hbm>>) target(%arg8 : memref<80xi32, #tpu.memory_space<vmem>>) target_semaphore(%arg25 : memref<!tpu.dma_semaphore, #tpu.memory_space<semaphore_mem>>)
      } else {
      }
      %dma_wait3A_169 = arith.constant 0 : i32
      %dma_wait3A_170 = tpu.memref_slice %arg4[%dma_wait3A_169] : memref<320000xi32, #tpu.memory_space<hbm>> -> memref<80xi32, #tpu.memory_space<hbm>>
      %dma_wait3A_171 = arith.constant 0 : i32
      %dma_wait3A_172 = tpu.memref_slice %arg4[%dma_wait3A_171] : memref<320000xi32, #tpu.memory_space<hbm>> -> memref<80xi32, #tpu.memory_space<hbm>>
      tpu.wait_dma2 semaphore(%arg29 : memref<!tpu.dma_semaphore, #tpu.memory_space<semaphore_mem>>) src(%dma_wait3A_172 : memref<80xi32, #tpu.memory_space<hbm>>) dst(%arg12 : memref<80xi32, #tpu.memory_space<vmem>>)
      "tpu.region"() ({
        %run_scoped3A = tpu.sem_alloc : memref<!tpu.dma_semaphore, #tpu.memory_space<semaphore_mem>>
        %dma_start3A_198 = arith.constant 0 : i32
        %dma_start3A_199 = arith.constant 0 : i32
        %dma_start3A_200 = tpu.memref_slice %arg18[%dma_start3A_198, %dma_start3A_199] : memref<10240x128xf32, #tpu.memory_space<vmem_shared>> -> memref<10240x128xf32, #tpu.memory_space<vmem_shared>>
        tpu.enqueue_indirect_dma source(%arg16 : memref<80x128xf32, #tpu.memory_space<vmem>>) target(%dma_start3A_200 : memref<10240x128xf32, #tpu.memory_space<vmem_shared>>) offsets(%arg12 : memref<80xi32, #tpu.memory_space<vmem>>) semaphore(%run_scoped3A : memref<!tpu.dma_semaphore, #tpu.memory_space<semaphore_mem>>) {add = true}
        %dma_wait3A_201 = arith.constant 0 : i32
        %dma_wait3A_202 = arith.constant 0 : i32
        %dma_wait3A_203 = tpu.memref_slice %arg18[%dma_wait3A_201, %dma_wait3A_202] : memref<10240x128xf32, #tpu.memory_space<vmem_shared>> -> memref<10240x128xf32, #tpu.memory_space<vmem_shared>>
        tpu.wait_indirect_dma semaphore(%run_scoped3A : memref<!tpu.dma_semaphore, #tpu.memory_space<semaphore_mem>>) src(%arg16 : memref<80x128xf32, #tpu.memory_space<vmem>>) dst(%dma_wait3A_203 : memref<10240x128xf32, #tpu.memory_space<vmem_shared>>)
        tpu.yield
      }) : () -> ()
      %lt3A_173 = arith.constant 30 : i32
      %lt3A_174 = arith.cmpi slt, %scan3A_103, %lt3A_173 : i32
      %convert_element_type3A_175 = arith.extui %lt3A_174 : i1 to i32
      %cond3A_176 = arith.constant 0 : i32
      %cond3A_177 = arith.cmpi ne, %convert_element_type3A_175, %cond3A_176 : i32
      scf.if %cond3A_177 {
        %add3A_198 = arith.constant 2 : i32
        %add3A_199 = arith.addi %mul3A_105, %add3A_198 : i32
        %add3A_200 = arith.constant 4 : i32
        %add3A_201 = arith.addi %add3A_199, %add3A_200 : i32
        %mul3A_202 = arith.constant 80 : i32
        %mul3A_203 = arith.muli %add3A_201, %mul3A_202 : i32
        %add3A_204 = arith.addi %mul3A_4, %mul3A_203 : i32
        %dma_start3A_205 = tpu.memref_slice %arg4[%add3A_204] : memref<320000xi32, #tpu.memory_space<hbm>> -> memref<80xi32, #tpu.memory_space<hbm>>
        %dma_start3A_206 = tpu.memref_slice %arg4[%add3A_204] : memref<320000xi32, #tpu.memory_space<hbm>> -> memref<80xi32, #tpu.memory_space<hbm>>
        tpu.enqueue_dma source(%dma_start3A_206 : memref<80xi32, #tpu.memory_space<hbm>>) target(%arg12 : memref<80xi32, #tpu.memory_space<vmem>>) target_semaphore(%arg29 : memref<!tpu.dma_semaphore, #tpu.memory_space<semaphore_mem>>)
        %dma_wait3A_207 = arith.constant 0 : i32
        %dma_wait3A_208 = tpu.memref_slice %arg3[%dma_wait3A_207] : memref<320000xi32, #tpu.memory_space<hbm>> -> memref<80xi32, #tpu.memory_space<hbm>>
        %dma_wait3A_209 = arith.constant 0 : i32
        %dma_wait3A_210 = tpu.memref_slice %arg3[%dma_wait3A_209] : memref<320000xi32, #tpu.memory_space<hbm>> -> memref<80xi32, #tpu.memory_space<hbm>>
        tpu.wait_dma2 semaphore(%arg25 : memref<!tpu.dma_semaphore, #tpu.memory_space<semaphore_mem>>) src(%dma_wait3A_210 : memref<80xi32, #tpu.memory_space<hbm>>) dst(%arg8 : memref<80xi32, #tpu.memory_space<vmem>>)
        %dma_start3A_211 = arith.constant 0 : i32
        %dma_start3A_212 = arith.constant 0 : i32
        %dma_start3A_213 = tpu.memref_slice %arg2[%dma_start3A_211, %dma_start3A_212] : memref<10000x128xf32, #tpu.memory_space<hbm>> -> memref<10000x128xf32, #tpu.memory_space<hbm>>
        tpu.enqueue_indirect_dma source(%dma_start3A_213 : memref<10000x128xf32, #tpu.memory_space<hbm>>) target(%arg16 : memref<80x128xf32, #tpu.memory_space<vmem>>) offsets(%arg8 : memref<80xi32, #tpu.memory_space<vmem>>) semaphore(%arg21 : memref<!tpu.dma_semaphore, #tpu.memory_space<semaphore_mem>>)
      } else {
      }
      %dma_wait3A_178 = arith.constant 0 : i32
      %dma_wait3A_179 = arith.constant 0 : i32
      %dma_wait3A_180 = tpu.memref_slice %arg2[%dma_wait3A_178, %dma_wait3A_179] : memref<10000x128xf32, #tpu.memory_space<hbm>> -> memref<80x128xf32, #tpu.memory_space<hbm>>
      %dma_wait3A_181 = arith.constant 0 : i32
      %dma_wait3A_182 = arith.constant 0 : i32
      %dma_wait3A_183 = tpu.memref_slice %arg2[%dma_wait3A_181, %dma_wait3A_182] : memref<10000x128xf32, #tpu.memory_space<hbm>> -> memref<80x128xf32, #tpu.memory_space<hbm>>
      tpu.wait_dma2 semaphore(%arg22 : memref<!tpu.dma_semaphore, #tpu.memory_space<semaphore_mem>>) src(%dma_wait3A_183 : memref<80x128xf32, #tpu.memory_space<hbm>>) dst(%arg17 : memref<80x128xf32, #tpu.memory_space<vmem>>)
      %lt3A_184 = arith.constant 30 : i32
      %lt3A_185 = arith.cmpi slt, %scan3A_103, %lt3A_184 : i32
      %convert_element_type3A_186 = arith.extui %lt3A_185 : i1 to i32
      %cond3A_187 = arith.constant 0 : i32
      %cond3A_188 = arith.cmpi ne, %convert_element_type3A_186, %cond3A_187 : i32
      scf.if %cond3A_188 {
        %add3A_198 = arith.constant 3 : i32
        %add3A_199 = arith.addi %mul3A_105, %add3A_198 : i32
        %add3A_200 = arith.constant 4 : i32
        %add3A_201 = arith.addi %add3A_199, %add3A_200 : i32
        %mul3A_202 = arith.constant 80 : i32
        %mul3A_203 = arith.muli %add3A_201, %mul3A_202 : i32
        %add3A_204 = arith.addi %mul3A_4, %mul3A_203 : i32
        %dma_start3A_205 = tpu.memref_slice %arg3[%add3A_204] : memref<320000xi32, #tpu.memory_space<hbm>> -> memref<80xi32, #tpu.memory_space<hbm>>
        %dma_start3A_206 = tpu.memref_slice %arg3[%add3A_204] : memref<320000xi32, #tpu.memory_space<hbm>> -> memref<80xi32, #tpu.memory_space<hbm>>
        tpu.enqueue_dma source(%dma_start3A_206 : memref<80xi32, #tpu.memory_space<hbm>>) target(%arg9 : memref<80xi32, #tpu.memory_space<vmem>>) target_semaphore(%arg26 : memref<!tpu.dma_semaphore, #tpu.memory_space<semaphore_mem>>)
      } else {
      }
      %dma_wait3A_189 = arith.constant 0 : i32
      %dma_wait3A_190 = tpu.memref_slice %arg4[%dma_wait3A_189] : memref<320000xi32, #tpu.memory_space<hbm>> -> memref<80xi32, #tpu.memory_space<hbm>>
      %dma_wait3A_191 = arith.constant 0 : i32
      %dma_wait3A_192 = tpu.memref_slice %arg4[%dma_wait3A_191] : memref<320000xi32, #tpu.memory_space<hbm>> -> memref<80xi32, #tpu.memory_space<hbm>>
      tpu.wait_dma2 semaphore(%arg30 : memref<!tpu.dma_semaphore, #tpu.memory_space<semaphore_mem>>) src(%dma_wait3A_192 : memref<80xi32, #tpu.memory_space<hbm>>) dst(%arg13 : memref<80xi32, #tpu.memory_space<vmem>>)
      "tpu.region"() ({
        %run_scoped3A = tpu.sem_alloc : memref<!tpu.dma_semaphore, #tpu.memory_space<semaphore_mem>>
        %dma_start3A_198 = arith.constant 0 : i32
        %dma_start3A_199 = arith.constant 0 : i32
        %dma_start3A_200 = tpu.memref_slice %arg18[%dma_start3A_198, %dma_start3A_199] : memref<10240x128xf32, #tpu.memory_space<vmem_shared>> -> memref<10240x128xf32, #tpu.memory_space<vmem_shared>>
        tpu.enqueue_indirect_dma source(%arg17 : memref<80x128xf32, #tpu.memory_space<vmem>>) target(%dma_start3A_200 : memref<10240x128xf32, #tpu.memory_space<vmem_shared>>) offsets(%arg13 : memref<80xi32, #tpu.memory_space<vmem>>) semaphore(%run_scoped3A : memref<!tpu.dma_semaphore, #tpu.memory_space<semaphore_mem>>) {add = true}
        %dma_wait3A_201 = arith.constant 0 : i32
        %dma_wait3A_202 = arith.constant 0 : i32
        %dma_wait3A_203 = tpu.memref_slice %arg18[%dma_wait3A_201, %dma_wait3A_202] : memref<10240x128xf32, #tpu.memory_space<vmem_shared>> -> memref<10240x128xf32, #tpu.memory_space<vmem_shared>>
        tpu.wait_indirect_dma semaphore(%run_scoped3A : memref<!tpu.dma_semaphore, #tpu.memory_space<semaphore_mem>>) src(%arg17 : memref<80x128xf32, #tpu.memory_space<vmem>>) dst(%dma_wait3A_203 : memref<10240x128xf32, #tpu.memory_space<vmem_shared>>)
        tpu.yield
      }) : () -> ()
      %lt3A_193 = arith.constant 30 : i32
      %lt3A_194 = arith.cmpi slt, %scan3A_103, %lt3A_193 : i32
      %convert_element_type3A_195 = arith.extui %lt3A_194 : i1 to i32
      %cond3A_196 = arith.constant 0 : i32
      %cond3A_197 = arith.cmpi ne, %convert_element_type3A_195, %cond3A_196 : i32
      scf.if %cond3A_197 {
        %add3A_198 = arith.constant 3 : i32
        %add3A_199 = arith.addi %mul3A_105, %add3A_198 : i32
        %add3A_200 = arith.constant 4 : i32
        %add3A_201 = arith.addi %add3A_199, %add3A_200 : i32
        %mul3A_202 = arith.constant 80 : i32
        %mul3A_203 = arith.muli %add3A_201, %mul3A_202 : i32
        %add3A_204 = arith.addi %mul3A_4, %mul3A_203 : i32
        %dma_start3A_205 = tpu.memref_slice %arg4[%add3A_204] : memref<320000xi32, #tpu.memory_space<hbm>> -> memref<80xi32, #tpu.memory_space<hbm>>
        %dma_start3A_206 = tpu.memref_slice %arg4[%add3A_204] : memref<320000xi32, #tpu.memory_space<hbm>> -> memref<80xi32, #tpu.memory_space<hbm>>
        tpu.enqueue_dma source(%dma_start3A_206 : memref<80xi32, #tpu.memory_space<hbm>>) target(%arg13 : memref<80xi32, #tpu.memory_space<vmem>>) target_semaphore(%arg30 : memref<!tpu.dma_semaphore, #tpu.memory_space<semaphore_mem>>)
        %dma_wait3A_207 = arith.constant 0 : i32
        %dma_wait3A_208 = tpu.memref_slice %arg3[%dma_wait3A_207] : memref<320000xi32, #tpu.memory_space<hbm>> -> memref<80xi32, #tpu.memory_space<hbm>>
        %dma_wait3A_209 = arith.constant 0 : i32
        %dma_wait3A_210 = tpu.memref_slice %arg3[%dma_wait3A_209] : memref<320000xi32, #tpu.memory_space<hbm>> -> memref<80xi32, #tpu.memory_space<hbm>>
        tpu.wait_dma2 semaphore(%arg26 : memref<!tpu.dma_semaphore, #tpu.memory_space<semaphore_mem>>) src(%dma_wait3A_210 : memref<80xi32, #tpu.memory_space<hbm>>) dst(%arg9 : memref<80xi32, #tpu.memory_space<vmem>>)
        %dma_start3A_211 = arith.constant 0 : i32
        %dma_start3A_212 = arith.constant 0 : i32
        %dma_start3A_213 = tpu.memref_slice %arg2[%dma_start3A_211, %dma_start3A_212] : memref<10000x128xf32, #tpu.memory_space<hbm>> -> memref<10000x128xf32, #tpu.memory_space<hbm>>
        tpu.enqueue_indirect_dma source(%dma_start3A_213 : memref<10000x128xf32, #tpu.memory_space<hbm>>) target(%arg17 : memref<80x128xf32, #tpu.memory_space<vmem>>) offsets(%arg9 : memref<80xi32, #tpu.memory_space<vmem>>) semaphore(%arg22 : memref<!tpu.dma_semaphore, #tpu.memory_space<semaphore_mem>>)
      } else {
      }
    }
    %scan3A_85 = arith.constant 31 : i32
    %dma_wait3A_86 = arith.constant 0 : i32
    %dma_wait3A_87 = arith.constant 0 : i32
    %dma_wait3A_88 = tpu.memref_slice %arg2[%dma_wait3A_86, %dma_wait3A_87] : memref<10000x128xf32, #tpu.memory_space<hbm>> -> memref<80x128xf32, #tpu.memory_space<hbm>>
    %dma_wait3A_89 = arith.constant 0 : i32
    %dma_wait3A_90 = arith.constant 0 : i32
    %dma_wait3A_91 = tpu.memref_slice %arg2[%dma_wait3A_89, %dma_wait3A_90] : memref<10000x128xf32, #tpu.memory_space<hbm>> -> memref<80x128xf32, #tpu.memory_space<hbm>>
    tpu.wait_dma2 semaphore(%arg19 : memref<!tpu.dma_semaphore, #tpu.memory_space<semaphore_mem>>) src(%dma_wait3A_91 : memref<80x128xf32, #tpu.memory_space<hbm>>) dst(%arg14 : memref<80x128xf32, #tpu.memory_space<vmem>>)
    %dma_wait3A_92 = arith.constant 0 : i32
    %dma_wait3A_93 = tpu.memref_slice %arg4[%dma_wait3A_92] : memref<320000xi32, #tpu.memory_space<hbm>> -> memref<80xi32, #tpu.memory_space<hbm>>
    %dma_wait3A_94 = arith.constant 0 : i32
    %dma_wait3A_95 = tpu.memref_slice %arg4[%dma_wait3A_94] : memref<320000xi32, #tpu.memory_space<hbm>> -> memref<80xi32, #tpu.memory_space<hbm>>
    tpu.wait_dma2 semaphore(%arg27 : memref<!tpu.dma_semaphore, #tpu.memory_space<semaphore_mem>>) src(%dma_wait3A_95 : memref<80xi32, #tpu.memory_space<hbm>>) dst(%arg10 : memref<80xi32, #tpu.memory_space<vmem>>)
    "tpu.region"() ({
      %run_scoped3A = tpu.sem_alloc : memref<!tpu.dma_semaphore, #tpu.memory_space<semaphore_mem>>
      %dma_start3A_103 = arith.constant 0 : i32
      %dma_start3A_104 = arith.constant 0 : i32
      %dma_start3A_105 = tpu.memref_slice %arg18[%dma_start3A_103, %dma_start3A_104] : memref<10240x128xf32, #tpu.memory_space<vmem_shared>> -> memref<10240x128xf32, #tpu.memory_space<vmem_shared>>
      tpu.enqueue_indirect_dma source(%arg14 : memref<80x128xf32, #tpu.memory_space<vmem>>) target(%dma_start3A_105 : memref<10240x128xf32, #tpu.memory_space<vmem_shared>>) offsets(%arg10 : memref<80xi32, #tpu.memory_space<vmem>>) semaphore(%run_scoped3A : memref<!tpu.dma_semaphore, #tpu.memory_space<semaphore_mem>>) {add = true}
      %dma_wait3A_106 = arith.constant 0 : i32
      %dma_wait3A_107 = arith.constant 0 : i32
      %dma_wait3A_108 = tpu.memref_slice %arg18[%dma_wait3A_106, %dma_wait3A_107] : memref<10240x128xf32, #tpu.memory_space<vmem_shared>> -> memref<10240x128xf32, #tpu.memory_space<vmem_shared>>
      tpu.wait_indirect_dma semaphore(%run_scoped3A : memref<!tpu.dma_semaphore, #tpu.memory_space<semaphore_mem>>) src(%arg14 : memref<80x128xf32, #tpu.memory_space<vmem>>) dst(%dma_wait3A_108 : memref<10240x128xf32, #tpu.memory_space<vmem_shared>>)
      tpu.yield
    }) : () -> ()
    %barrier3A_96 = arith.constant 0 : index
    tpu.barrier barrier_id(%barrier3A_96)
    %scan3A_97 = arith.constant 0 : i32
    %scan3A_98 = arith.constant 0 : i32
    %scan3A_99 = arith.constant 4 : i32
    %scan3A_100 = arith.addi %scan3A_98, %scan3A_99 : i32
    %scan3A_101 = arith.constant 1 : i32
    scf.for %scan3A_103 = %scan3A_98 to %scan3A_100 step %scan3A_101  : i32 {
      %mul3A_104 = arith.constant 2 : i32
      %mul3A_105 = arith.muli %mul3A_104, %scan3A_103 : i32
      %add3A_106 = arith.constant 0 : i32
      %add3A_107 = arith.addi %mul3A_105, %add3A_106 : i32
      %mul3A_108 = arith.constant 80 : i32
      %mul3A_109 = arith.muli %add3A_107, %mul3A_108 : i32
      %add3A_110 = arith.addi %mul3A_2, %mul3A_109 : i32
      "tpu.region"() ({
        %run_scoped3A = tpu.sem_alloc : memref<!tpu.dma_semaphore, #tpu.memory_space<semaphore_mem>>
        %dma_start3A_156 = arith.constant 0 : i32
        %dma_start3A_157 = tpu.memref_slice %arg18[%add3A_110, %dma_start3A_156] : memref<10240x128xf32, #tpu.memory_space<vmem_shared>> -> memref<80x128xf32, #tpu.memory_space<vmem_shared>>
        %dma_start3A_158 = arith.constant 0 : i32
        %dma_start3A_159 = tpu.memref_slice %arg18[%add3A_110, %dma_start3A_158] : memref<10240x128xf32, #tpu.memory_space<vmem_shared>> -> memref<80x128xf32, #tpu.memory_space<vmem_shared>>
        tpu.enqueue_dma source(%dma_start3A_159 : memref<80x128xf32, #tpu.memory_space<vmem_shared>>) target(%arg14 : memref<80x128xf32, #tpu.memory_space<vmem>>) target_semaphore(%run_scoped3A : memref<!tpu.dma_semaphore, #tpu.memory_space<semaphore_mem>>)
        %dma_wait3A_160 = arith.constant 0 : i32
        %dma_wait3A_161 = tpu.memref_slice %arg18[%add3A_110, %dma_wait3A_160] : memref<10240x128xf32, #tpu.memory_space<vmem_shared>> -> memref<80x128xf32, #tpu.memory_space<vmem_shared>>
        %dma_wait3A_162 = arith.constant 0 : i32
        %dma_wait3A_163 = tpu.memref_slice %arg18[%add3A_110, %dma_wait3A_162] : memref<10240x128xf32, #tpu.memory_space<vmem_shared>> -> memref<80x128xf32, #tpu.memory_space<vmem_shared>>
        tpu.wait_dma2 semaphore(%run_scoped3A : memref<!tpu.dma_semaphore, #tpu.memory_space<semaphore_mem>>) src(%dma_wait3A_163 : memref<80x128xf32, #tpu.memory_space<vmem_shared>>) dst(%arg14 : memref<80x128xf32, #tpu.memory_space<vmem>>)
        tpu.yield
      }) : () -> ()
      %dma_start3A_111 = arith.constant 0 : i32
      %dma_start3A_112 = tpu.memref_slice %arg5[%arg0, %add3A_110, %dma_start3A_111] : memref<2x10240x128xf32, #tpu.memory_space<hbm>> -> memref<1x80x128xf32, #tpu.memory_space<hbm>>
      %dma_start3A_113 = tpu.memref_squeeze %dma_start3A_112 : memref<1x80x128xf32, #tpu.memory_space<hbm>> -> memref<80x128xf32, #tpu.memory_space<hbm>>
      %dma_start3A_114 = arith.constant 0 : i32
      %dma_start3A_115 = tpu.memref_slice %arg5[%arg0, %add3A_110, %dma_start3A_114] : memref<2x10240x128xf32, #tpu.memory_space<hbm>> -> memref<1x80x128xf32, #tpu.memory_space<hbm>>
      %dma_start3A_116 = tpu.memref_squeeze %dma_start3A_115 : memref<1x80x128xf32, #tpu.memory_space<hbm>> -> memref<80x128xf32, #tpu.memory_space<hbm>>
      tpu.enqueue_dma source(%arg14 : memref<80x128xf32, #tpu.memory_space<vmem>>) target(%dma_start3A_116 : memref<80x128xf32, #tpu.memory_space<hbm>>) target_semaphore(%arg19 : memref<!tpu.dma_semaphore, #tpu.memory_space<semaphore_mem>>)
      %mul3A_117 = arith.constant 2 : i32
      %mul3A_118 = arith.muli %mul3A_117, %scan3A_103 : i32
      %add3A_119 = arith.constant 1 : i32
      %add3A_120 = arith.addi %mul3A_118, %add3A_119 : i32
      %mul3A_121 = arith.constant 80 : i32
      %mul3A_122 = arith.muli %add3A_120, %mul3A_121 : i32
      %add3A_123 = arith.addi %mul3A_2, %mul3A_122 : i32
      "tpu.region"() ({
        %run_scoped3A = tpu.sem_alloc : memref<!tpu.dma_semaphore, #tpu.memory_space<semaphore_mem>>
        %dma_start3A_156 = arith.constant 0 : i32
        %dma_start3A_157 = tpu.memref_slice %arg18[%add3A_123, %dma_start3A_156] : memref<10240x128xf32, #tpu.memory_space<vmem_shared>> -> memref<80x128xf32, #tpu.memory_space<vmem_shared>>
        %dma_start3A_158 = arith.constant 0 : i32
        %dma_start3A_159 = tpu.memref_slice %arg18[%add3A_123, %dma_start3A_158] : memref<10240x128xf32, #tpu.memory_space<vmem_shared>> -> memref<80x128xf32, #tpu.memory_space<vmem_shared>>
        tpu.enqueue_dma source(%dma_start3A_159 : memref<80x128xf32, #tpu.memory_space<vmem_shared>>) target(%arg15 : memref<80x128xf32, #tpu.memory_space<vmem>>) target_semaphore(%run_scoped3A : memref<!tpu.dma_semaphore, #tpu.memory_space<semaphore_mem>>)
        %dma_wait3A_160 = arith.constant 0 : i32
        %dma_wait3A_161 = tpu.memref_slice %arg18[%add3A_123, %dma_wait3A_160] : memref<10240x128xf32, #tpu.memory_space<vmem_shared>> -> memref<80x128xf32, #tpu.memory_space<vmem_shared>>
        %dma_wait3A_162 = arith.constant 0 : i32
        %dma_wait3A_163 = tpu.memref_slice %arg18[%add3A_123, %dma_wait3A_162] : memref<10240x128xf32, #tpu.memory_space<vmem_shared>> -> memref<80x128xf32, #tpu.memory_space<vmem_shared>>
        tpu.wait_dma2 semaphore(%run_scoped3A : memref<!tpu.dma_semaphore, #tpu.memory_space<semaphore_mem>>) src(%dma_wait3A_163 : memref<80x128xf32, #tpu.memory_space<vmem_shared>>) dst(%arg15 : memref<80x128xf32, #tpu.memory_space<vmem>>)
        tpu.yield
      }) : () -> ()
      %dma_start3A_124 = arith.constant 0 : i32
      %dma_start3A_125 = tpu.memref_slice %arg5[%arg0, %add3A_123, %dma_start3A_124] : memref<2x10240x128xf32, #tpu.memory_space<hbm>> -> memref<1x80x128xf32, #tpu.memory_space<hbm>>
      %dma_start3A_126 = tpu.memref_squeeze %dma_start3A_125 : memref<1x80x128xf32, #tpu.memory_space<hbm>> -> memref<80x128xf32, #tpu.memory_space<hbm>>
      %dma_start3A_127 = arith.constant 0 : i32
      %dma_start3A_128 = tpu.memref_slice %arg5[%arg0, %add3A_123, %dma_start3A_127] : memref<2x10240x128xf32, #tpu.memory_space<hbm>> -> memref<1x80x128xf32, #tpu.memory_space<hbm>>
      %dma_start3A_129 = tpu.memref_squeeze %dma_start3A_128 : memref<1x80x128xf32, #tpu.memory_space<hbm>> -> memref<80x128xf32, #tpu.memory_space<hbm>>
      tpu.enqueue_dma source(%arg15 : memref<80x128xf32, #tpu.memory_space<vmem>>) target(%dma_start3A_129 : memref<80x128xf32, #tpu.memory_space<hbm>>) target_semaphore(%arg20 : memref<!tpu.dma_semaphore, #tpu.memory_space<semaphore_mem>>)
      %mul3A_130 = arith.constant 2 : i32
      %mul3A_131 = arith.muli %mul3A_130, %scan3A_103 : i32
      %add3A_132 = arith.constant 0 : i32
      %add3A_133 = arith.addi %mul3A_131, %add3A_132 : i32
      %mul3A_134 = arith.constant 80 : i32
      %mul3A_135 = arith.muli %add3A_133, %mul3A_134 : i32
      %add3A_136 = arith.addi %mul3A_2, %mul3A_135 : i32
      %dma_wait3A_137 = arith.constant 0 : i32
      %dma_wait3A_138 = tpu.memref_slice %arg5[%arg0, %add3A_136, %dma_wait3A_137] : memref<2x10240x128xf32, #tpu.memory_space<hbm>> -> memref<1x80x128xf32, #tpu.memory_space<hbm>>
      %dma_wait3A_139 = tpu.memref_squeeze %dma_wait3A_138 : memref<1x80x128xf32, #tpu.memory_space<hbm>> -> memref<80x128xf32, #tpu.memory_space<hbm>>
      %dma_wait3A_140 = arith.constant 0 : i32
      %dma_wait3A_141 = tpu.memref_slice %arg5[%arg0, %add3A_136, %dma_wait3A_140] : memref<2x10240x128xf32, #tpu.memory_space<hbm>> -> memref<1x80x128xf32, #tpu.memory_space<hbm>>
      %dma_wait3A_142 = tpu.memref_squeeze %dma_wait3A_141 : memref<1x80x128xf32, #tpu.memory_space<hbm>> -> memref<80x128xf32, #tpu.memory_space<hbm>>
      tpu.wait_dma2 semaphore(%arg19 : memref<!tpu.dma_semaphore, #tpu.memory_space<semaphore_mem>>) src(%arg14 : memref<80x128xf32, #tpu.memory_space<vmem>>) dst(%dma_wait3A_142 : memref<80x128xf32, #tpu.memory_space<hbm>>)
      %mul3A_143 = arith.constant 2 : i32
      %mul3A_144 = arith.muli %mul3A_143, %scan3A_103 : i32
      %add3A_145 = arith.constant 1 : i32
      %add3A_146 = arith.addi %mul3A_144, %add3A_145 : i32
      %mul3A_147 = arith.constant 80 : i32
      %mul3A_148 = arith.muli %add3A_146, %mul3A_147 : i32
      %add3A_149 = arith.addi %mul3A_2, %mul3A_148 : i32
      %dma_wait3A_150 = arith.constant 0 : i32
      %dma_wait3A_151 = tpu.memref_slice %arg5[%arg0, %add3A_149, %dma_wait3A_150] : memref<2x10240x128xf32, #tpu.memory_space<hbm>> -> memref<1x80x128xf32, #tpu.memory_space<hbm>>
      %dma_wait3A_152 = tpu.memref_squeeze %dma_wait3A_151 : memref<1x80x128xf32, #tpu.memory_space<hbm>> -> memref<80x128xf32, #tpu.memory_space<hbm>>
      %dma_wait3A_153 = arith.constant 0 : i32
      %dma_wait3A_154 = tpu.memref_slice %arg5[%arg0, %add3A_149, %dma_wait3A_153] : memref<2x10240x128xf32, #tpu.memory_space<hbm>> -> memref<1x80x128xf32, #tpu.memory_space<hbm>>
      %dma_wait3A_155 = tpu.memref_squeeze %dma_wait3A_154 : memref<1x80x128xf32, #tpu.memory_space<hbm>> -> memref<80x128xf32, #tpu.memory_space<hbm>>
      tpu.wait_dma2 semaphore(%arg20 : memref<!tpu.dma_semaphore, #tpu.memory_space<semaphore_mem>>) src(%arg15 : memref<80x128xf32, #tpu.memory_space<vmem>>) dst(%dma_wait3A_155 : memref<80x128xf32, #tpu.memory_space<hbm>>)
    }
    %scan3A_102 = arith.constant 4 : i32
    return
  }
}

module attributes {stable_mosaic.version = 14 : i64} {
  func.func @_mlp_kernel(%arg0: memref<10000x128xf32, #tpu.memory_space<vmem>>, %arg1: memref<2x10240x128xf32, #tpu.memory_space<vmem>>, %arg2: memref<128x128xf32, #tpu.memory_space<vmem>>, %arg3: memref<1x128xf32, #tpu.memory_space<vmem>>, %arg4: memref<1x128xf32, #tpu.memory_space<vmem>>, %arg5: memref<1x128xf32, #tpu.memory_space<vmem>>, %arg6: memref<128x128xf32, #tpu.memory_space<vmem>>, %arg7: memref<1x128xf32, #tpu.memory_space<vmem>>, %arg8: memref<10000x128xf32, #tpu.memory_space<vmem>>) attributes {dimension_semantics = [], scalar_prefetch = 0 : i64, scratch_operands = 0 : i64, tpu.core_type = #tpu.core_type<tc>} {
    %get3A = arith.constant 0 : index
    %get3A_0 = arith.constant 0 : index
    %get3A_1 = vector.load %arg0[%get3A, %get3A_0] : memref<10000x128xf32, #tpu.memory_space<vmem>>, vector<10000x128xf32>
    %get3A_2 = arith.constant 0 : index
    %get3A_3 = arith.constant 0 : index
    %get3A_4 = arith.constant 0 : index
    %get3A_5 = vector.load %arg1[%get3A_2, %get3A_3, %get3A_4] : memref<2x10240x128xf32, #tpu.memory_space<vmem>>, vector<1x10000x128xf32>
    %get3A_6 = vector.shape_cast %get3A_5 : vector<1x10000x128xf32> to vector<10000x128xf32>
    %add3A = arith.addf %get3A_1, %get3A_6 : vector<10000x128xf32>
    %get3A_7 = arith.constant 1 : index
    %get3A_8 = arith.constant 0 : index
    %get3A_9 = arith.constant 0 : index
    %get3A_10 = vector.load %arg1[%get3A_7, %get3A_8, %get3A_9] : memref<2x10240x128xf32, #tpu.memory_space<vmem>>, vector<1x10000x128xf32>
    %get3A_11 = vector.shape_cast %get3A_10 : vector<1x10000x128xf32> to vector<10000x128xf32>
    %add3A_12 = arith.addf %add3A, %get3A_11 : vector<10000x128xf32>
    %get3A_13 = arith.constant 0 : index
    %get3A_14 = arith.constant 0 : index
    %get3A_15 = vector.load %arg2[%get3A_13, %get3A_14] : memref<128x128xf32, #tpu.memory_space<vmem>>, vector<128x128xf32>
    %get3A_16 = arith.constant 0 : index
    %get3A_17 = arith.constant 0 : index
    %get3A_18 = vector.load %arg3[%get3A_16, %get3A_17] : memref<1x128xf32, #tpu.memory_space<vmem>>, vector<1x128xf32>
    %get3A_19 = arith.constant 0 : index
    %get3A_20 = arith.constant 0 : index
    %get3A_21 = vector.load %arg4[%get3A_19, %get3A_20] : memref<1x128xf32, #tpu.memory_space<vmem>>, vector<1x128xf32>
    %get3A_22 = arith.constant 0 : index
    %get3A_23 = arith.constant 0 : index
    %get3A_24 = vector.load %arg5[%get3A_22, %get3A_23] : memref<1x128xf32, #tpu.memory_space<vmem>>, vector<1x128xf32>
    %get3A_25 = arith.constant 0 : index
    %get3A_26 = arith.constant 0 : index
    %get3A_27 = vector.load %arg6[%get3A_25, %get3A_26] : memref<128x128xf32, #tpu.memory_space<vmem>>, vector<128x128xf32>
    %get3A_28 = arith.constant 0 : index
    %get3A_29 = arith.constant 0 : index
    %get3A_30 = vector.load %arg7[%get3A_28, %get3A_29] : memref<1x128xf32, #tpu.memory_space<vmem>>, vector<1x128xf32>
    %dot_general3A = arith.constant dense<0.000000e+00> : vector<10000x128xf32>
    %dot_general3A_31 = tpu.matmul %add3A_12, %get3A_15, %dot_general3A {dimension_numbers = #tpu.dot_dimension_numbers<[1], [0], [0], [1], [0, 0, 1, 1], [], []>, transpose_lhs_hint = false} : vector<10000x128xf32>, vector<128x128xf32>, vector<10000x128xf32> -> vector<10000x128xf32>
    %add3A_32 = vector.broadcast %get3A_18 : vector<1x128xf32> to vector<10000x128xf32>
    %add3A_33 = arith.addf %dot_general3A_31, %add3A_32 : vector<10000x128xf32>
    %reduce_sum3A = arith.constant dense<0.000000e+00> : vector<128xf32>
    %reduce_sum3A_34 = vector.multi_reduction <add>, %add3A_33, %reduce_sum3A [0] : vector<10000x128xf32> to vector<128xf32>
    %broadcast_in_dim3A = vector.shape_cast %reduce_sum3A_34 : vector<128xf32> to vector<1x128xf32>
    %div3A = arith.constant 1.000000e+04 : f32
    %div3A_35 = vector.broadcast %div3A : f32 to vector<1x128xf32>
    %div3A_36 = arith.divf %broadcast_in_dim3A, %div3A_35 : vector<1x128xf32>
    %sub3A = vector.broadcast %div3A_36 : vector<1x128xf32> to vector<10000x128xf32>
    %sub3A_37 = arith.subf %add3A_33, %sub3A : vector<10000x128xf32>
    %integer_pow3A = arith.mulf %sub3A_37, %sub3A_37 : vector<10000x128xf32>
    %reduce_sum3A_38 = arith.constant dense<0.000000e+00> : vector<128xf32>
    %reduce_sum3A_39 = vector.multi_reduction <add>, %integer_pow3A, %reduce_sum3A_38 [0] : vector<10000x128xf32> to vector<128xf32>
    %broadcast_in_dim3A_40 = vector.shape_cast %reduce_sum3A_39 : vector<128xf32> to vector<1x128xf32>
    %div3A_41 = arith.constant 1.000000e+04 : f32
    %div3A_42 = vector.broadcast %div3A_41 : f32 to vector<1x128xf32>
    %div3A_43 = arith.divf %broadcast_in_dim3A_40, %div3A_42 : vector<1x128xf32>
    %sub3A_44 = vector.broadcast %div3A_36 : vector<1x128xf32> to vector<10000x128xf32>
    %sub3A_45 = arith.subf %add3A_33, %sub3A_44 : vector<10000x128xf32>
    %add3A_46 = arith.constant 9.99999974E-6 : f32
    %add3A_47 = vector.broadcast %add3A_46 : f32 to vector<1x128xf32>
    %add3A_48 = arith.addf %div3A_43, %add3A_47 : vector<1x128xf32>
    %rsqrt3A = math.rsqrt %add3A_48 : vector<1x128xf32>
    %mul3A = vector.broadcast %rsqrt3A : vector<1x128xf32> to vector<10000x128xf32>
    %mul3A_49 = arith.mulf %sub3A_45, %mul3A : vector<10000x128xf32>
    %mul3A_50 = vector.broadcast %get3A_21 : vector<1x128xf32> to vector<10000x128xf32>
    %mul3A_51 = arith.mulf %mul3A_49, %mul3A_50 : vector<10000x128xf32>
    %add3A_52 = vector.broadcast %get3A_24 : vector<1x128xf32> to vector<10000x128xf32>
    %add3A_53 = arith.addf %mul3A_51, %add3A_52 : vector<10000x128xf32>
    %max3A = arith.constant 0.000000e+00 : f32
    %max3A_54 = vector.broadcast %max3A : f32 to vector<10000x128xf32>
    %max3A_55 = arith.maximumf %add3A_53, %max3A_54 : vector<10000x128xf32>
    %dot_general3A_56 = arith.constant dense<0.000000e+00> : vector<10000x128xf32>
    %dot_general3A_57 = tpu.matmul %max3A_55, %get3A_27, %dot_general3A_56 {dimension_numbers = #tpu.dot_dimension_numbers<[1], [0], [0], [1], [0, 0, 1, 1], [], []>, transpose_lhs_hint = false} : vector<10000x128xf32>, vector<128x128xf32>, vector<10000x128xf32> -> vector<10000x128xf32>
    %add3A_58 = vector.broadcast %get3A_30 : vector<1x128xf32> to vector<10000x128xf32>
    %add3A_59 = arith.addf %dot_general3A_57, %add3A_58 : vector<10000x128xf32>
    %max3A_60 = arith.constant 0.000000e+00 : f32
    %max3A_61 = vector.broadcast %max3A_60 : f32 to vector<10000x128xf32>
    %max3A_62 = arith.maximumf %add3A_59, %max3A_61 : vector<10000x128xf32>
    %swap3A = arith.constant 0 : index
    %swap3A_63 = arith.constant 0 : index
    %swap3A_64 = vector.load %arg8[%swap3A, %swap3A_63] : memref<10000x128xf32, #tpu.memory_space<vmem>>, vector<10000x128xf32>
    tpu.vector_store %arg8[%swap3A, %swap3A_63], %max3A_62 {strides = array<i32>} : memref<10000x128xf32, #tpu.memory_space<vmem>>, vector<10000x128xf32>,
    return
  }
}

module attributes {stable_mosaic.version = 14 : i64} {
  func.func @_mlp_pool_kernel(%arg0: memref<10000x128xf32, #tpu.memory_space<vmem>>, %arg1: memref<2x10240x128xf32, #tpu.memory_space<vmem>>, %arg2: memref<1x10000xi32, #tpu.memory_space<vmem>>, %arg3: memref<128x128xf32, #tpu.memory_space<vmem>>, %arg4: memref<1x128xf32, #tpu.memory_space<vmem>>, %arg5: memref<1x128xf32, #tpu.memory_space<vmem>>, %arg6: memref<1x128xf32, #tpu.memory_space<vmem>>, %arg7: memref<128x128xf32, #tpu.memory_space<vmem>>, %arg8: memref<1x128xf32, #tpu.memory_space<vmem>>, %arg9: memref<128x1xf32, #tpu.memory_space<vmem>>, %arg10: memref<1x1xf32, #tpu.memory_space<vmem>>, %arg11: memref<64x1xf32, #tpu.memory_space<vmem>>) attributes {dimension_semantics = [], scalar_prefetch = 0 : i64, scratch_operands = 0 : i64, tpu.core_type = #tpu.core_type<tc>} {
    %get3A = arith.constant 0 : index
    %get3A_0 = arith.constant 0 : index
    %get3A_1 = vector.load %arg0[%get3A, %get3A_0] : memref<10000x128xf32, #tpu.memory_space<vmem>>, vector<10000x128xf32>
    %get3A_2 = arith.constant 0 : index
    %get3A_3 = arith.constant 0 : index
    %get3A_4 = arith.constant 0 : index
    %get3A_5 = vector.load %arg1[%get3A_2, %get3A_3, %get3A_4] : memref<2x10240x128xf32, #tpu.memory_space<vmem>>, vector<1x10000x128xf32>
    %get3A_6 = vector.shape_cast %get3A_5 : vector<1x10000x128xf32> to vector<10000x128xf32>
    %add3A = arith.addf %get3A_1, %get3A_6 : vector<10000x128xf32>
    %get3A_7 = arith.constant 1 : index
    %get3A_8 = arith.constant 0 : index
    %get3A_9 = arith.constant 0 : index
    %get3A_10 = vector.load %arg1[%get3A_7, %get3A_8, %get3A_9] : memref<2x10240x128xf32, #tpu.memory_space<vmem>>, vector<1x10000x128xf32>
    %get3A_11 = vector.shape_cast %get3A_10 : vector<1x10000x128xf32> to vector<10000x128xf32>
    %add3A_12 = arith.addf %add3A, %get3A_11 : vector<10000x128xf32>
    %get3A_13 = arith.constant 0 : index
    %get3A_14 = arith.constant 0 : index
    %get3A_15 = vector.load %arg3[%get3A_13, %get3A_14] : memref<128x128xf32, #tpu.memory_space<vmem>>, vector<128x128xf32>
    %get3A_16 = arith.constant 0 : index
    %get3A_17 = arith.constant 0 : index
    %get3A_18 = vector.load %arg4[%get3A_16, %get3A_17] : memref<1x128xf32, #tpu.memory_space<vmem>>, vector<1x128xf32>
    %get3A_19 = arith.constant 0 : index
    %get3A_20 = arith.constant 0 : index
    %get3A_21 = vector.load %arg5[%get3A_19, %get3A_20] : memref<1x128xf32, #tpu.memory_space<vmem>>, vector<1x128xf32>
    %get3A_22 = arith.constant 0 : index
    %get3A_23 = arith.constant 0 : index
    %get3A_24 = vector.load %arg6[%get3A_22, %get3A_23] : memref<1x128xf32, #tpu.memory_space<vmem>>, vector<1x128xf32>
    %get3A_25 = arith.constant 0 : index
    %get3A_26 = arith.constant 0 : index
    %get3A_27 = vector.load %arg7[%get3A_25, %get3A_26] : memref<128x128xf32, #tpu.memory_space<vmem>>, vector<128x128xf32>
    %get3A_28 = arith.constant 0 : index
    %get3A_29 = arith.constant 0 : index
    %get3A_30 = vector.load %arg8[%get3A_28, %get3A_29] : memref<1x128xf32, #tpu.memory_space<vmem>>, vector<1x128xf32>
    %dot_general3A = arith.constant dense<0.000000e+00> : vector<10000x128xf32>
    %dot_general3A_31 = tpu.matmul %add3A_12, %get3A_15, %dot_general3A {dimension_numbers = #tpu.dot_dimension_numbers<[1], [0], [0], [1], [0, 0, 1, 1], [], []>, transpose_lhs_hint = false} : vector<10000x128xf32>, vector<128x128xf32>, vector<10000x128xf32> -> vector<10000x128xf32>
    %add3A_32 = vector.broadcast %get3A_18 : vector<1x128xf32> to vector<10000x128xf32>
    %add3A_33 = arith.addf %dot_general3A_31, %add3A_32 : vector<10000x128xf32>
    %reduce_sum3A = arith.constant dense<0.000000e+00> : vector<128xf32>
    %reduce_sum3A_34 = vector.multi_reduction <add>, %add3A_33, %reduce_sum3A [0] : vector<10000x128xf32> to vector<128xf32>
    %broadcast_in_dim3A = vector.shape_cast %reduce_sum3A_34 : vector<128xf32> to vector<1x128xf32>
    %div3A = arith.constant 1.000000e+04 : f32
    %div3A_35 = vector.broadcast %div3A : f32 to vector<1x128xf32>
    %div3A_36 = arith.divf %broadcast_in_dim3A, %div3A_35 : vector<1x128xf32>
    %sub3A = vector.broadcast %div3A_36 : vector<1x128xf32> to vector<10000x128xf32>
    %sub3A_37 = arith.subf %add3A_33, %sub3A : vector<10000x128xf32>
    %integer_pow3A = arith.mulf %sub3A_37, %sub3A_37 : vector<10000x128xf32>
    %reduce_sum3A_38 = arith.constant dense<0.000000e+00> : vector<128xf32>
    %reduce_sum3A_39 = vector.multi_reduction <add>, %integer_pow3A, %reduce_sum3A_38 [0] : vector<10000x128xf32> to vector<128xf32>
    %broadcast_in_dim3A_40 = vector.shape_cast %reduce_sum3A_39 : vector<128xf32> to vector<1x128xf32>
    %div3A_41 = arith.constant 1.000000e+04 : f32
    %div3A_42 = vector.broadcast %div3A_41 : f32 to vector<1x128xf32>
    %div3A_43 = arith.divf %broadcast_in_dim3A_40, %div3A_42 : vector<1x128xf32>
    %sub3A_44 = vector.broadcast %div3A_36 : vector<1x128xf32> to vector<10000x128xf32>
    %sub3A_45 = arith.subf %add3A_33, %sub3A_44 : vector<10000x128xf32>
    %add3A_46 = arith.constant 9.99999974E-6 : f32
    %add3A_47 = vector.broadcast %add3A_46 : f32 to vector<1x128xf32>
    %add3A_48 = arith.addf %div3A_43, %add3A_47 : vector<1x128xf32>
    %rsqrt3A = math.rsqrt %add3A_48 : vector<1x128xf32>
    %mul3A = vector.broadcast %rsqrt3A : vector<1x128xf32> to vector<10000x128xf32>
    %mul3A_49 = arith.mulf %sub3A_45, %mul3A : vector<10000x128xf32>
    %mul3A_50 = vector.broadcast %get3A_21 : vector<1x128xf32> to vector<10000x128xf32>
    %mul3A_51 = arith.mulf %mul3A_49, %mul3A_50 : vector<10000x128xf32>
    %add3A_52 = vector.broadcast %get3A_24 : vector<1x128xf32> to vector<10000x128xf32>
    %add3A_53 = arith.addf %mul3A_51, %add3A_52 : vector<10000x128xf32>
    %max3A = arith.constant 0.000000e+00 : f32
    %max3A_54 = vector.broadcast %max3A : f32 to vector<10000x128xf32>
    %max3A_55 = arith.maximumf %add3A_53, %max3A_54 : vector<10000x128xf32>
    %dot_general3A_56 = arith.constant dense<0.000000e+00> : vector<10000x128xf32>
    %dot_general3A_57 = tpu.matmul %max3A_55, %get3A_27, %dot_general3A_56 {dimension_numbers = #tpu.dot_dimension_numbers<[1], [0], [0], [1], [0, 0, 1, 1], [], []>, transpose_lhs_hint = false} : vector<10000x128xf32>, vector<128x128xf32>, vector<10000x128xf32> -> vector<10000x128xf32>
    %add3A_58 = vector.broadcast %get3A_30 : vector<1x128xf32> to vector<10000x128xf32>
    %add3A_59 = arith.addf %dot_general3A_57, %add3A_58 : vector<10000x128xf32>
    %max3A_60 = arith.constant 0.000000e+00 : f32
    %max3A_61 = vector.broadcast %max3A_60 : f32 to vector<10000x128xf32>
    %max3A_62 = arith.maximumf %add3A_59, %max3A_61 : vector<10000x128xf32>
    %get3A_63 = arith.constant 0 : index
    %get3A_64 = arith.constant 0 : index
    %get3A_65 = vector.load %arg2[%get3A_63, %get3A_64] : memref<1x10000xi32, #tpu.memory_space<vmem>>, vector<1x10000xi32>
    %iota3A = tpu.iota {dimensions = array<i32: 0>} : vector<64x10000xi32>
    %eq3A = vector.broadcast %get3A_65 : vector<1x10000xi32> to vector<64x10000xi32>
    %eq3A_66 = arith.cmpi eq, %eq3A, %iota3A : vector<64x10000xi32>
    %convert_element_type3A = arith.extui %eq3A_66 : vector<64x10000xi1> to vector<64x10000xi32>
    %convert_element_type3A_67 = arith.sitofp %convert_element_type3A : vector<64x10000xi32> to vector<64x10000xf32>
    %dot_general3A_68 = arith.constant dense<0.000000e+00> : vector<64x128xf32>
    %dot_general3A_69 = tpu.matmul %convert_element_type3A_67, %max3A_62, %dot_general3A_68 {dimension_numbers = #tpu.dot_dimension_numbers<[1], [0], [0], [1], [0, 0, 1, 1], [], []>, transpose_lhs_hint = false} : vector<64x10000xf32>, vector<10000x128xf32>, vector<64x128xf32> -> vector<64x128xf32>
    %get3A_70 = arith.constant 0 : index
    %get3A_71 = arith.constant 0 : index
    %get3A_72 = vector.load %arg9[%get3A_70, %get3A_71] : memref<128x1xf32, #tpu.memory_space<vmem>>, vector<128x1xf32>
    %dot_general3A_73 = arith.constant dense<0.000000e+00> : vector<64x1xf32>
    %dot_general3A_74 = tpu.matmul %dot_general3A_69, %get3A_72, %dot_general3A_73 {dimension_numbers = #tpu.dot_dimension_numbers<[1], [0], [0], [1], [0, 0, 1, 1], [], []>, transpose_lhs_hint = false} : vector<64x128xf32>, vector<128x1xf32>, vector<64x1xf32> -> vector<64x1xf32>
    %get3A_75 = arith.constant 0 : index
    %get3A_76 = arith.constant 0 : index
    %get3A_77 = vector.load %arg10[%get3A_75, %get3A_76] : memref<1x1xf32, #tpu.memory_space<vmem>>, vector<1x1xf32>
    %add3A_78 = vector.broadcast %get3A_77 : vector<1x1xf32> to vector<64x1xf32>
    %add3A_79 = arith.addf %dot_general3A_74, %add3A_78 : vector<64x1xf32>
    %swap3A = arith.constant 0 : index
    %swap3A_80 = arith.constant 0 : index
    %swap3A_81 = vector.load %arg11[%swap3A, %swap3A_80] : memref<64x1xf32, #tpu.memory_space<vmem>>, vector<64x1xf32>
    tpu.vector_store %arg11[%swap3A, %swap3A_80], %add3A_79 {strides = array<i32>} : memref<64x1xf32, #tpu.memory_space<vmem>>, vector<64x1xf32>,
    return
  }
}

</mosaic_0001>

<sc_bundles>
// kernel: kernel.6.cloned.1.call-start
scs
__scs_entry_jumppad:
0x0: {  	(pc) =	sbr.rel $0x88, $3  }
0x1: {  	(tag) =	ssettag $0x0;
	lr =	simm.s32 $0x1  }
0x2: {  	[smem:$0x3F90] =	sst lr;
	_ =	strace $0xD0000000  }
0x3: {  	_ = 	snop  }
0x4: {  	_ = 	snop  }
0x5: {  	_ = 	snop  }
0x6: {  	_ = 	snop  }
0x7: {  	_ = 	snop  }
__scs_overlays_trampoline_lowered:
0x8: {  	[smem:$0x3F9F] =	sst s0  }
0x9: {  	[smem:$0x3FA0] =	sst s1  }
0xa: {  	[smem:$0x3FA1] =	sst s2  }
0xb: {  	[smem:$0x3FA2] =	sst s3  }
0xc: {  	[smem:$0x3FA3] =	sst s4  }
0xd: {  	[smem:$0x3FA4] =	sst s5  }
0xe: {  	[smem:$0x3FA5] =	sst s6  }
0xf: {  	[smem:$0x3FA6] =	sst s7  }
0x10: {  	[smem:$0x3FA7] =	sst s8  }
0x11: {  	[smem:$0x3FA8] =	sst s9;
	s0 =	simm.s32 @!p0 $0x0  }
0x12: {  	s1 =	sld [smem:$0x3F8E];
	s0 =	simm.s32 @p0 $0x1  }
0x13: {  	[smem:$0x3FA9] =	sst s0;
	s0 =	simm.s32 @!p1 $0x0  }
0x14: {  	s2 =	sld [smem:$0x3F8D];
	s0 =	simm.s32 @p1 $0x1  }
0x15: {  	[smem:$0x3FAA] =	sst s0;
	s0 =	simm.s32 @!p2 $0x0  }
0x16: {  	s3 =	sld [smem:$0x3FDB];
	s0 =	simm.s32 @p2 $0x1  }
0x17: {  	s4 =	simm.s32 $0x1BF5;
	[smem:$0x3FAC] =	sst s0  }
0x18: {  	s0 =	sld [smem:$0x3F8F];
	_ =	swait.ge [sflag:s4], $0x0  }
0x19: {  	s7 =	sld [smem:$0x3F90]  }
0x1a: {  	s8 =	sadd.s32 $0xFFFFE003, lr  }
0x1b: {  	s9 =	sadd.s32 $0xFFFFFEF7, lr;
	s5 =	simm.s32 $0xFFFFFFFF;
	p2 =	slt.u32 s8, $0xFFFFF086  }
0x1c: {  	p1 =	slt.u32 s9, $0xF7A;
	s5 =	simm.s32 @!p2 $0x0  }
0x1d: {  	s5 =	simm.s32 @p1 $0x1;
	p0 =	seq.s32 s7, s2  }
0x1e: {  	s7 =	smul.u32 @!p0 $0xF7A, s2;
	p2 =	seq.s32 @!p0 s5, $0x0  }
0x1f: {  	s9 =	smul.u32 $0xF7A, s1;
	s8 =	simm.s32 @!p0 $0x1BF5;
	p2 =	por !p2, p0  }
0x20: {  	[sflag:s8] =	ssyncset.s32 @!p0 $0xFFFFF086;
	s6 =	sadd.s32 @!p0 s3, s7;
	s7 =	simm.s32 @!p0 $0x108  }
0x21: {  	s3 =	sadd.s32 s3, s9;
	s6 =	sadd.s32 @!p0 $0x88, s6;
	s7 =	simm.s32 @p2 $0x1082  }
0x22: {  	[simem:s7], [sflag:s8] =	dma.local @!p0 [hbm:s6], $0xF7A  }
0x23: {  	s9 =	sor.u32 $0xD0000000, s2;
	s6 =	simm.s32 $0x108;
	_ =	swait.ge @!p0 [sflag:s8], $0x0  }
0x24: {  	s3 =	sadd.s32 $0x88, s3;
	s6 =	simm.s32 @!p1 $0x1082;
	[sflag:s4] =	ssyncset.s32 $0xFFFFF086  }
0x25: {  	[simem:s6], [sflag:s4] =	dma.local [hbm:s3], $0xF7A  }
0x26: {  	[smem:$0x3F90] =	sst s1;
	(tag) =	ssettag s2;
	_ =	strace s9  }
0x27: {  	s1 =	sld [smem:$0x3FA0]  }
0x28: {  	s2 =	sld [smem:$0x3FA1]  }
0x29: {  	s4 =	sld [smem:$0x3FA3]  }
0x2a: {  	p0 =	seq.s32 s5, $0x0;
	s5 =	sld [smem:$0x3FA4]  }
0x2b: {  	s6 =	sld [smem:$0x3FA5]  }
0x2c: {  	s7 =	sld [smem:$0x3FA6]  }
0x2d: {  	s3 =	simm.s32 $0x108;
	s8 =	sld [smem:$0x3FA7]  }
0x2e: {  	s3 =	simm.s32 @!p0 $0x1082;
	s9 =	sld [smem:$0x3FA8]  }
0x2f: {  	lr =	sadd.s32 s0, s3;
	s0 =	sld [smem:$0x3F9F]  }
0x30: {  	s3 =	sld [smem:$0x3FA2]  }
0x31: {  	[smem:$0x3FAB] =	sst s10  }
0x32: {  	s10 =	sld [smem:$0x3FA9];
	_ =	sdelay $0x3  }
0x33: {  	p0 =	seq.s32 s10, $0x1;
	s10 =	sld [smem:$0x3FAB];
	_ =	sdelay $0x3  }
0x34: {  	[smem:$0x3FAB] =	sst s10  }
0x35: {  	s10 =	sld [smem:$0x3FAA];
	_ =	sdelay $0x3  }
0x36: {  	p1 =	seq.s32 s10, $0x1;
	s10 =	sld [smem:$0x3FAB];
	_ =	sdelay $0x3  }
0x37: {  	[smem:$0x3FAB] =	sst s10  }
0x38: {  	s10 =	sld [smem:$0x3FAC]  }
0x39: {  	_ = 	snop;
	(pc) =	sbr.ind lr, $3  }
0x3a: {  	_ = 	snop  }
0x3b: {  	_ = 	snop  }
0x3c: {  	p2 =	seq.s32 s10, $0x1;
	s10 =	sld [smem:$0x3FAB]  }
0x3d: {  	_ =	shalt  }
0x3e: {  	_ =	shalt  }
0x3f: {  	_ =	shalt  }
0x40: {  	_ =	shalt  }
0x41: {  	_ =	shalt  }
0x42: {  	_ =	shalt  }
0x43: {  	_ =	shalt  }
0x44: {  	_ =	shalt  }
0x45: {  	_ =	shalt  }
0x46: {  	_ =	shalt  }
0x47: {  	_ =	shalt  }
0x48: {  	_ =	shalt  }
0x49: {  	_ =	shalt  }
0x4a: {  	_ =	shalt  }
0x4b: {  	_ =	shalt  }
0x4c: {  	_ =	shalt  }
0x4d: {  	_ =	shalt  }
0x4e: {  	_ =	shalt  }
0x4f: {  	_ =	shalt  }
0x50: {  	_ =	shalt  }
0x51: {  	_ =	shalt  }
0x52: {  	_ =	shalt  }
0x53: {  	_ =	shalt  }
0x54: {  	_ =	shalt  }
0x55: {  	_ =	shalt  }
0x56: {  	_ =	shalt  }
0x57: {  	_ =	shalt  }
0x58: {  	_ =	shalt  }
0x59: {  	_ =	shalt  }
0x5a: {  	_ =	shalt  }
0x5b: {  	_ =	shalt  }
0x5c: {  	_ =	shalt  }
0x5d: {  	_ =	shalt  }
0x5e: {  	_ =	shalt  }
0x5f: {  	_ =	shalt  }
0x60: {  	_ =	shalt  }
0x61: {  	_ =	shalt  }
0x62: {  	_ =	shalt  }
0x63: {  	_ =	shalt  }
0x64: {  	_ =	shalt  }
0x65: {  	_ =	shalt  }
0x66: {  	_ =	shalt  }
0x67: {  	_ =	shalt  }
0x68: {  	_ =	shalt  }
0x69: {  	_ =	shalt  }
0x6a: {  	_ =	shalt  }
0x6b: {  	_ =	shalt  }
0x6c: {  	_ =	shalt  }
0x6d: {  	_ =	shalt  }
0x6e: {  	_ =	shalt  }
0x6f: {  	_ =	shalt  }
0x70: {  	_ =	shalt  }
0x71: {  	_ =	shalt  }
0x72: {  	_ =	shalt  }
0x73: {  	_ =	shalt  }
0x74: {  	_ =	shalt  }
0x75: {  	_ =	shalt  }
0x76: {  	_ =	shalt  }
0x77: {  	_ =	shalt  }
0x78: {  	_ =	shalt  }
0x79: {  	_ =	shalt  }
0x7a: {  	_ =	shalt  }
0x7b: {  	_ =	shalt  }
0x7c: {  	_ =	shalt  }
0x7d: {  	_ =	shalt  }
0x7e: {  	_ =	shalt  }
0x7f: {  	_ =	shalt  }
0x80: {  	_ =	shalt  }
0x81: {  	_ =	shalt  }
0x82: {  	_ =	shalt  }
0x83: {  	_ =	shalt  }
0x84: {  	_ =	shalt  }
0x85: {  	_ =	shalt  }
0x86: {  	_ =	shalt  }
0x87: {  	_ =	shalt  }
.Lfunc_end0:
.L_simem_size_0:
called_computation_lowered:
.L_overlay_start_0:
0x88: {  	s2 =	sld [smem:$0x3FD9]  }
0x89: {  	s3 =	sld [smem:$0x3FFE];
	_ =	sdelay $0x1  }
0x8a: {  	s1 =	srdreg.scid  }
0x8b: {  	s0 =	sand.u32 $0x1, s1  }
0x8c: {  	s17 =	sshll.u32 s0, $0xA;
	s2 =	sadd.s32 s3, s2  }
0x8d: {  	s2 =	sadd.s32 s2, s17  }
0x8e: {  	[smem:$0x3FB7] =	sst s2  }
0x8f: {  	_ = 	snop  }
0x90: {  	s2 =	sld [smem:$0x3FC9];
	(tm) =	ssettm $0x1  }
0x91: {  	s18 =	sld [smem:$0x3FFB];
	_ =	sdelay $0x3  }
0x92: {  	_ =	strace s18  }
0x93: {  	s3 =	sld [smem:$0x3FFC];
	_ =	sdelay $0x3  }
0x94: {  	_ =	strace s3  }
0x95: {  	s3 =	sld [smem:$0x3FFD];
	_ =	sdelay $0x3  }
0x96: {  	_ =	strace s3  }
0x97: {  	_ =	strace $0x8FFFFFFF  }
0x98: {  	s19 =	sld [smem:$0x3FDB];
	_ =	sdelay $0x1  }
0x99: {  	s4 =	simm.s32 $_scs_section_size  }
0x9a: {  	s5 =	simm.s32 $_size__tile_overlayer_lowered;
	s6 =	simm.s32 $_tile_overlayer_lowered  }
0x9b: {  	s22 =	simm.s32 $0x1BFF;
	s21 =	sshll.u32 s6, $0x1;
	s3 =	sadd.s32 s4, s19  }
0x9c: {  	s7 =	simm.s32 $0x0;
	s20 =	sshll.u32 s5, $0x1;
	s5 =	sadd.s32 s21, s3  }
0x9d: {  	[timem:s7], [sflag:s22] =	dma.local [hbm:s5], s20  }
0x9e: {  	_ =	swait.ge [sflag:s22], s20  }
0x9f: {  	s4 =	ssub.s32 $0x0, s20;
	[sflag:s22] =	ssyncset.done $0x0  }
0xa0: {  	[sflag:s22] =	ssyncadd.s32 s4;
	_ =	sdelay $0x1  }
0xa1: {  	s23 =	simm.s32 $0x1B8B  }
0xa2: {  	_ =	swait.ge [sflag:s23], $0x1  }
0xa3: {  	[sflag:s23] =	ssyncset.done $0x0  }
0xa4: {  	s25 =	simm.s32 $0x1B8E;
	s24 =	sld [smem:$0x3FFE];
	[sflag:s23] =	ssyncadd.s32 $0xFFFFFFFF  }
0xa5: {  	s26 =	simm.s32 $execute0_lowered;
	[smem:$0x3FD2] =	sst s25  }
0xa6: {  	s5 =	sshll.u32 s26, $0x1;
	_ =	strace $0x80000046;
	[dreg:$0x1] =	wrdreg $0xFFFFFFFF  }
0xa7: {  	s28 =	simm.s32 $_size_execute0_lowered;
	s3 =	sadd.s32 s3, s5;
	[dreg:$0x0] =	wrdreg $0x0  }
0xa8: {  	s5 =	sshll.u32 s28, $0x1;
	[dreg:$0x2] =	wrdreg s3  }
0xa9: {  	[dreg:$0x3] =	wrdreg s5  }
0xaa: {  	[dreg:$0x4] =	wrdreg $0xC0  }
0xab: {  	_ =	task [dreg:s7], $0x5FFFF  }
0xac: {  	[dreg:$0x1] =	wrdreg $0xFFFFFFFF  }
0xad: {  	[dreg:$0x0] =	wrdreg $0x60  }
0xae: {  	[dreg:$0x2] =	wrdreg s2  }
0xaf: {  	[dreg:$0x3] =	wrdreg s24  }
0xb0: {  	[dreg:$0x4] =	wrdreg $0xA4000  }
0xb1: {  	[dreg:$0x5] =	wrdreg $0x9  }
0xb2: {  	_ =	task.clear_ibuf [dreg:s7], $0x6FFFF;
	_ =	strace $0x90000046  }
0xb3: {  	s29 =	simm.s32 $0x9;
	_ =	strace $0x80000048  }
0xb4: {  	_ =	swait.ge [sflag:s29], $0x1  }
0xb5: {  	[sflag:s29] =	ssyncadd.s32 $0xFFFFFFFF  }
0xb6: {  	_ =	strace $0x90000048  }
0xb7: {  	_ =	sfence  }
0xb8: {  	s30 =	sld [smem:$0x0];
	_ =	sdelay $0x2  }
0xb9: {  	s31 =	sshll.u32 s1, $0xD;
	s1 =	sshrl.u32 s1, $0x2  }
0xba: {  	s3 =	sand.u32 $0x4000, s31;
	s1 =	sadd.s32 s1, s30  }
0xbb: {  	s0 =	sor.u32 s3, s0;
	s1 =	sshll.u32 s1, $0x11  }
0xbc: {  	s0 =	sor.u32 s1, s0  }
0xbd: {  	s0 =	sadd.s32 $0x8F2B, s0  }
0xbe: {  	[sflag:s0] =	ssyncadd.remote.s32 $0x1  }
0xbf: {  	_ =	sfence.sel $0xFFFF  }
0xc0: {  	[dreg:$0x0] =	wrdreg $0xFFFFFFFF;
	(pc) =	sbr.abs _section_cstart, $3  }
0xc1: {  	[dreg:$0x1] =	wrdreg $0xFFFFFFFF  }
0xc2: {  	_ =	task.clear_ibuf [dreg:s7], $0x2FFFF;
	_ =	strace $0x9FFFFFFF  }
0xc3: {  	(tm) =	ssettm $0x7FFFFFFF  }
tec
execute0_lowered:
.L_overlay_start_1:
0x0: {  	(tag) =	ssettag $0x1  }
0x1: {  	s1 =	rddreg [dreg:$0x0]  }
0x2: {  	s0 =	rddreg [dreg:$0x1]  }
0x3: {  	s2 =	rddreg [dreg:$0x2]  }
0x4: {  	s4 =	srdreg.scid;
	s19 =	stileid.u32  }
0x5: {  	s3 =	simm.s32 $0x0;
	s4 =	sand.u32 $0x1, s4;
	s9 =	smul.u32 $0x14000, s19  }
0x6: {  	[smem:$0x7FF] =	sst s3;
	s5 =	sadd.s32 $0x16800, s0;
	s26 =	smul.u32 $0x140000, s4  }
0x7: {  	s6 =	ssub.s32 $0x2, s4;
	s8 =	sshll.u32 s4, $0x4;
	s4 =	smul.u32 $0x27100, s4  }
0x8: {  	s7 =	sshrl.u32 s6, $0x1;
	s25 =	sor.u32 s19, s8;
	s10 =	sadd.s32 $0x5000, s9  }
0x9: {  	s11 =	sadd.s32 $0xA000, s9;
	s12 =	sadd.s32 $0xF000, s9;
	s15 =	sor.u32 $0x2800, s9  }
0xa: {  	s6 =	ssub.s32 s6, s7;
	s7 =	smul.u32 $0x2710, s25;
	s13 =	sadd.s32 s26, s9  }
0xb: {  	s14 =	sadd.s32 s26, s15;
	s16 =	sadd.s32 s26, s10;
	s21 =	sadd.s32 s26, s11  }
0xc: {  	s24 =	sadd.s32 s26, s12;
	s25 =	smul.u32 $0x2710, s19;
	s13 =	sshrl.u32 s13, $0x3  }
0xd: {  	s14 =	sshrl.u32 s14, $0x3;
	s17 =	sshrl.u32 s16, $0x3;
	s16 =	sadd.s32 $0x7800, s9  }
0xe: {  	s13 =	sadd.s32 s5, s13;
	s18 =	sadd.s32 s5, s17;
	s20 =	sadd.s32 s26, s16  }
0xf: {  	s17 =	sadd.s32 $0xC800, s9;
	s9 =	sadd.s32 $0x11800, s9;
	[dreg:$0x4] =	wrdreg s13  }
0x10: {  	s13 =	sadd.s32 s5, s14;
	[dreg:$0x6] =	wrdreg s18;
	s14 =	sshrl.u32 s21, $0x3  }
0x11: {  	s18 =	sadd.s32 s26, s17;
	[dreg:$0x5] =	wrdreg s13;
	s13 =	sshrl.u32 s20, $0x3  }
0x12: {  	s8 =	sadd.s32 s26, s9;
	s23 =	sshrl.u32 s18, $0x3;
	s13 =	sadd.s32 s5, s13  }
0x13: {  	s26 =	sshrl.u32 s7, $0x3;
	[dreg:$0x7] =	wrdreg s13;
	s13 =	sadd.s32 s5, s23  }
0x14: {  	s22 =	sadd.s32 s5, s14;
	[dreg:$0x9] =	wrdreg s13;
	s13 =	sshrl.u32 s24, $0x3  }
0x15: {  	s8 =	sshrl.u32 s8, $0x3;
	[dreg:$0x8] =	wrdreg s22;
	s13 =	sadd.s32 s5, s13  }
0x16: {  	s14 =	sadd.s32 $0x2C00, s0;
	s5 =	sadd.s32 s5, s8;
	[dreg:$0xa] =	wrdreg s13  }
0x17: {  	s22 =	smul.u32 $0x50000, s19;
	s8 =	sadd.s32 $0xA, s26;
	[dreg:$0xb] =	wrdreg s5  }
0x18: {  	s13 =	sadd.s32 $0xCA00, s0;
	s0 =	sadd.s32 s25, s4;
	s4 =	sadd.s32 s14, s8  }
0x19: {  	s23 =	sadd.s32 s14, s26;
	_ =	strace $0x80000047;
	[dreg:$0xd] =	wrdreg s4  }
0x1a: {  	s7 =	sadd.s32 s16, s2;
	s25 =	sshrl.u32 s22, $0x2;
	[dreg:$0xf] =	wrdreg s23  }
0x1b: {  	s22 =	sadd.s32 s10, s2;
	s10 =	sadd.s32 s17, s2;
	[dreg:$0x1a] =	wrdreg s7  }
0x1c: {  	s28 =	sadd.s32 s11, s2;
	s11 =	sadd.s32 s9, s2;
	[dreg:$0x1b] =	wrdreg s10  }
0x1d: {  	[dreg:$0x1c] =	wrdreg s11  }
0x1e: {  	s30 =	simm.s32 $0x5;
	s31 =	simm.s32 $0x50;
	[dreg:$0x16] =	wrdreg s22  }
0x1f: {  	s29 =	simm.s32 $0x2C00;
	s12 =	sadd.s32 s12, s2;
	[dreg:$0x17] =	wrdreg s28  }
0x20: {  	s21 =	sadd.s32 $0x14, s26;
	s18 =	sadd.s32 s13, s8;
	[dreg:$0x18] =	wrdreg s12  }
0x21: {  	s5 =	sadd.s32 $0x1E, s26;
	s20 =	sadd.s32 s13, s26;
	[dreg:$0xc] =	wrdreg s18  }
0x22: {  	s24 =	sadd.s32 s13, s21;
	s4 =	sadd.s32 s14, s21;
	[dreg:$0xe] =	wrdreg s20  }
0x23: {  	s26 =	sadd.s32 s13, s5;
	s5 =	sadd.s32 s14, s5;
	[dreg:$0x10] =	wrdreg s24  }
0x24: {  	s21 =	sadd.s32 s25, s2;
	s8 =	sadd.s32 $0x230, s0;
	[dreg:$0x11] =	wrdreg s4  }
0x25: {  	s16 =	sadd.s32 $0x1E0, s0;
	s17 =	sadd.s32 $0x190, s0;
	[dreg:$0x12] =	wrdreg s26  }
0x26: {  	s0 =	sadd.s32 $0x140, s0;
	s10 =	simm.s32 $0x7C00;
	[dreg:$0x13] =	wrdreg s5  }
0x27: {  	s5 =	smax.u32 s6, $0x1;
	s6 =	sadd.s32 s15, s2;
	s15 =	sshrl.u32 s8, $0x3  }
0x28: {  	s19 =	sshrl.u32 s16, $0x3;
	s20 =	sshrl.u32 s17, $0x3;
	[dreg:$0x1e] =	wrdreg s0  }
0x29: {  	s23 =	sadd.s32 $0x2800, s21;
	s24 =	sadd.s32 $0x7800, s21;
	[dreg:$0x14] =	wrdreg s21  }
0x2a: {  	s25 =	sadd.s32 $0xC800, s21;
	s26 =	sadd.s32 $0x11800, s21;
	[dreg:$0x15] =	wrdreg s5  }
0x2b: {  	s17 =	simm.s32 $0x400;
	s16 =	simm.s32 $0x9;
	[dreg:$0x19] =	wrdreg s6  }
0x2c: {  	s0 =	simm.s32 $0xE;
	s4 =	sadd.s32 s15, s14;
	[dreg:$0x1f] =	wrdreg s23  }
0x2d: {  	s18 =	sadd.s32 s15, s13;
	s6 =	sadd.s32 s19, s14;
	[smem:$0x7FB] =	sst s24  }
0x2e: {  	s7 =	sadd.s32 s19, s13;
	s8 =	sadd.s32 s20, s14;
	[smem:$0x7FC] =	sst s25  }
.Ltmp0:
0x2f: {  	s9 =	sadd.s32 s20, s13;
	[smem:$0x7FD] =	sst s26;
	(pc) =	sbr.rel .LBB2_1-.Ltmp0, $4  }
0x30: {  	s24 =	simm.s32 $0x380;
	s15 =	simm.s32 $0x8;
	s20 =	simm.s32 $0x1  }
0x31: {  	s19 =	simm.s32 $0x2;
	s25 =	simm.s32 $0xB;
	[dreg:$0x1d] =	wrdreg s4  }
0x32: {  	s26 =	simm.s32 $0xC;
	s5 =	simm.s32 $0x0;
	[smem:$0x7FA] =	sst s18  }
0x33: {  	v0 =	vimm.f32 $0.0e+00;
	s4 =	smov.u32 s14;
	s14 =	smov.u32 s13;
	s18 =	simm.s32 $0x200  }
.LBB2_6:
0x34: {  	_ =	swait.ge [sflag:s20], $0x2800  }
0x35: {  	[sflag:s20] =	ssyncset.done $0x0  }
0x36: {  	[sflag:s20] =	ssyncadd.s32 $0xFFFFD800  }
0x37: {  	_ =	swait.ge [sflag:s16], $0x50  }
0x38: {  	[sflag:s16] =	ssyncset.done $0x0  }
0x39: {  	[sflag:s16] =	ssyncadd.s32 $0xFFFFFFB0  }
0x3a: {  	[spmem:s2] =	stream.indirect.scatter.add.f32 [tilespmem:s17], [sflag:$0xE], $0x80, s18, s31, $0xb8;
	[tilespmem:$0x1E400] =	vst v63  }
0x3b: {  	_ =	swait.ge [sflag:s0], $0x2800  }
0x3c: {  	[sflag:s0] =	ssyncset.done $0x0  }
0x3d: {  	[sflag:s0] =	ssyncadd.s32 $0xFFFFD800  }
0x3e: {  	[bflag:$0x0] =	sbarrier.arrive $0xFFFF  }
0x3f: {  	s21 =	rddreg [dreg:$0x14]  }
0x40: {  	[tilespmem:s17], [sflag:$0xE] =	stream.linear.gather [spmem:s21], $0x2800, $0x38;
	[tilespmem:$0x1E400] =	vst v63  }
0x41: {  	_ =	swait.ge [sflag:s0], $0x2800  }
0x42: {  	[sflag:s0] =	ssyncset.done $0x0  }
0x43: {  	s11 =	rddreg [dreg:$0x4];
	[sflag:s0] =	ssyncadd.s32 $0xFFFFD800  }
0x44: {  	[hbm4b:s11+s3] =	stream.linear.scatter [tilespmem:s17], [sflag:$0x1], $0x2800, $0x38;
	[tilespmem:$0x1E400] =	vst v63  }
0x45: {  	s29 =	simm.s32 $0x2C00;
	s23 =	rddreg [dreg:$0x19]  }
0x46: {  	[tilespmem:s29], [sflag:$0xE] =	stream.linear.gather [spmem:s23], $0x2800, $0x38;
	[tilespmem:$0x1E400] =	vst v63  }
0x47: {  	_ =	swait.ge [sflag:s0], $0x2800  }
0x48: {  	[sflag:s0] =	ssyncset.done $0x0  }
0x49: {  	s5 =	rddreg [dreg:$0x5];
	[sflag:s0] =	ssyncadd.s32 $0xFFFFD800  }
0x4a: {  	[hbm4b:s5+s3] =	stream.linear.scatter [tilespmem:s29], [sflag:$0x2], $0x2800, $0x38;
	[tilespmem:$0x1E400] =	vst v63  }
0x4b: {  	_ =	swait.ge [sflag:s20], $0x2800  }
0x4c: {  	[sflag:s20] =	ssyncset.done $0x0  }
0x4d: {  	[sflag:s20] =	ssyncadd.s32 $0xFFFFD800  }
0x4e: {  	_ =	swait.ge [sflag:s19], $0x2800  }
0x4f: {  	[sflag:s19] =	ssyncset.done $0x0  }
0x50: {  	s22 =	rddreg [dreg:$0x16];
	[sflag:s19] =	ssyncadd.s32 $0xFFFFD800  }
0x51: {  	[tilespmem:s17], [sflag:$0xE] =	stream.linear.gather [spmem:s22], $0x2800, $0x38;
	[tilespmem:$0x1E400] =	vst v63  }
0x52: {  	_ =	swait.ge [sflag:s0], $0x2800  }
0x53: {  	[sflag:s0] =	ssyncset.done $0x0  }
0x54: {  	s12 =	rddreg [dreg:$0x6];
	[sflag:s0] =	ssyncadd.s32 $0xFFFFD800  }
0x55: {  	[hbm4b:s12+s3] =	stream.linear.scatter [tilespmem:s17], [sflag:$0x1], $0x2800, $0x38;
	[tilespmem:$0x1E400] =	vst v63  }
0x56: {  	s13 =	rddreg [dreg:$0x1a]  }
0x57: {  	[tilespmem:s29], [sflag:$0xE] =	stream.linear.gather [spmem:s13], $0x2800, $0x38;
	[tilespmem:$0x1E400] =	vst v63  }
0x58: {  	_ =	swait.ge [sflag:s0], $0x2800  }
0x59: {  	[sflag:s0] =	ssyncset.done $0x0  }
0x5a: {  	s23 =	rddreg [dreg:$0x7];
	[sflag:s0] =	ssyncadd.s32 $0xFFFFD800  }
0x5b: {  	[hbm4b:s23+s3] =	stream.linear.scatter [tilespmem:s29], [sflag:$0x2], $0x2800, $0x38;
	[tilespmem:$0x1E400] =	vst v63  }
0x5c: {  	_ =	swait.ge [sflag:s20], $0x2800  }
0x5d: {  	[sflag:s20] =	ssyncset.done $0x0  }
0x5e: {  	[sflag:s20] =	ssyncadd.s32 $0xFFFFD800  }
0x5f: {  	_ =	swait.ge [sflag:s19], $0x2800  }
0x60: {  	[sflag:s19] =	ssyncset.done $0x0  }
0x61: {  	s28 =	rddreg [dreg:$0x17];
	[sflag:s19] =	ssyncadd.s32 $0xFFFFD800  }
0x62: {  	[tilespmem:s17], [sflag:$0xE] =	stream.linear.gather [spmem:s28], $0x2800, $0x38;
	[tilespmem:$0x1E400] =	vst v63  }
0x63: {  	_ =	swait.ge [sflag:s0], $0x2800  }
0x64: {  	[sflag:s0] =	ssyncset.done $0x0  }
0x65: {  	s5 =	rddreg [dreg:$0x8];
	[sflag:s0] =	ssyncadd.s32 $0xFFFFD800  }
0x66: {  	[hbm4b:s5+s3] =	stream.linear.scatter [tilespmem:s17], [sflag:$0x1], $0x2800, $0x38;
	[tilespmem:$0x1E400] =	vst v63  }
0x67: {  	s12 =	rddreg [dreg:$0x1b]  }
0x68: {  	[tilespmem:s29], [sflag:$0xE] =	stream.linear.gather [spmem:s12], $0x2800, $0x38;
	[tilespmem:$0x1E400] =	vst v63  }
0x69: {  	_ =	swait.ge [sflag:s0], $0x2800  }
0x6a: {  	[sflag:s0] =	ssyncset.done $0x0  }
0x6b: {  	s13 =	rddreg [dreg:$0x9];
	[sflag:s0] =	ssyncadd.s32 $0xFFFFD800  }
0x6c: {  	[hbm4b:s13+s3] =	stream.linear.scatter [tilespmem:s29], [sflag:$0x2], $0x2800, $0x38;
	[tilespmem:$0x1E400] =	vst v63  }
0x6d: {  	_ =	swait.ge [sflag:s20], $0x2800  }
0x6e: {  	[sflag:s20] =	ssyncset.done $0x0  }
0x6f: {  	[sflag:s20] =	ssyncadd.s32 $0xFFFFD800  }
0x70: {  	_ =	swait.ge [sflag:s19], $0x2800  }
0x71: {  	[sflag:s19] =	ssyncset.done $0x0  }
0x72: {  	s12 =	rddreg [dreg:$0x18];
	[sflag:s19] =	ssyncadd.s32 $0xFFFFD800  }
0x73: {  	[tilespmem:s17], [sflag:$0xE] =	stream.linear.gather [spmem:s12], $0x2800, $0x38;
	[tilespmem:$0x1E400] =	vst v63  }
0x74: {  	_ =	swait.ge [sflag:s0], $0x2800  }
0x75: {  	[sflag:s0] =	ssyncset.done $0x0  }
0x76: {  	s23 =	rddreg [dreg:$0xa];
	[sflag:s0] =	ssyncadd.s32 $0xFFFFD800  }
0x77: {  	[hbm4b:s23+s3] =	stream.linear.scatter [tilespmem:s17], [sflag:$0x1], $0x2800, $0x38;
	[tilespmem:$0x1E400] =	vst v63  }
0x78: {  	s5 =	rddreg [dreg:$0x1c]  }
0x79: {  	[tilespmem:s29], [sflag:$0xE] =	stream.linear.gather [spmem:s5], $0x2800, $0x38;
	[tilespmem:$0x1E400] =	vst v63  }
0x7a: {  	_ =	swait.ge [sflag:s0], $0x2800  }
0x7b: {  	[sflag:s0] =	ssyncset.done $0x0  }
0x7c: {  	s13 =	rddreg [dreg:$0xb];
	[sflag:s0] =	ssyncadd.s32 $0xFFFFD800  }
0x7d: {  	[hbm4b:s13+s3] =	stream.linear.scatter [tilespmem:s29], [sflag:$0x2], $0x2800, $0x38;
	[tilespmem:$0x1E400] =	vst v63  }
0x7e: {  	_ =	swait.ge [sflag:s20], $0x2800  }
0x7f: {  	[sflag:s20] =	ssyncset.done $0x0  }
0x80: {  	[sflag:s20] =	ssyncadd.s32 $0xFFFFD800  }
0x81: {  	_ =	swait.ge [sflag:s19], $0x2800  }
0x82: {  	s5 =	sld [smem:$0x7F9];
	_ =	sdelay $0x2  }
0x83: {  	s23 =	rddreg [dreg:$0x15];
	s5 =	sadd.s32 $0x1, s5  }
0x84: {  	p0 =	sne.s32 s5, s23  }
.Ltmp1:
0x85: {  	_ = 	snop;
	(pc) =	sbr.rel @!p0 .LBB2_7-.Ltmp1, $3  }
0x86: {  	_ =	sdelay $0x1  }
0x87: {  	[sflag:s19] =	ssyncset.done $0x0  }
0x88: {  	[sflag:s19] =	ssyncadd.s32 $0xFFFFD800  }
.LBB2_1:
0x89: {  	[smem:$0x7F9] =	sst s5;
	s11 =	simm.s32 $0x0;
	s23 =	simm.s32 $0x200  }
.LBB2_2:
0x8a: {  	p0 =	sne.s32 s23, $0x9E00;
	[tilespmem:s11+$0x470] =	vst v0  }
0x8b: {  	[tilespmem:s11+$0x400] =	vst v0  }
0x8c: {  	[tilespmem:s11+$0x410] =	vst v0  }
.Ltmp2:
0x8d: {  	[tilespmem:s11+$0x420] =	vst v0;
	(pc) =	sbr.rel @p0 .LBB2_2-.Ltmp2, $4  }
0x8e: {  	[tilespmem:s11+$0x430] =	vst v0  }
0x8f: {  	[tilespmem:s11+$0x440] =	vst v0  }
0x90: {  	[tilespmem:s11+$0x450] =	vst v0  }
0x91: {  	[tilespmem:s11+$0x460] =	vst v0;
	s11 =	sshra.s32 s23, $0x2;
	s23 =	sadd.s32 $0x200, s23  }
0x92: {  	[tilespmem:s11+$0x470] =	vst v0  }
0x93: {  	[tilespmem:s11+$0x400] =	vst v0  }
0x94: {  	[tilespmem:s11+$0x410] =	vst v0  }
0x95: {  	[tilespmem:s11+$0x420] =	vst v0  }
0x96: {  	[tilespmem:s11+$0x430] =	vst v0  }
0x97: {  	[tilespmem:s11+$0x440] =	vst v0  }
0x98: {  	[tilespmem:s11+$0x450] =	vst v0  }
0x99: {  	[tilespmem:s11+$0x460] =	vst v0  }
0x9a: {  	[spmem:s21] =	stream.linear.scatter [tilespmem:s17], [sflag:$0xD], $0x2800, $0x38;
	[tilespmem:$0x1E400] =	vst v63  }
0x9b: {  	s21 =	rddreg [dreg:$0x1f]  }
0x9c: {  	[spmem:s21] =	stream.linear.scatter [tilespmem:s17], [sflag:$0xD], $0x2800, $0x38;
	[tilespmem:$0x1E400] =	vst v63  }
0x9d: {  	s23 =	sld [smem:$0x7FB]  }
0x9e: {  	[spmem:s22] =	stream.linear.scatter [tilespmem:s17], [sflag:$0xD], $0x2800, $0x38;
	[tilespmem:$0x1E400] =	vst v63  }
0x9f: {  	_ = 	snop  }
0xa0: {  	[spmem:s23] =	stream.linear.scatter [tilespmem:s17], [sflag:$0xD], $0x2800, $0x38;
	[tilespmem:$0x1E400] =	vst v63  }
0xa1: {  	s5 =	sld [smem:$0x7FC]  }
0xa2: {  	[spmem:s28] =	stream.linear.scatter [tilespmem:s17], [sflag:$0xD], $0x2800, $0x38;
	[tilespmem:$0x1E400] =	vst v63  }
0xa3: {  	_ = 	snop  }
0xa4: {  	[spmem:s5] =	stream.linear.scatter [tilespmem:s17], [sflag:$0xD], $0x2800, $0x38;
	[tilespmem:$0x1E400] =	vst v63  }
0xa5: {  	_ = 	snop  }
0xa6: {  	[spmem:s12] =	stream.linear.scatter [tilespmem:s17], [sflag:$0xD], $0x2800, $0x38;
	[tilespmem:$0x1E400] =	vst v63  }
0xa7: {  	s12 =	sld [smem:$0x7FD];
	_ =	sdelay $0x2  }
0xa8: {  	[spmem:s12] =	stream.linear.scatter [tilespmem:s17], [sflag:$0xD], $0x2800, $0x38;
	[tilespmem:$0x1E400] =	vst v63  }
0xa9: {  	s13 =	rddreg [dreg:$0xe];
	s23 =	simm.s32 $0x0  }
0xaa: {  	[tilespmem:s23], [sflag:$0x5] =	stream.linear.gather [hbm4b:s13+s23], $0x50, $0x38;
	[tilespmem:$0x1E400] =	vst v63  }
0xab: {  	s21 =	rddreg [dreg:$0xf]  }
0xac: {  	[tilespmem:s18], [sflag:$0x9] =	stream.linear.gather [hbm4b:s21+s23], $0x50, $0x38;
	[tilespmem:$0x1E400] =	vst v63  }
0xad: {  	s22 =	rddreg [dreg:$0xc];
	s12 =	simm.s32 $0x80  }
0xae: {  	[tilespmem:s12], [sflag:$0x6] =	stream.linear.gather [hbm4b:s22+s23], $0x50, $0x38;
	[tilespmem:$0x1E400] =	vst v63  }
0xaf: {  	s28 =	rddreg [dreg:$0xd];
	s13 =	simm.s32 $0x280  }
0xb0: {  	[tilespmem:s13], [sflag:$0xA] =	stream.linear.gather [hbm4b:s28+s23], $0x50, $0x38;
	[tilespmem:$0x1E400] =	vst v63  }
0xb1: {  	s5 =	rddreg [dreg:$0x10];
	s13 =	simm.s32 $0x100  }
0xb2: {  	[tilespmem:s13], [sflag:$0x7] =	stream.linear.gather [hbm4b:s5+s23], $0x50, $0x38;
	[tilespmem:$0x1E400] =	vst v63  }
0xb3: {  	s21 =	rddreg [dreg:$0x11];
	s22 =	simm.s32 $0x300  }
0xb4: {  	[tilespmem:s22], [sflag:$0xB] =	stream.linear.gather [hbm4b:s21+s23], $0x50, $0x38;
	[tilespmem:$0x1E400] =	vst v63  }
0xb5: {  	s28 =	rddreg [dreg:$0x12];
	s21 =	simm.s32 $0x180  }
0xb6: {  	[tilespmem:s21], [sflag:$0x8] =	stream.linear.gather [hbm4b:s28+s23], $0x50, $0x38;
	[tilespmem:$0x1E400] =	vst v63  }
0xb7: {  	s5 =	rddreg [dreg:$0x13]  }
0xb8: {  	[tilespmem:s24], [sflag:$0xC] =	stream.linear.gather [hbm4b:s5+s23], $0x50, $0x38;
	[tilespmem:$0x1E400] =	vst v63  }
0xb9: {  	s5 =	simm.s32 $0xD  }
0xba: {  	_ =	swait.ge [sflag:s5], $0x2800  }
0xbb: {  	[sflag:s5] =	ssyncset.done $0x0  }
0xbc: {  	[sflag:s5] =	ssyncadd.s32 $0xFFFFD800  }
0xbd: {  	_ =	swait.ge [sflag:s5], $0x2800  }
0xbe: {  	[sflag:s5] =	ssyncset.done $0x0  }
0xbf: {  	[sflag:s5] =	ssyncadd.s32 $0xFFFFD800  }
0xc0: {  	_ =	swait.ge [sflag:s5], $0x2800  }
0xc1: {  	[sflag:s5] =	ssyncset.done $0x0  }
0xc2: {  	[sflag:s5] =	ssyncadd.s32 $0xFFFFD800  }
0xc3: {  	_ =	swait.ge [sflag:s5], $0x2800  }
0xc4: {  	[sflag:s5] =	ssyncset.done $0x0  }
0xc5: {  	[sflag:s5] =	ssyncadd.s32 $0xFFFFD800  }
0xc6: {  	_ =	swait.ge [sflag:s5], $0x2800  }
0xc7: {  	[sflag:s5] =	ssyncset.done $0x0  }
0xc8: {  	[sflag:s5] =	ssyncadd.s32 $0xFFFFD800  }
0xc9: {  	_ =	swait.ge [sflag:s5], $0x2800  }
0xca: {  	[sflag:s5] =	ssyncset.done $0x0  }
0xcb: {  	[sflag:s5] =	ssyncadd.s32 $0xFFFFD800  }
0xcc: {  	_ =	swait.ge [sflag:s5], $0x2800  }
0xcd: {  	[sflag:s5] =	ssyncset.done $0x0  }
0xce: {  	[sflag:s5] =	ssyncadd.s32 $0xFFFFD800  }
0xcf: {  	_ =	swait.ge [sflag:s5], $0x2800  }
0xd0: {  	[sflag:s5] =	ssyncset.done $0x0  }
0xd1: {  	[sflag:s5] =	ssyncadd.s32 $0xFFFFD800  }
0xd2: {  	[bflag:$0x0] =	sbarrier.arrive $0xFFFF  }
0xd3: {  	_ =	swait.ge [sflag:s30], $0x50  }
0xd4: {  	[sflag:s30] =	ssyncset.done $0x0  }
0xd5: {  	s22 =	simm.s32 $0x6;
	[sflag:s30] =	ssyncadd.s32 $0xFFFFFFB0  }
0xd6: {  	[tilespmem:s17], [sflag:$0x1] =	stream.indirect.gather [hbm4b:s1+s31], $0x80, s23, s31, $0xb8;
	[tilespmem:$0x1E400] =	vst v63  }
0xd7: {  	_ =	swait.ge [sflag:s22], $0x50  }
0xd8: {  	[sflag:s22] =	ssyncset.done $0x0  }
0xd9: {  	s28 =	simm.s32 $0x7;
	[sflag:s22] =	ssyncadd.s32 $0xFFFFFFB0  }
0xda: {  	[tilespmem:s29], [sflag:$0x2] =	stream.indirect.gather [hbm4b:s1+s31], $0x80, s12, s31, $0xb8;
	[tilespmem:$0x1E400] =	vst v63  }
0xdb: {  	_ =	swait.ge [sflag:s28], $0x50  }
0xdc: {  	[sflag:s28] =	ssyncset.done $0x0  }
0xdd: {  	s29 =	simm.s32 $0x5400;
	[sflag:s28] =	ssyncadd.s32 $0xFFFFFFB0  }
0xde: {  	[tilespmem:s29], [sflag:$0x3] =	stream.indirect.gather [hbm4b:s1+s31], $0x80, s13, s31, $0xb8;
	[tilespmem:$0x1E400] =	vst v63  }
0xdf: {  	_ =	swait.ge [sflag:s15], $0x50  }
0xe0: {  	[sflag:s15] =	ssyncset.done $0x0  }
0xe1: {  	s5 =	simm.s32 $0x180;
	s11 =	rddreg [dreg:$0x1e];
	[sflag:s15] =	ssyncadd.s32 $0xFFFFFFB0  }
0xe2: {  	[tilespmem:s10], [sflag:$0x4] =	stream.indirect.gather [hbm4b:s1+s31], $0x80, s21, s31, $0xb8;
	[tilespmem:$0x1E400] =	vst v63  }
.LBB2_4:
0xe3: {  	_ =	swait.ge [sflag:s20], $0x2800  }
0xe4: {  	s28 =	sshrl.u32 s11, $0x3;
	[sflag:s20] =	ssyncset.done $0x0  }
0xe5: {  	s29 =	sadd.s32 s14, s28;
	[sflag:s20] =	ssyncadd.s32 $0xFFFFD800  }
0xe6: {  	[tilespmem:s3], [sflag:$0x5] =	stream.linear.gather [hbm4b:s29+s3], $0x50, $0x38;
	[tilespmem:$0x1E400] =	vst v63  }
0xe7: {  	_ =	swait.ge [sflag:s16], $0x50  }
0xe8: {  	[sflag:s16] =	ssyncset.done $0x0  }
0xe9: {  	[sflag:s16] =	ssyncadd.s32 $0xFFFFFFB0  }
0xea: {  	[spmem:s2] =	stream.indirect.scatter.add.f32 [tilespmem:s17], [sflag:$0xE], $0x80, s18, s31, $0xb8;
	[tilespmem:$0x1E400] =	vst v63  }
0xeb: {  	_ =	swait.ge [sflag:s0], $0x2800  }
0xec: {  	[sflag:s0] =	ssyncset.done $0x0  }
0xed: {  	s28 =	sadd.s32 s4, s28;
	[sflag:s0] =	ssyncadd.s32 $0xFFFFD800  }
0xee: {  	[tilespmem:s18], [sflag:$0x9] =	stream.linear.gather [hbm4b:s28+s3], $0x50, $0x38;
	[tilespmem:$0x1E400] =	vst v63  }
0xef: {  	_ =	swait.ge [sflag:s30], $0x50  }
0xf0: {  	[sflag:s30] =	ssyncset.done $0x0  }
0xf1: {  	[sflag:s30] =	ssyncadd.s32 $0xFFFFFFB0  }
0xf2: {  	[tilespmem:s17], [sflag:$0x1] =	stream.indirect.gather [hbm4b:s1+s31], $0x80, s3, s31, $0xb8;
	[tilespmem:$0x1E400] =	vst v63  }
0xf3: {  	_ =	swait.ge [sflag:s19], $0x2800  }
0xf4: {  	p0 =	seq.s32 s23, $0x4B0;
	[sflag:s19] =	ssyncset.done $0x0  }
0xf5: {  	s28 =	simm.s32 @p0 $0xA;
	[sflag:s19] =	ssyncadd.s32 $0xFFFFD800  }
0xf6: {  	_ =	swait.ge @p0 [sflag:s28], $0x50  }
0xf7: {  	s21 =	simm.s32 @p0 $0x2C00;
	[sflag:s28] =	ssyncset.done @p0 $0x0  }
0xf8: {  	s29 =	simm.s32 @p0 $0x280;
	[sflag:s28] =	ssyncadd.s32 @p0 $0xFFFFFFB0;
	s28 =	simm.s32 @p0 $0x50  }
0xf9: {  	[spmem:s2] =	stream.indirect.scatter.add.f32 @p0 [tilespmem:s21], [sflag:$0xE], $0x80, s29, s28, $0xb8;
	[tilespmem:$0x1E400] =	vst v63  }
0xfa: {  	s21 =	simm.s32 @p0 $0xE  }
0xfb: {  	_ =	swait.ge @p0 [sflag:s21], $0x2800  }
0xfc: {  	[sflag:s21] =	ssyncset.done @p0 $0x0  }
0xfd: {  	[sflag:s21] =	ssyncadd.s32 @p0 $0xFFFFD800;
	s21 =	simm.s32 @p0 $0x3  }
0xfe: {  	_ =	swait.ge @p0 [sflag:s21], $0x2800  }
0xff: {  	s28 =	simm.s32 @!p0 $0x0;
	[sflag:s21] =	ssyncset.done @p0 $0x0  }
0x100: {  	s29 =	simm.s32 @!p0 $0x80;
	[sflag:s21] =	ssyncadd.s32 @p0 $0xFFFFD800;
	s21 =	sadd.s32 @!p0 s23, s9  }
0x101: {  	[tilespmem:s29], [sflag:$0x6] =	stream.linear.gather @!p0 [hbm4b:s21+s28], $0x50, $0x38;
	[tilespmem:$0x1E400] =	vst v63  }
0x102: {  	s21 =	simm.s32 @!p0 $0xA  }
0x103: {  	_ =	swait.ge @!p0 [sflag:s21], $0x50  }
0x104: {  	s22 =	simm.s32 @!p0 $0x280;
	s12 =	simm.s32 @!p0 $0x2C00;
	[sflag:s21] =	ssyncset.done @!p0 $0x0  }
0x105: {  	s13 =	simm.s32 @!p0 $0xE;
	[sflag:s21] =	ssyncadd.s32 @!p0 $0xFFFFFFB0;
	s21 =	simm.s32 @!p0 $0x50  }
0x106: {  	[spmem:s2] =	stream.indirect.scatter.add.f32 @!p0 [tilespmem:s12], [sflag:$0xE], $0x80, s22, s21, $0xb8;
	[tilespmem:$0x1E400] =	vst v63  }
0x107: {  	_ =	swait.ge @!p0 [sflag:s13], $0x2800  }
0x108: {  	[sflag:s13] =	ssyncset.done @!p0 $0x0  }
0x109: {  	[sflag:s13] =	ssyncadd.s32 @!p0 $0xFFFFD800;
	s13 =	sadd.s32 @!p0 s23, s8  }
0x10a: {  	[tilespmem:s22], [sflag:$0xA] =	stream.linear.gather @!p0 [hbm4b:s13+s28], $0x50, $0x38;
	[tilespmem:$0x1E400] =	vst v63  }
0x10b: {  	s13 =	simm.s32 @!p0 $0x6  }
0x10c: {  	_ =	swait.ge @!p0 [sflag:s13], $0x50  }
0x10d: {  	[sflag:s13] =	ssyncset.done @!p0 $0x0  }
0x10e: {  	[sflag:s13] =	ssyncadd.s32 @!p0 $0xFFFFFFB0  }
0x10f: {  	[tilespmem:s12], [sflag:$0x2] =	stream.indirect.gather @!p0 [hbm4b:s1+s21], $0x80, s29, s21, $0xb8;
	[tilespmem:$0x1E400] =	vst v63  }
0x110: {  	s12 =	simm.s32 @!p0 $0x3  }
0x111: {  	_ =	swait.ge @!p0 [sflag:s12], $0x2800  }
0x112: {  	[sflag:s12] =	ssyncset.done @!p0 $0x0  }
0x113: {  	s13 =	simm.s32 @!p0 $0x100;
	[sflag:s12] =	ssyncadd.s32 @!p0 $0xFFFFD800;
	s12 =	sadd.s32 @!p0 s23, s7  }
0x114: {  	[tilespmem:s13], [sflag:$0x7] =	stream.linear.gather @!p0 [hbm4b:s12+s28], $0x50, $0x38;
	[tilespmem:$0x1E400] =	vst v63  }
0x115: {  	_ =	swait.ge [sflag:s25], $0x50  }
0x116: {  	[sflag:s25] =	ssyncset.done $0x0  }
0x117: {  	s22 =	simm.s32 $0x300;
	s29 =	simm.s32 $0x5400;
	[sflag:s25] =	ssyncadd.s32 $0xFFFFFFB0  }
0x118: {  	[spmem:s2] =	stream.indirect.scatter.add.f32 [tilespmem:s29], [sflag:$0xE], $0x80, s22, s31, $0xb8;
	[tilespmem:$0x1E400] =	vst v63  }
0x119: {  	_ =	swait.ge [sflag:s0], $0x2800  }
0x11a: {  	[sflag:s0] =	ssyncset.done $0x0  }
0x11b: {  	s12 =	simm.s32 @p0 $0x4;
	[sflag:s0] =	ssyncadd.s32 $0xFFFFD800  }
0x11c: {  	_ =	swait.ge @p0 [sflag:s12], $0x2800  }
0x11d: {  	[sflag:s12] =	ssyncset.done @p0 $0x0  }
0x11e: {  	s22 =	simm.s32 @!p0 $0x300;
	[sflag:s12] =	ssyncadd.s32 @p0 $0xFFFFD800;
	s12 =	sadd.s32 @!p0 s23, s6  }
0x11f: {  	[tilespmem:s22], [sflag:$0xB] =	stream.linear.gather @!p0 [hbm4b:s12+s28], $0x50, $0x38;
	[tilespmem:$0x1E400] =	vst v63  }
0x120: {  	s12 =	simm.s32 @!p0 $0x7  }
0x121: {  	_ =	swait.ge @!p0 [sflag:s12], $0x50  }
0x122: {  	[sflag:s12] =	ssyncset.done @!p0 $0x0  }
0x123: {  	[sflag:s12] =	ssyncadd.s32 @!p0 $0xFFFFFFB0;
	s12 =	simm.s32 @!p0 $0x5400  }
0x124: {  	[tilespmem:s12], [sflag:$0x3] =	stream.indirect.gather @!p0 [hbm4b:s1+s21], $0x80, s13, s21, $0xb8;
	[tilespmem:$0x1E400] =	vst v63  }
0x125: {  	s12 =	simm.s32 @!p0 $0x4  }
0x126: {  	_ =	swait.ge @!p0 [sflag:s12], $0x2800  }
0x127: {  	[sflag:s12] =	ssyncset.done @!p0 $0x0  }
0x128: {  	[sflag:s12] =	ssyncadd.s32 @!p0 $0xFFFFD800;
	s12 =	sld [smem:$0x7FA];
	_ =	sdelay $0x2  }
0x129: {  	s13 =	simm.s32 @!p0 $0x180;
	s12 =	sadd.s32 @!p0 s23, s12  }
0x12a: {  	[tilespmem:s13], [sflag:$0x8] =	stream.linear.gather @!p0 [hbm4b:s12+s28], $0x50, $0x38;
	[tilespmem:$0x1E400] =	vst v63  }
0x12b: {  	_ =	swait.ge [sflag:s26], $0x50  }
0x12c: {  	[sflag:s26] =	ssyncset.done $0x0  }
.Ltmp3:
0x12d: {  	[sflag:s26] =	ssyncadd.s32 $0xFFFFFFB0;
	(pc) =	sbr.rel @p0 .LBB2_6-.Ltmp3, $4  }
0x12e: {  	[spmem:s2] =	stream.indirect.scatter.add.f32 [tilespmem:s10], [sflag:$0xE], $0x80, s24, s31, $0xb8;
	[tilespmem:$0x1E400] =	vst v63  }
0x12f: {  	_ =	swait.ge [sflag:s0], $0x2800  }
0x130: {  	[sflag:s0] =	ssyncset.done $0x0  }
0x131: {  	[sflag:s0] =	ssyncadd.s32 $0xFFFFD800  }
0x132: {  	s12 =	rddreg [dreg:$0x1d]  }
0x133: {  	s12 =	sadd.s32 s23, s12  }
0x134: {  	[tilespmem:s24], [sflag:$0xC] =	stream.linear.gather [hbm4b:s12+s3], $0x50, $0x38;
	[tilespmem:$0x1E400] =	vst v63  }
.Ltmp4:
0x135: {  	_ = 	snop;
	(pc) =	sbr.rel .LBB2_4-.Ltmp4, $4  }
0x136: {  	_ =	swait.ge [sflag:s15], $0x50  }
0x137: {  	[sflag:s15] =	ssyncset.done $0x0  }
0x138: {  	s11 =	sadd.s32 $0x140, s11;
	s23 =	sadd.s32 $0x28, s23;
	[sflag:s15] =	ssyncadd.s32 $0xFFFFFFB0  }
0x139: {  	[tilespmem:s10], [sflag:$0x4] =	stream.indirect.gather [hbm4b:s1+s31], $0x80, s5, s31, $0xb8;
	[tilespmem:$0x1E400] =	vst v63  }
.LBB2_7:
0x13a: {  	_ =	sfence.sel $0x180000  }
0x13b: {  	[bflag:$0x0] =	sbarrier.arrive $0xFFFF  }
0x13c: {  	_ =	strace $0x90000047  }
0x13d: {  	s0 =	stileid.u32;
	[bflag:$0x2] =	sbarrier.arrive $0xFFFF  }
0x13e: {  	p0 =	sne.s32 s0, $0x0;
	s0 =	rddreg [dreg:$0x3]  }
0x13f: {  	s0 =	sadd.s32 @!p0 $0x100000, s0  }
0x140: {  	[sflag:s0] =	ssyncadd.tile.s32 @!p0 $0x1;
	_ =	shalt  }
.Lfunc_end2:
_tile_overlayer_lowered:
.L_overlay_start_2:
0x141: {  	(tag) =	ssettag $0x2  }
0x142: {  	s0 =	rddreg [dreg:$0x0];
	s2 =	stileid.u32  }
0x143: {  	s1 =	rddreg [dreg:$0x1];
	p0 =	sne.s32 s2, $0x0  }
0x144: {  	s3 =	rddreg [dreg:$0x2];
	[bflag:$0x3] =	sbarrier.arrive $0xFFFF;
	s2 =	simm.s32 @!p0 $0x1C0E  }
0x145: {  	[timem:s3], [sflag:s2] =	dma.local @!p0 [hbm:s0], s1  }
0x146: {  	s0 =	simm.s32 @!p0 $0xE  }
0x147: {  	_ =	swait.ge @!p0 [sflag:s0], s1  }
0x148: {  	s1 =	ssub.s32 @!p0 $0x0, s1;
	[sflag:s0] =	ssyncset.done @!p0 $0x0  }
0x149: {  	[sflag:s0] =	ssyncadd.s32 @!p0 s1  }
0x14a: {  	[bflag:$0x3] =	sbarrier.arrive $0xFFFF  }
0x14b: {  	_ =	shalt  }

// kernel: kernel.9.cloned.1.call-start
scs
__scs_entry_jumppad:
0x0: {  	(pc) =	sbr.rel $0x88, $3  }
0x1: {  	(tag) =	ssettag $0x0;
	lr =	simm.s32 $0x1  }
0x2: {  	[smem:$0x3F90] =	sst lr;
	_ =	strace $0xD0000000  }
0x3: {  	_ = 	snop  }
0x4: {  	_ = 	snop  }
0x5: {  	_ = 	snop  }
0x6: {  	_ = 	snop  }
0x7: {  	_ = 	snop  }
__scs_overlays_trampoline_lowered:
0x8: {  	[smem:$0x3F9F] =	sst s0  }
0x9: {  	[smem:$0x3FA0] =	sst s1  }
0xa: {  	[smem:$0x3FA1] =	sst s2  }
0xb: {  	[smem:$0x3FA2] =	sst s3  }
0xc: {  	[smem:$0x3FA3] =	sst s4  }
0xd: {  	[smem:$0x3FA4] =	sst s5  }
0xe: {  	[smem:$0x3FA5] =	sst s6  }
0xf: {  	[smem:$0x3FA6] =	sst s7  }
0x10: {  	[smem:$0x3FA7] =	sst s8  }
0x11: {  	[smem:$0x3FA8] =	sst s9;
	s0 =	simm.s32 @!p0 $0x0  }
0x12: {  	s1 =	sld [smem:$0x3F8E];
	s0 =	simm.s32 @p0 $0x1  }
0x13: {  	[smem:$0x3FA9] =	sst s0;
	s0 =	simm.s32 @!p1 $0x0  }
0x14: {  	s2 =	sld [smem:$0x3F8D];
	s0 =	simm.s32 @p1 $0x1  }
0x15: {  	[smem:$0x3FAA] =	sst s0;
	s0 =	simm.s32 @!p2 $0x0  }
0x16: {  	s3 =	sld [smem:$0x3FDB];
	s0 =	simm.s32 @p2 $0x1  }
0x17: {  	s4 =	simm.s32 $0x1BF5;
	[smem:$0x3FAC] =	sst s0  }
0x18: {  	s0 =	sld [smem:$0x3F8F];
	_ =	swait.ge [sflag:s4], $0x0  }
0x19: {  	s7 =	sld [smem:$0x3F90]  }
0x1a: {  	s8 =	sadd.s32 $0xFFFFE003, lr  }
0x1b: {  	s9 =	sadd.s32 $0xFFFFFEF7, lr;
	s5 =	simm.s32 $0xFFFFFFFF;
	p2 =	slt.u32 s8, $0xFFFFF086  }
0x1c: {  	p1 =	slt.u32 s9, $0xF7A;
	s5 =	simm.s32 @!p2 $0x0  }
0x1d: {  	s5 =	simm.s32 @p1 $0x1;
	p0 =	seq.s32 s7, s2  }
0x1e: {  	s7 =	smul.u32 @!p0 $0xF7A, s2;
	p2 =	seq.s32 @!p0 s5, $0x0  }
0x1f: {  	s9 =	smul.u32 $0xF7A, s1;
	s8 =	simm.s32 @!p0 $0x1BF5;
	p2 =	por !p2, p0  }
0x20: {  	[sflag:s8] =	ssyncset.s32 @!p0 $0xFFFFF086;
	s6 =	sadd.s32 @!p0 s3, s7;
	s7 =	simm.s32 @!p0 $0x108  }
0x21: {  	s3 =	sadd.s32 s3, s9;
	s6 =	sadd.s32 @!p0 $0x88, s6;
	s7 =	simm.s32 @p2 $0x1082  }
0x22: {  	[simem:s7], [sflag:s8] =	dma.local @!p0 [hbm:s6], $0xF7A  }
0x23: {  	s9 =	sor.u32 $0xD0000000, s2;
	s6 =	simm.s32 $0x108;
	_ =	swait.ge @!p0 [sflag:s8], $0x0  }
0x24: {  	s3 =	sadd.s32 $0x88, s3;
	s6 =	simm.s32 @!p1 $0x1082;
	[sflag:s4] =	ssyncset.s32 $0xFFFFF086  }
0x25: {  	[simem:s6], [sflag:s4] =	dma.local [hbm:s3], $0xF7A  }
0x26: {  	[smem:$0x3F90] =	sst s1;
	(tag) =	ssettag s2;
	_ =	strace s9  }
0x27: {  	s1 =	sld [smem:$0x3FA0]  }
0x28: {  	s2 =	sld [smem:$0x3FA1]  }
0x29: {  	s4 =	sld [smem:$0x3FA3]  }
0x2a: {  	p0 =	seq.s32 s5, $0x0;
	s5 =	sld [smem:$0x3FA4]  }
0x2b: {  	s6 =	sld [smem:$0x3FA5]  }
0x2c: {  	s7 =	sld [smem:$0x3FA6]  }
0x2d: {  	s3 =	simm.s32 $0x108;
	s8 =	sld [smem:$0x3FA7]  }
0x2e: {  	s3 =	simm.s32 @!p0 $0x1082;
	s9 =	sld [smem:$0x3FA8]  }
0x2f: {  	lr =	sadd.s32 s0, s3;
	s0 =	sld [smem:$0x3F9F]  }
0x30: {  	s3 =	sld [smem:$0x3FA2]  }
0x31: {  	[smem:$0x3FAB] =	sst s10  }
0x32: {  	s10 =	sld [smem:$0x3FA9];
	_ =	sdelay $0x3  }
0x33: {  	p0 =	seq.s32 s10, $0x1;
	s10 =	sld [smem:$0x3FAB];
	_ =	sdelay $0x3  }
0x34: {  	[smem:$0x3FAB] =	sst s10  }
0x35: {  	s10 =	sld [smem:$0x3FAA];
	_ =	sdelay $0x3  }
0x36: {  	p1 =	seq.s32 s10, $0x1;
	s10 =	sld [smem:$0x3FAB];
	_ =	sdelay $0x3  }
0x37: {  	[smem:$0x3FAB] =	sst s10  }
0x38: {  	s10 =	sld [smem:$0x3FAC]  }
0x39: {  	_ = 	snop;
	(pc) =	sbr.ind lr, $3  }
0x3a: {  	_ = 	snop  }
0x3b: {  	_ = 	snop  }
0x3c: {  	p2 =	seq.s32 s10, $0x1;
	s10 =	sld [smem:$0x3FAB]  }
0x3d: {  	_ =	shalt  }
0x3e: {  	_ =	shalt  }
0x3f: {  	_ =	shalt  }
0x40: {  	_ =	shalt  }
0x41: {  	_ =	shalt  }
0x42: {  	_ =	shalt  }
0x43: {  	_ =	shalt  }
0x44: {  	_ =	shalt  }
0x45: {  	_ =	shalt  }
0x46: {  	_ =	shalt  }
0x47: {  	_ =	shalt  }
0x48: {  	_ =	shalt  }
0x49: {  	_ =	shalt  }
0x4a: {  	_ =	shalt  }
0x4b: {  	_ =	shalt  }
0x4c: {  	_ =	shalt  }
0x4d: {  	_ =	shalt  }
0x4e: {  	_ =	shalt  }
0x4f: {  	_ =	shalt  }
0x50: {  	_ =	shalt  }
0x51: {  	_ =	shalt  }
0x52: {  	_ =	shalt  }
0x53: {  	_ =	shalt  }
0x54: {  	_ =	shalt  }
0x55: {  	_ =	shalt  }
0x56: {  	_ =	shalt  }
0x57: {  	_ =	shalt  }
0x58: {  	_ =	shalt  }
0x59: {  	_ =	shalt  }
0x5a: {  	_ =	shalt  }
0x5b: {  	_ =	shalt  }
0x5c: {  	_ =	shalt  }
0x5d: {  	_ =	shalt  }
0x5e: {  	_ =	shalt  }
0x5f: {  	_ =	shalt  }
0x60: {  	_ =	shalt  }
0x61: {  	_ =	shalt  }
0x62: {  	_ =	shalt  }
0x63: {  	_ =	shalt  }
0x64: {  	_ =	shalt  }
0x65: {  	_ =	shalt  }
0x66: {  	_ =	shalt  }
0x67: {  	_ =	shalt  }
0x68: {  	_ =	shalt  }
0x69: {  	_ =	shalt  }
0x6a: {  	_ =	shalt  }
0x6b: {  	_ =	shalt  }
0x6c: {  	_ =	shalt  }
0x6d: {  	_ =	shalt  }
0x6e: {  	_ =	shalt  }
0x6f: {  	_ =	shalt  }
0x70: {  	_ =	shalt  }
0x71: {  	_ =	shalt  }
0x72: {  	_ =	shalt  }
0x73: {  	_ =	shalt  }
0x74: {  	_ =	shalt  }
0x75: {  	_ =	shalt  }
0x76: {  	_ =	shalt  }
0x77: {  	_ =	shalt  }
0x78: {  	_ =	shalt  }
0x79: {  	_ =	shalt  }
0x7a: {  	_ =	shalt  }
0x7b: {  	_ =	shalt  }
0x7c: {  	_ =	shalt  }
0x7d: {  	_ =	shalt  }
0x7e: {  	_ =	shalt  }
0x7f: {  	_ =	shalt  }
0x80: {  	_ =	shalt  }
0x81: {  	_ =	shalt  }
0x82: {  	_ =	shalt  }
0x83: {  	_ =	shalt  }
0x84: {  	_ =	shalt  }
0x85: {  	_ =	shalt  }
0x86: {  	_ =	shalt  }
0x87: {  	_ =	shalt  }
.Lfunc_end0:
.L_simem_size_0:
called_computation.1_lowered:
.L_overlay_start_0:
0x88: {  	s2 =	sld [smem:$0x3FD9]  }
0x89: {  	s3 =	sld [smem:$0x3FFE];
	_ =	sdelay $0x1  }
0x8a: {  	s1 =	srdreg.scid  }
0x8b: {  	s0 =	sand.u32 $0x1, s1  }
0x8c: {  	s16 =	sshll.u32 s0, $0xA;
	s2 =	sadd.s32 s3, s2  }
0x8d: {  	s2 =	sadd.s32 s2, s16  }
0x8e: {  	[smem:$0x3FB7] =	sst s2  }
0x8f: {  	_ = 	snop  }
0x90: {  	(tm) =	ssettm $0x1  }
0x91: {  	s17 =	sld [smem:$0x3FFB];
	_ =	sdelay $0x3  }
0x92: {  	_ =	strace s17  }
0x93: {  	s2 =	sld [smem:$0x3FFC];
	_ =	sdelay $0x3  }
0x94: {  	_ =	strace s2  }
0x95: {  	s2 =	sld [smem:$0x3FFD];
	_ =	sdelay $0x3  }
0x96: {  	_ =	strace s2  }
0x97: {  	_ =	strace $0x8FFFFFFF  }
0x98: {  	s18 =	sld [smem:$0x3FDB];
	_ =	sdelay $0x1  }
0x99: {  	s19 =	simm.s32 $_scs_section_size  }
0x9a: {  	s4 =	simm.s32 $_size__tile_overlayer_lowered;
	s5 =	simm.s32 $_tile_overlayer_lowered  }
0x9b: {  	s22 =	simm.s32 $0x1BFF;
	s21 =	sshll.u32 s5, $0x1;
	s2 =	sadd.s32 s19, s18  }
0x9c: {  	s6 =	simm.s32 $0x0;
	s20 =	sshll.u32 s4, $0x1;
	s4 =	sadd.s32 s21, s2  }
0x9d: {  	[timem:s6], [sflag:s22] =	dma.local [hbm:s4], s20  }
0x9e: {  	_ =	swait.ge [sflag:s22], s20  }
0x9f: {  	s3 =	ssub.s32 $0x0, s20;
	[sflag:s22] =	ssyncset.done $0x0  }
0xa0: {  	[sflag:s22] =	ssyncadd.s32 s3;
	_ =	sdelay $0x1  }
0xa1: {  	s23 =	simm.s32 $0x1B8B  }
0xa2: {  	_ =	swait.ge [sflag:s23], $0x1  }
0xa3: {  	[sflag:s23] =	ssyncset.done $0x0  }
0xa4: {  	s25 =	simm.s32 $0x1B8E;
	s24 =	sld [smem:$0x3FFE];
	[sflag:s23] =	ssyncadd.s32 $0xFFFFFFFF  }
0xa5: {  	s26 =	simm.s32 $execute0_lowered;
	[smem:$0x3FD2] =	sst s25  }
0xa6: {  	s4 =	sshll.u32 s26, $0x1;
	_ =	strace $0x80000049;
	[dreg:$0x1] =	wrdreg $0xFFFFFFFF  }
0xa7: {  	s28 =	simm.s32 $_size_execute0_lowered;
	s2 =	sadd.s32 s2, s4;
	[dreg:$0x0] =	wrdreg $0x0  }
0xa8: {  	s4 =	sshll.u32 s28, $0x1;
	[dreg:$0x2] =	wrdreg s2  }
0xa9: {  	[dreg:$0x3] =	wrdreg s4  }
0xaa: {  	[dreg:$0x4] =	wrdreg $0xC0  }
0xab: {  	_ =	task [dreg:s6], $0x5FFFF  }
0xac: {  	[dreg:$0x1] =	wrdreg $0xFFFFFFFF  }
0xad: {  	[dreg:$0x0] =	wrdreg $0x60  }
0xae: {  	[dreg:$0x2] =	wrdreg s24  }
0xaf: {  	[dreg:$0x3] =	wrdreg $0xA4000  }
0xb0: {  	[dreg:$0x4] =	wrdreg $0x9  }
0xb1: {  	_ =	task.clear_ibuf [dreg:s6], $0x5FFFF;
	_ =	strace $0x90000049  }
0xb2: {  	s29 =	simm.s32 $0x9;
	_ =	strace $0x8000004B  }
0xb3: {  	_ =	swait.ge [sflag:s29], $0x1  }
0xb4: {  	[sflag:s29] =	ssyncadd.s32 $0xFFFFFFFF  }
0xb5: {  	_ =	strace $0x9000004B  }
0xb6: {  	_ =	sfence  }
0xb7: {  	s30 =	sld [smem:$0x0];
	_ =	sdelay $0x2  }
0xb8: {  	s31 =	sshll.u32 s1, $0xD;
	s1 =	sshrl.u32 s1, $0x2  }
0xb9: {  	s3 =	sand.u32 $0x4000, s31;
	s1 =	sadd.s32 s1, s30  }
0xba: {  	s0 =	sor.u32 s3, s0;
	s1 =	sshll.u32 s1, $0x11  }
0xbb: {  	s0 =	sor.u32 s1, s0  }
0xbc: {  	s0 =	sadd.s32 $0x8F2B, s0  }
0xbd: {  	[sflag:s0] =	ssyncadd.remote.s32 $0x1  }
0xbe: {  	_ =	sfence.sel $0xFFFF  }
0xbf: {  	[dreg:$0x0] =	wrdreg $0xFFFFFFFF;
	(pc) =	sbr.abs _section_cstart, $3  }
0xc0: {  	[dreg:$0x1] =	wrdreg $0xFFFFFFFF  }
0xc1: {  	_ =	task.clear_ibuf [dreg:s6], $0x2FFFF;
	_ =	strace $0x9FFFFFFF  }
0xc2: {  	(tm) =	ssettm $0x7FFFFFFF  }
0xc3: {  	_ =	shalt  }
tec
execute0_lowered:
.L_overlay_start_1:
0x0: {  	(tag) =	ssettag $0x1  }
0x1: {  	s1 =	rddreg [dreg:$0x0]  }
0x2: {  	s0 =	srdreg.scid;
	s2 =	rddreg [dreg:$0x1]  }
0x3: {  	s19 =	stileid.u32;
	s3 =	simm.s32 $0x0;
	s30 =	simm.s32 $0x5  }
0x4: {  	s31 =	simm.s32 $0x50;
	s0 =	sand.u32 $0x1, s0;
	s9 =	smul.u32 $0x14000, s19  }
0x5: {  	[smem:$0x7FF] =	sst s3;
	s10 =	sadd.s32 $0x3DA00, s1;
	s14 =	smul.u32 $0x2710, s19  }
0x6: {  	s4 =	sshll.u32 s0, $0x4;
	_ =	strace $0x8000004A;
	s7 =	smul.u32 $0x140000, s0  }
0x7: {  	s6 =	ssub.s32 $0x2, s0;
	s0 =	smul.u32 $0x27100, s0;
	s4 =	sor.u32 s19, s4  }
0x8: {  	s8 =	sshrl.u32 s6, $0x1;
	s11 =	sadd.s32 $0xA000, s9;
	s15 =	sadd.s32 $0xF000, s9  }
0x9: {  	s16 =	sor.u32 $0x2800, s9;
	s17 =	sadd.s32 $0x7800, s9;
	s5 =	smul.u32 $0x2710, s4  }
0xa: {  	s4 =	sadd.s32 $0xCA00, s1;
	s6 =	ssub.s32 s6, s8;
	s8 =	sadd.s32 $0x5000, s9  }
0xb: {  	s12 =	sadd.s32 s7, s9;
	s18 =	sadd.s32 s7, s16;
	s21 =	sadd.s32 s7, s17  }
0xc: {  	s22 =	sadd.s32 s7, s11;
	s26 =	sadd.s32 s7, s15;
	s0 =	sadd.s32 s14, s0  }
0xd: {  	s14 =	sadd.s32 $0x16800, s1;
	s28 =	sadd.s32 s15, s2;
	s12 =	sshrl.u32 s12, $0x3  }
0xe: {  	s13 =	sadd.s32 s7, s8;
	s6 =	smax.u32 s6, $0x1;
	[dreg:$0x17] =	wrdreg s28  }
0xf: {  	s5 =	sshrl.u32 s5, $0x3;
	s12 =	sadd.s32 s10, s12;
	[dreg:$0x14] =	wrdreg s6  }
0x10: {  	s13 =	sshrl.u32 s13, $0x3;
	[dreg:$0x3] =	wrdreg s12;
	s12 =	sshrl.u32 s18, $0x3  }
0x11: {  	s20 =	sadd.s32 s10, s13;
	s18 =	sadd.s32 $0xC800, s9;
	s9 =	sadd.s32 $0x11800, s9  }
0x12: {  	s13 =	sshrl.u32 s26, $0x3;
	s12 =	sadd.s32 s10, s12;
	[dreg:$0x5] =	wrdreg s20  }
0x13: {  	s24 =	sadd.s32 s7, s18;
	s29 =	sadd.s32 s10, s13;
	[dreg:$0x4] =	wrdreg s12  }
0x14: {  	s7 =	sadd.s32 s7, s9;
	s15 =	sadd.s32 s9, s2;
	[dreg:$0x9] =	wrdreg s29  }
0x15: {  	s12 =	sshrl.u32 s21, $0x3;
	s21 =	sadd.s32 s4, s5;
	[dreg:$0x1b] =	wrdreg s15  }
0x16: {  	s7 =	sshrl.u32 s7, $0x3;
	s12 =	sadd.s32 s10, s12;
	[dreg:$0xd] =	wrdreg s21  }
0x17: {  	s23 =	sshrl.u32 s22, $0x3;
	s7 =	sadd.s32 s10, s7;
	[dreg:$0x6] =	wrdreg s12  }
0x18: {  	s21 =	sadd.s32 s8, s2;
	s8 =	sadd.s32 s17, s2;
	[dreg:$0xa] =	wrdreg s7  }
0x19: {  	s22 =	sadd.s32 $0x14, s5;
	s25 =	sshrl.u32 s24, $0x3;
	[dreg:$0x19] =	wrdreg s8  }
0x1a: {  	s15 =	simm.s32 $0x8;
	s12 =	sadd.s32 s10, s23;
	[dreg:$0x15] =	wrdreg s21  }
0x1b: {  	s17 =	sadd.s32 $0x1E0, s0;
	s7 =	sadd.s32 s16, s2;
	[dreg:$0x7] =	wrdreg s12  }
0x1c: {  	s23 =	smul.u32 $0x50000, s19;
	s12 =	sadd.s32 s10, s25;
	[dreg:$0x18] =	wrdreg s7  }
0x1d: {  	s10 =	sadd.s32 $0x2C00, s1;
	s25 =	sadd.s32 s4, s22;
	[dreg:$0x8] =	wrdreg s12  }
0x1e: {  	s12 =	sadd.s32 $0xA, s5;
	s24 =	sadd.s32 s10, s5;
	[dreg:$0xf] =	wrdreg s25  }
0x1f: {  	s5 =	sadd.s32 $0x1E, s5;
	s1 =	sadd.s32 s10, s22;
	[dreg:$0xe] =	wrdreg s24  }
0x20: {  	s26 =	sshrl.u32 s23, $0x2;
	s22 =	sadd.s32 s11, s2;
	[dreg:$0x10] =	wrdreg s1  }
0x21: {  	s11 =	sadd.s32 $0x230, s0;
	s13 =	sadd.s32 s4, s12;
	[dreg:$0x16] =	wrdreg s22  }
0x22: {  	s20 =	sadd.s32 s10, s12;
	s29 =	sadd.s32 s4, s5;
	[dreg:$0xb] =	wrdreg s13  }
0x23: {  	s5 =	sadd.s32 s10, s5;
	s12 =	sadd.s32 s26, s2;
	[dreg:$0xc] =	wrdreg s20  }
0x24: {  	s16 =	sshrl.u32 s11, $0x3;
	s11 =	simm.s32 $0x0;
	[dreg:$0x11] =	wrdreg s29  }
0x25: {  	[dreg:$0x12] =	wrdreg s5;
	s13 =	sadd.s32 s18, s2;
	s1 =	sadd.s32 s16, s10  }
0x26: {  	s18 =	sadd.s32 $0x190, s0;
	s19 =	sadd.s32 s16, s4;
	[dreg:$0x13] =	wrdreg s12  }
0x27: {  	s20 =	sshrl.u32 s17, $0x3;
	s0 =	sadd.s32 $0x140, s0;
	[dreg:$0x1a] =	wrdreg s13  }
0x28: {  	s24 =	sadd.s32 $0x2800, s12;
	s25 =	sadd.s32 $0x7800, s12;
	[dreg:$0x1c] =	wrdreg s1  }
0x29: {  	s26 =	sadd.s32 $0xC800, s12;
	s29 =	sadd.s32 $0x11800, s12;
	[smem:$0x7FB] =	sst s19  }
0x2a: {  	s17 =	simm.s32 $0x400;
	s5 =	simm.s32 $0x2C00;
	[dreg:$0x1d] =	wrdreg s0  }
0x2b: {  	s16 =	simm.s32 $0x9;
	s23 =	sshrl.u32 s18, $0x3;
	[dreg:$0x1e] =	wrdreg s24  }
0x2c: {  	s6 =	sadd.s32 s20, s10;
	s7 =	sadd.s32 s20, s4;
	[dreg:$0x1f] =	wrdreg s25  }
.Ltmp0:
0x2d: {  	s1 =	smov.u32 s10;
	[smem:$0x7FC] =	sst s26;
	(pc) =	sbr.rel .LBB2_1-.Ltmp0, $4  }
0x2e: {  	s13 =	smov.u32 s4;
	[smem:$0x7FD] =	sst s29;
	s18 =	simm.s32 $0x200  }
0x2f: {  	s24 =	simm.s32 $0x380;
	s20 =	simm.s32 $0x1;
	s0 =	simm.s32 $0xE  }
0x30: {  	s19 =	simm.s32 $0x2;
	s25 =	simm.s32 $0xB;
	s26 =	simm.s32 $0xC  }
0x31: {  	v0 =	vimm.f32 $0.0e+00;
	s8 =	sadd.s32 s23, s10;
	s9 =	sadd.s32 s23, s4;
	s10 =	simm.s32 $0x7C00  }
.LBB2_6:
0x32: {  	_ =	swait.ge [sflag:s20], $0x2800  }
0x33: {  	[sflag:s20] =	ssyncset.done $0x0  }
0x34: {  	[sflag:s20] =	ssyncadd.s32 $0xFFFFD800  }
0x35: {  	_ =	swait.ge [sflag:s16], $0x50  }
0x36: {  	[sflag:s16] =	ssyncset.done $0x0  }
0x37: {  	[sflag:s16] =	ssyncadd.s32 $0xFFFFFFB0  }
0x38: {  	[spmem:s2] =	stream.indirect.scatter.add.f32 [tilespmem:s17], [sflag:$0xE], $0x80, s18, s31, $0xb8;
	[tilespmem:$0x1E400] =	vst v63  }
0x39: {  	_ =	swait.ge [sflag:s0], $0x2800  }
0x3a: {  	[sflag:s0] =	ssyncset.done $0x0  }
0x3b: {  	[sflag:s0] =	ssyncadd.s32 $0xFFFFD800  }
0x3c: {  	[bflag:$0x0] =	sbarrier.arrive $0xFFFF  }
0x3d: {  	s12 =	rddreg [dreg:$0x13]  }
0x3e: {  	[tilespmem:s17], [sflag:$0xE] =	stream.linear.gather [spmem:s12], $0x2800, $0x38;
	[tilespmem:$0x1E400] =	vst v63  }
0x3f: {  	_ =	swait.ge [sflag:s0], $0x2800  }
0x40: {  	[sflag:s0] =	ssyncset.done $0x0  }
0x41: {  	s4 =	rddreg [dreg:$0x3];
	[sflag:s0] =	ssyncadd.s32 $0xFFFFD800  }
0x42: {  	[hbm4b:s4+s3] =	stream.linear.scatter [tilespmem:s17], [sflag:$0x1], $0x2800, $0x38;
	[tilespmem:$0x1E400] =	vst v63  }
0x43: {  	s5 =	simm.s32 $0x2C00;
	s23 =	rddreg [dreg:$0x18]  }
0x44: {  	[tilespmem:s5], [sflag:$0xE] =	stream.linear.gather [spmem:s23], $0x2800, $0x38;
	[tilespmem:$0x1E400] =	vst v63  }
0x45: {  	_ =	swait.ge [sflag:s0], $0x2800  }
0x46: {  	[sflag:s0] =	ssyncset.done $0x0  }
0x47: {  	s29 =	rddreg [dreg:$0x4];
	[sflag:s0] =	ssyncadd.s32 $0xFFFFD800  }
0x48: {  	[hbm4b:s29+s3] =	stream.linear.scatter [tilespmem:s5], [sflag:$0x2], $0x2800, $0x38;
	[tilespmem:$0x1E400] =	vst v63  }
0x49: {  	_ =	swait.ge [sflag:s20], $0x2800  }
0x4a: {  	[sflag:s20] =	ssyncset.done $0x0  }
0x4b: {  	[sflag:s20] =	ssyncadd.s32 $0xFFFFD800  }
0x4c: {  	_ =	swait.ge [sflag:s19], $0x2800  }
0x4d: {  	[sflag:s19] =	ssyncset.done $0x0  }
0x4e: {  	s21 =	rddreg [dreg:$0x15];
	[sflag:s19] =	ssyncadd.s32 $0xFFFFD800  }
0x4f: {  	[tilespmem:s17], [sflag:$0xE] =	stream.linear.gather [spmem:s21], $0x2800, $0x38;
	[tilespmem:$0x1E400] =	vst v63  }
0x50: {  	_ =	swait.ge [sflag:s0], $0x2800  }
0x51: {  	[sflag:s0] =	ssyncset.done $0x0  }
0x52: {  	s11 =	rddreg [dreg:$0x5];
	[sflag:s0] =	ssyncadd.s32 $0xFFFFD800  }
0x53: {  	[hbm4b:s11+s3] =	stream.linear.scatter [tilespmem:s17], [sflag:$0x1], $0x2800, $0x38;
	[tilespmem:$0x1E400] =	vst v63  }
0x54: {  	s22 =	rddreg [dreg:$0x19]  }
0x55: {  	[tilespmem:s5], [sflag:$0xE] =	stream.linear.gather [spmem:s22], $0x2800, $0x38;
	[tilespmem:$0x1E400] =	vst v63  }
0x56: {  	_ =	swait.ge [sflag:s0], $0x2800  }
0x57: {  	[sflag:s0] =	ssyncset.done $0x0  }
0x58: {  	s23 =	rddreg [dreg:$0x6];
	[sflag:s0] =	ssyncadd.s32 $0xFFFFD800  }
0x59: {  	[hbm4b:s23+s3] =	stream.linear.scatter [tilespmem:s5], [sflag:$0x2], $0x2800, $0x38;
	[tilespmem:$0x1E400] =	vst v63  }
0x5a: {  	_ =	swait.ge [sflag:s20], $0x2800  }
0x5b: {  	[sflag:s20] =	ssyncset.done $0x0  }
0x5c: {  	[sflag:s20] =	ssyncadd.s32 $0xFFFFD800  }
0x5d: {  	_ =	swait.ge [sflag:s19], $0x2800  }
0x5e: {  	[sflag:s19] =	ssyncset.done $0x0  }
0x5f: {  	s22 =	rddreg [dreg:$0x16];
	[sflag:s19] =	ssyncadd.s32 $0xFFFFD800  }
0x60: {  	[tilespmem:s17], [sflag:$0xE] =	stream.linear.gather [spmem:s22], $0x2800, $0x38;
	[tilespmem:$0x1E400] =	vst v63  }
0x61: {  	_ =	swait.ge [sflag:s0], $0x2800  }
0x62: {  	[sflag:s0] =	ssyncset.done $0x0  }
0x63: {  	s29 =	rddreg [dreg:$0x7];
	[sflag:s0] =	ssyncadd.s32 $0xFFFFD800  }
0x64: {  	[hbm4b:s29+s3] =	stream.linear.scatter [tilespmem:s17], [sflag:$0x1], $0x2800, $0x38;
	[tilespmem:$0x1E400] =	vst v63  }
0x65: {  	s11 =	rddreg [dreg:$0x1a]  }
0x66: {  	[tilespmem:s5], [sflag:$0xE] =	stream.linear.gather [spmem:s11], $0x2800, $0x38;
	[tilespmem:$0x1E400] =	vst v63  }
0x67: {  	_ =	swait.ge [sflag:s0], $0x2800  }
0x68: {  	[sflag:s0] =	ssyncset.done $0x0  }
0x69: {  	s23 =	rddreg [dreg:$0x8];
	[sflag:s0] =	ssyncadd.s32 $0xFFFFD800  }
0x6a: {  	[hbm4b:s23+s3] =	stream.linear.scatter [tilespmem:s5], [sflag:$0x2], $0x2800, $0x38;
	[tilespmem:$0x1E400] =	vst v63  }
0x6b: {  	_ =	swait.ge [sflag:s20], $0x2800  }
0x6c: {  	[sflag:s20] =	ssyncset.done $0x0  }
0x6d: {  	[sflag:s20] =	ssyncadd.s32 $0xFFFFD800  }
0x6e: {  	_ =	swait.ge [sflag:s19], $0x2800  }
0x6f: {  	[sflag:s19] =	ssyncset.done $0x0  }
0x70: {  	s28 =	rddreg [dreg:$0x17];
	[sflag:s19] =	ssyncadd.s32 $0xFFFFD800  }
0x71: {  	[tilespmem:s17], [sflag:$0xE] =	stream.linear.gather [spmem:s28], $0x2800, $0x38;
	[tilespmem:$0x1E400] =	vst v63  }
0x72: {  	_ =	swait.ge [sflag:s0], $0x2800  }
0x73: {  	[sflag:s0] =	ssyncset.done $0x0  }
0x74: {  	s29 =	rddreg [dreg:$0x9];
	[sflag:s0] =	ssyncadd.s32 $0xFFFFD800  }
0x75: {  	[hbm4b:s29+s3] =	stream.linear.scatter [tilespmem:s17], [sflag:$0x1], $0x2800, $0x38;
	[tilespmem:$0x1E400] =	vst v63  }
0x76: {  	s11 =	rddreg [dreg:$0x1b]  }
0x77: {  	[tilespmem:s5], [sflag:$0xE] =	stream.linear.gather [spmem:s11], $0x2800, $0x38;
	[tilespmem:$0x1E400] =	vst v63  }
0x78: {  	_ =	swait.ge [sflag:s0], $0x2800  }
0x79: {  	[sflag:s0] =	ssyncset.done $0x0  }
0x7a: {  	s23 =	rddreg [dreg:$0xa];
	[sflag:s0] =	ssyncadd.s32 $0xFFFFD800  }
0x7b: {  	[hbm4b:s23+s3] =	stream.linear.scatter [tilespmem:s5], [sflag:$0x2], $0x2800, $0x38;
	[tilespmem:$0x1E400] =	vst v63  }
0x7c: {  	_ =	swait.ge [sflag:s20], $0x2800  }
0x7d: {  	[sflag:s20] =	ssyncset.done $0x0  }
0x7e: {  	[sflag:s20] =	ssyncadd.s32 $0xFFFFD800  }
0x7f: {  	_ =	swait.ge [sflag:s19], $0x2800  }
0x80: {  	s11 =	sld [smem:$0x7FA];
	_ =	sdelay $0x2  }
0x81: {  	s29 =	rddreg [dreg:$0x14];
	s11 =	sadd.s32 $0x1, s11  }
0x82: {  	p0 =	sne.s32 s11, s29  }
.Ltmp1:
0x83: {  	_ = 	snop;
	(pc) =	sbr.rel @!p0 .LBB2_7-.Ltmp1, $3  }
0x84: {  	_ =	sdelay $0x1  }
0x85: {  	[sflag:s19] =	ssyncset.done $0x0  }
0x86: {  	[sflag:s19] =	ssyncadd.s32 $0xFFFFD800  }
.LBB2_1:
0x87: {  	[smem:$0x7FA] =	sst s11;
	s11 =	simm.s32 $0x0;
	s23 =	simm.s32 $0x200  }
.LBB2_2:
0x88: {  	p0 =	sne.s32 s23, $0x9E00;
	[tilespmem:s11+$0x470] =	vst v0  }
0x89: {  	[tilespmem:s11+$0x400] =	vst v0  }
0x8a: {  	[tilespmem:s11+$0x410] =	vst v0  }
.Ltmp2:
0x8b: {  	[tilespmem:s11+$0x420] =	vst v0;
	(pc) =	sbr.rel @p0 .LBB2_2-.Ltmp2, $4  }
0x8c: {  	[tilespmem:s11+$0x430] =	vst v0  }
0x8d: {  	[tilespmem:s11+$0x440] =	vst v0  }
0x8e: {  	[tilespmem:s11+$0x450] =	vst v0  }
0x8f: {  	[tilespmem:s11+$0x460] =	vst v0;
	s11 =	sshra.s32 s23, $0x2;
	s23 =	sadd.s32 $0x200, s23  }
0x90: {  	[tilespmem:s11+$0x470] =	vst v0  }
0x91: {  	[tilespmem:s11+$0x400] =	vst v0  }
0x92: {  	[tilespmem:s11+$0x410] =	vst v0  }
0x93: {  	[tilespmem:s11+$0x420] =	vst v0  }
0x94: {  	[tilespmem:s11+$0x430] =	vst v0  }
0x95: {  	[tilespmem:s11+$0x440] =	vst v0  }
0x96: {  	[tilespmem:s11+$0x450] =	vst v0  }
0x97: {  	[tilespmem:s11+$0x460] =	vst v0  }
0x98: {  	[spmem:s12] =	stream.linear.scatter [tilespmem:s17], [sflag:$0xD], $0x2800, $0x38;
	[tilespmem:$0x1E400] =	vst v63  }
0x99: {  	s4 =	rddreg [dreg:$0x1e]  }
0x9a: {  	[spmem:s4] =	stream.linear.scatter [tilespmem:s17], [sflag:$0xD], $0x2800, $0x38;
	[tilespmem:$0x1E400] =	vst v63  }
0x9b: {  	_ = 	snop  }
0x9c: {  	[spmem:s21] =	stream.linear.scatter [tilespmem:s17], [sflag:$0xD], $0x2800, $0x38;
	[tilespmem:$0x1E400] =	vst v63  }
0x9d: {  	s11 =	rddreg [dreg:$0x1f]  }
0x9e: {  	[spmem:s11] =	stream.linear.scatter [tilespmem:s17], [sflag:$0xD], $0x2800, $0x38;
	[tilespmem:$0x1E400] =	vst v63  }
0x9f: {  	s12 =	sld [smem:$0x7FC]  }
0xa0: {  	[spmem:s22] =	stream.linear.scatter [tilespmem:s17], [sflag:$0xD], $0x2800, $0x38;
	[tilespmem:$0x1E400] =	vst v63  }
0xa1: {  	_ = 	snop  }
0xa2: {  	[spmem:s12] =	stream.linear.scatter [tilespmem:s17], [sflag:$0xD], $0x2800, $0x38;
	[tilespmem:$0x1E400] =	vst v63  }
0xa3: {  	s21 =	sld [smem:$0x7FD]  }
0xa4: {  	[spmem:s28] =	stream.linear.scatter [tilespmem:s17], [sflag:$0xD], $0x2800, $0x38;
	[tilespmem:$0x1E400] =	vst v63  }
0xa5: {  	_ = 	snop  }
0xa6: {  	[spmem:s21] =	stream.linear.scatter [tilespmem:s17], [sflag:$0xD], $0x2800, $0x38;
	[tilespmem:$0x1E400] =	vst v63  }
0xa7: {  	s23 =	simm.s32 $0x0;
	s22 =	rddreg [dreg:$0xd]  }
0xa8: {  	[tilespmem:s23], [sflag:$0x5] =	stream.linear.gather [hbm4b:s22+s23], $0x50, $0x38;
	[tilespmem:$0x1E400] =	vst v63  }
0xa9: {  	s28 =	rddreg [dreg:$0xe]  }
0xaa: {  	[tilespmem:s18], [sflag:$0x9] =	stream.linear.gather [hbm4b:s28+s23], $0x50, $0x38;
	[tilespmem:$0x1E400] =	vst v63  }
0xab: {  	s29 =	rddreg [dreg:$0xb];
	s11 =	simm.s32 $0x80  }
0xac: {  	[tilespmem:s11], [sflag:$0x6] =	stream.linear.gather [hbm4b:s29+s23], $0x50, $0x38;
	[tilespmem:$0x1E400] =	vst v63  }
0xad: {  	s12 =	rddreg [dreg:$0xc];
	s21 =	simm.s32 $0x280  }
0xae: {  	[tilespmem:s21], [sflag:$0xA] =	stream.linear.gather [hbm4b:s12+s23], $0x50, $0x38;
	[tilespmem:$0x1E400] =	vst v63  }
0xaf: {  	s22 =	rddreg [dreg:$0xf];
	s12 =	simm.s32 $0x100  }
0xb0: {  	[tilespmem:s12], [sflag:$0x7] =	stream.linear.gather [hbm4b:s22+s23], $0x50, $0x38;
	[tilespmem:$0x1E400] =	vst v63  }
0xb1: {  	s28 =	rddreg [dreg:$0x10];
	s29 =	simm.s32 $0x300  }
0xb2: {  	[tilespmem:s29], [sflag:$0xB] =	stream.linear.gather [hbm4b:s28+s23], $0x50, $0x38;
	[tilespmem:$0x1E400] =	vst v63  }
0xb3: {  	s21 =	simm.s32 $0x180;
	s22 =	rddreg [dreg:$0x11]  }
0xb4: {  	[tilespmem:s21], [sflag:$0x8] =	stream.linear.gather [hbm4b:s22+s23], $0x50, $0x38;
	[tilespmem:$0x1E400] =	vst v63  }
0xb5: {  	s28 =	rddreg [dreg:$0x12];
	s29 =	simm.s32 $0xD  }
0xb6: {  	[tilespmem:s24], [sflag:$0xC] =	stream.linear.gather [hbm4b:s28+s23], $0x50, $0x38;
	[tilespmem:$0x1E400] =	vst v63  }
0xb7: {  	_ =	swait.ge [sflag:s29], $0x2800  }
0xb8: {  	[sflag:s29] =	ssyncset.done $0x0  }
0xb9: {  	[sflag:s29] =	ssyncadd.s32 $0xFFFFD800  }
0xba: {  	_ =	swait.ge [sflag:s29], $0x2800  }
0xbb: {  	[sflag:s29] =	ssyncset.done $0x0  }
0xbc: {  	[sflag:s29] =	ssyncadd.s32 $0xFFFFD800  }
0xbd: {  	_ =	swait.ge [sflag:s29], $0x2800  }
0xbe: {  	[sflag:s29] =	ssyncset.done $0x0  }
0xbf: {  	[sflag:s29] =	ssyncadd.s32 $0xFFFFD800  }
0xc0: {  	_ =	swait.ge [sflag:s29], $0x2800  }
0xc1: {  	[sflag:s29] =	ssyncset.done $0x0  }
0xc2: {  	[sflag:s29] =	ssyncadd.s32 $0xFFFFD800  }
0xc3: {  	_ =	swait.ge [sflag:s29], $0x2800  }
0xc4: {  	[sflag:s29] =	ssyncset.done $0x0  }
0xc5: {  	[sflag:s29] =	ssyncadd.s32 $0xFFFFD800  }
0xc6: {  	_ =	swait.ge [sflag:s29], $0x2800  }
0xc7: {  	[sflag:s29] =	ssyncset.done $0x0  }
0xc8: {  	[sflag:s29] =	ssyncadd.s32 $0xFFFFD800  }
0xc9: {  	_ =	swait.ge [sflag:s29], $0x2800  }
0xca: {  	[sflag:s29] =	ssyncset.done $0x0  }
0xcb: {  	[sflag:s29] =	ssyncadd.s32 $0xFFFFD800  }
0xcc: {  	_ =	swait.ge [sflag:s29], $0x2800  }
0xcd: {  	[sflag:s29] =	ssyncset.done $0x0  }
0xce: {  	[sflag:s29] =	ssyncadd.s32 $0xFFFFD800  }
0xcf: {  	[bflag:$0x0] =	sbarrier.arrive $0xFFFF  }
0xd0: {  	_ =	swait.ge [sflag:s30], $0x50  }
0xd1: {  	[sflag:s30] =	ssyncset.done $0x0  }
0xd2: {  	s22 =	simm.s32 $0x6;
	[sflag:s30] =	ssyncadd.s32 $0xFFFFFFB0  }
0xd3: {  	[tilespmem:s17], [sflag:$0x1] =	stream.indirect.gather [hbm4b:s14+s31], $0x80, s23, s31, $0xb8;
	[tilespmem:$0x1E400] =	vst v63  }
0xd4: {  	_ =	swait.ge [sflag:s22], $0x50  }
0xd5: {  	[sflag:s22] =	ssyncset.done $0x0  }
0xd6: {  	s28 =	simm.s32 $0x7;
	[sflag:s22] =	ssyncadd.s32 $0xFFFFFFB0  }
0xd7: {  	[tilespmem:s5], [sflag:$0x2] =	stream.indirect.gather [hbm4b:s14+s31], $0x80, s11, s31, $0xb8;
	[tilespmem:$0x1E400] =	vst v63  }
0xd8: {  	_ =	swait.ge [sflag:s28], $0x50  }
0xd9: {  	[sflag:s28] =	ssyncset.done $0x0  }
0xda: {  	s29 =	simm.s32 $0x5400;
	[sflag:s28] =	ssyncadd.s32 $0xFFFFFFB0  }
0xdb: {  	[tilespmem:s29], [sflag:$0x3] =	stream.indirect.gather [hbm4b:s14+s31], $0x80, s12, s31, $0xb8;
	[tilespmem:$0x1E400] =	vst v63  }
0xdc: {  	_ =	swait.ge [sflag:s15], $0x50  }
0xdd: {  	[sflag:s15] =	ssyncset.done $0x0  }
0xde: {  	s5 =	simm.s32 $0x180;
	s11 =	rddreg [dreg:$0x1d];
	[sflag:s15] =	ssyncadd.s32 $0xFFFFFFB0  }
0xdf: {  	[tilespmem:s10], [sflag:$0x4] =	stream.indirect.gather [hbm4b:s14+s31], $0x80, s21, s31, $0xb8;
	[tilespmem:$0x1E400] =	vst v63  }
.LBB2_4:
0xe0: {  	_ =	swait.ge [sflag:s20], $0x2800  }
0xe1: {  	s28 =	sshrl.u32 s11, $0x3;
	[sflag:s20] =	ssyncset.done $0x0  }
0xe2: {  	s29 =	sadd.s32 s13, s28;
	[sflag:s20] =	ssyncadd.s32 $0xFFFFD800  }
0xe3: {  	[tilespmem:s3], [sflag:$0x5] =	stream.linear.gather [hbm4b:s29+s3], $0x50, $0x38;
	[tilespmem:$0x1E400] =	vst v63  }
0xe4: {  	_ =	swait.ge [sflag:s16], $0x50  }
0xe5: {  	[sflag:s16] =	ssyncset.done $0x0  }
0xe6: {  	[sflag:s16] =	ssyncadd.s32 $0xFFFFFFB0  }
0xe7: {  	[spmem:s2] =	stream.indirect.scatter.add.f32 [tilespmem:s17], [sflag:$0xE], $0x80, s18, s31, $0xb8;
	[tilespmem:$0x1E400] =	vst v63  }
0xe8: {  	_ =	swait.ge [sflag:s0], $0x2800  }
0xe9: {  	[sflag:s0] =	ssyncset.done $0x0  }
0xea: {  	s28 =	sadd.s32 s1, s28;
	[sflag:s0] =	ssyncadd.s32 $0xFFFFD800  }
0xeb: {  	[tilespmem:s18], [sflag:$0x9] =	stream.linear.gather [hbm4b:s28+s3], $0x50, $0x38;
	[tilespmem:$0x1E400] =	vst v63  }
0xec: {  	_ =	swait.ge [sflag:s30], $0x50  }
0xed: {  	[sflag:s30] =	ssyncset.done $0x0  }
0xee: {  	[sflag:s30] =	ssyncadd.s32 $0xFFFFFFB0  }
0xef: {  	[tilespmem:s17], [sflag:$0x1] =	stream.indirect.gather [hbm4b:s14+s31], $0x80, s3, s31, $0xb8;
	[tilespmem:$0x1E400] =	vst v63  }
0xf0: {  	_ =	swait.ge [sflag:s19], $0x2800  }
0xf1: {  	p0 =	seq.s32 s23, $0x4B0;
	[sflag:s19] =	ssyncset.done $0x0  }
0xf2: {  	s28 =	simm.s32 @p0 $0xA;
	[sflag:s19] =	ssyncadd.s32 $0xFFFFD800  }
0xf3: {  	_ =	swait.ge @p0 [sflag:s28], $0x50  }
0xf4: {  	s21 =	simm.s32 @p0 $0x2C00;
	[sflag:s28] =	ssyncset.done @p0 $0x0  }
0xf5: {  	s29 =	simm.s32 @p0 $0x280;
	[sflag:s28] =	ssyncadd.s32 @p0 $0xFFFFFFB0;
	s28 =	simm.s32 @p0 $0x50  }
0xf6: {  	[spmem:s2] =	stream.indirect.scatter.add.f32 @p0 [tilespmem:s21], [sflag:$0xE], $0x80, s29, s28, $0xb8;
	[tilespmem:$0x1E400] =	vst v63  }
0xf7: {  	s21 =	simm.s32 @p0 $0xE  }
0xf8: {  	_ =	swait.ge @p0 [sflag:s21], $0x2800  }
0xf9: {  	[sflag:s21] =	ssyncset.done @p0 $0x0  }
0xfa: {  	[sflag:s21] =	ssyncadd.s32 @p0 $0xFFFFD800;
	s21 =	simm.s32 @p0 $0x3  }
0xfb: {  	_ =	swait.ge @p0 [sflag:s21], $0x2800  }
0xfc: {  	s28 =	simm.s32 @!p0 $0x0;
	[sflag:s21] =	ssyncset.done @p0 $0x0  }
0xfd: {  	s29 =	simm.s32 @!p0 $0x80;
	[sflag:s21] =	ssyncadd.s32 @p0 $0xFFFFD800;
	s21 =	sadd.s32 @!p0 s23, s9  }
0xfe: {  	[tilespmem:s29], [sflag:$0x6] =	stream.linear.gather @!p0 [hbm4b:s21+s28], $0x50, $0x38;
	[tilespmem:$0x1E400] =	vst v63  }
0xff: {  	s21 =	simm.s32 @!p0 $0xA  }
0x100: {  	_ =	swait.ge @!p0 [sflag:s21], $0x50  }
0x101: {  	s22 =	simm.s32 @!p0 $0x280;
	s12 =	simm.s32 @!p0 $0x2C00;
	[sflag:s21] =	ssyncset.done @!p0 $0x0  }
0x102: {  	s4 =	simm.s32 @!p0 $0xE;
	[sflag:s21] =	ssyncadd.s32 @!p0 $0xFFFFFFB0;
	s21 =	simm.s32 @!p0 $0x50  }
0x103: {  	[spmem:s2] =	stream.indirect.scatter.add.f32 @!p0 [tilespmem:s12], [sflag:$0xE], $0x80, s22, s21, $0xb8;
	[tilespmem:$0x1E400] =	vst v63  }
0x104: {  	_ =	swait.ge @!p0 [sflag:s4], $0x2800  }
0x105: {  	[sflag:s4] =	ssyncset.done @!p0 $0x0  }
0x106: {  	[sflag:s4] =	ssyncadd.s32 @!p0 $0xFFFFD800;
	s4 =	sadd.s32 @!p0 s23, s8  }
0x107: {  	[tilespmem:s22], [sflag:$0xA] =	stream.linear.gather @!p0 [hbm4b:s4+s28], $0x50, $0x38;
	[tilespmem:$0x1E400] =	vst v63  }
0x108: {  	s4 =	simm.s32 @!p0 $0x6  }
0x109: {  	_ =	swait.ge @!p0 [sflag:s4], $0x50  }
0x10a: {  	[sflag:s4] =	ssyncset.done @!p0 $0x0  }
0x10b: {  	[sflag:s4] =	ssyncadd.s32 @!p0 $0xFFFFFFB0;
	s4 =	simm.s32 @!p0 $0x3  }
0x10c: {  	[tilespmem:s12], [sflag:$0x2] =	stream.indirect.gather @!p0 [hbm4b:s14+s21], $0x80, s29, s21, $0xb8;
	[tilespmem:$0x1E400] =	vst v63  }
0x10d: {  	_ =	swait.ge @!p0 [sflag:s4], $0x2800  }
0x10e: {  	[sflag:s4] =	ssyncset.done @!p0 $0x0  }
0x10f: {  	s12 =	simm.s32 @!p0 $0x100;
	[sflag:s4] =	ssyncadd.s32 @!p0 $0xFFFFD800;
	s4 =	sadd.s32 @!p0 s23, s7  }
0x110: {  	[tilespmem:s12], [sflag:$0x7] =	stream.linear.gather @!p0 [hbm4b:s4+s28], $0x50, $0x38;
	[tilespmem:$0x1E400] =	vst v63  }
0x111: {  	_ =	swait.ge [sflag:s25], $0x50  }
0x112: {  	[sflag:s25] =	ssyncset.done $0x0  }
0x113: {  	s22 =	simm.s32 $0x300;
	s29 =	simm.s32 $0x5400;
	[sflag:s25] =	ssyncadd.s32 $0xFFFFFFB0  }
0x114: {  	[spmem:s2] =	stream.indirect.scatter.add.f32 [tilespmem:s29], [sflag:$0xE], $0x80, s22, s31, $0xb8;
	[tilespmem:$0x1E400] =	vst v63  }
0x115: {  	_ =	swait.ge [sflag:s0], $0x2800  }
0x116: {  	[sflag:s0] =	ssyncset.done $0x0  }
0x117: {  	s4 =	simm.s32 @p0 $0x4;
	[sflag:s0] =	ssyncadd.s32 $0xFFFFD800  }
0x118: {  	_ =	swait.ge @p0 [sflag:s4], $0x2800  }
0x119: {  	[sflag:s4] =	ssyncset.done @p0 $0x0  }
0x11a: {  	s22 =	simm.s32 @!p0 $0x300;
	[sflag:s4] =	ssyncadd.s32 @p0 $0xFFFFD800;
	s4 =	sadd.s32 @!p0 s23, s6  }
0x11b: {  	[tilespmem:s22], [sflag:$0xB] =	stream.linear.gather @!p0 [hbm4b:s4+s28], $0x50, $0x38;
	[tilespmem:$0x1E400] =	vst v63  }
0x11c: {  	s4 =	simm.s32 @!p0 $0x7  }
0x11d: {  	_ =	swait.ge @!p0 [sflag:s4], $0x50  }
0x11e: {  	[sflag:s4] =	ssyncset.done @!p0 $0x0  }
0x11f: {  	[sflag:s4] =	ssyncadd.s32 @!p0 $0xFFFFFFB0;
	s4 =	simm.s32 @!p0 $0x5400  }
0x120: {  	[tilespmem:s4], [sflag:$0x3] =	stream.indirect.gather @!p0 [hbm4b:s14+s21], $0x80, s12, s21, $0xb8;
	[tilespmem:$0x1E400] =	vst v63  }
0x121: {  	s4 =	simm.s32 @!p0 $0x4  }
0x122: {  	_ =	swait.ge @!p0 [sflag:s4], $0x2800  }
0x123: {  	[sflag:s4] =	ssyncset.done @!p0 $0x0  }
0x124: {  	[sflag:s4] =	ssyncadd.s32 @!p0 $0xFFFFD800;
	s4 =	sld [smem:$0x7FB];
	_ =	sdelay $0x2  }
0x125: {  	s12 =	simm.s32 @!p0 $0x180;
	s4 =	sadd.s32 @!p0 s23, s4  }
0x126: {  	[tilespmem:s12], [sflag:$0x8] =	stream.linear.gather @!p0 [hbm4b:s4+s28], $0x50, $0x38;
	[tilespmem:$0x1E400] =	vst v63  }
0x127: {  	_ =	swait.ge [sflag:s26], $0x50  }
0x128: {  	[sflag:s26] =	ssyncset.done $0x0  }
.Ltmp3:
0x129: {  	[sflag:s26] =	ssyncadd.s32 $0xFFFFFFB0;
	(pc) =	sbr.rel @p0 .LBB2_6-.Ltmp3, $4  }
0x12a: {  	[spmem:s2] =	stream.indirect.scatter.add.f32 [tilespmem:s10], [sflag:$0xE], $0x80, s24, s31, $0xb8;
	[tilespmem:$0x1E400] =	vst v63  }
0x12b: {  	_ =	swait.ge [sflag:s0], $0x2800  }
0x12c: {  	[sflag:s0] =	ssyncset.done $0x0  }
0x12d: {  	[sflag:s0] =	ssyncadd.s32 $0xFFFFD800  }
0x12e: {  	s4 =	rddreg [dreg:$0x1c]  }
0x12f: {  	s4 =	sadd.s32 s23, s4  }
0x130: {  	[tilespmem:s24], [sflag:$0xC] =	stream.linear.gather [hbm4b:s4+s3], $0x50, $0x38;
	[tilespmem:$0x1E400] =	vst v63  }
.Ltmp4:
0x131: {  	_ = 	snop;
	(pc) =	sbr.rel .LBB2_4-.Ltmp4, $4  }
0x132: {  	_ =	swait.ge [sflag:s15], $0x50  }
0x133: {  	[sflag:s15] =	ssyncset.done $0x0  }
0x134: {  	s11 =	sadd.s32 $0x140, s11;
	s23 =	sadd.s32 $0x28, s23;
	[sflag:s15] =	ssyncadd.s32 $0xFFFFFFB0  }
0x135: {  	[tilespmem:s10], [sflag:$0x4] =	stream.indirect.gather [hbm4b:s14+s31], $0x80, s5, s31, $0xb8;
	[tilespmem:$0x1E400] =	vst v63  }
.LBB2_7:
0x136: {  	_ =	sfence.sel $0x180000  }
0x137: {  	[bflag:$0x0] =	sbarrier.arrive $0xFFFF  }
0x138: {  	_ =	strace $0x9000004A  }
0x139: {  	s0 =	stileid.u32;
	[bflag:$0x2] =	sbarrier.arrive $0xFFFF  }
0x13a: {  	p0 =	sne.s32 s0, $0x0;
	s0 =	rddreg [dreg:$0x2]  }
0x13b: {  	s0 =	sadd.s32 @!p0 $0x100000, s0  }
0x13c: {  	[sflag:s0] =	ssyncadd.tile.s32 @!p0 $0x1;
	_ =	shalt  }
.Lfunc_end2:
_tile_overlayer_lowered:
.L_overlay_start_2:
0x13d: {  	(tag) =	ssettag $0x2  }
0x13e: {  	s0 =	rddreg [dreg:$0x0];
	s2 =	stileid.u32  }
0x13f: {  	s1 =	rddreg [dreg:$0x1];
	p0 =	sne.s32 s2, $0x0  }
0x140: {  	s3 =	rddreg [dreg:$0x2];
	[bflag:$0x3] =	sbarrier.arrive $0xFFFF;
	s2 =	simm.s32 @!p0 $0x1C0E  }
0x141: {  	[timem:s3], [sflag:s2] =	dma.local @!p0 [hbm:s0], s1  }
0x142: {  	s0 =	simm.s32 @!p0 $0xE  }
0x143: {  	_ =	swait.ge @!p0 [sflag:s0], s1  }
0x144: {  	s1 =	ssub.s32 @!p0 $0x0, s1;
	[sflag:s0] =	ssyncset.done @!p0 $0x0  }
0x145: {  	[sflag:s0] =	ssyncadd.s32 @!p0 s1  }
0x146: {  	[bflag:$0x3] =	sbarrier.arrive $0xFFFF  }
0x147: {  	_ =	shalt  }

</sc_bundles>
